<compile_context>
chip_gen: v7x
topology: tpu7x:2x2x1
jax: 0.10.2.dev20260603
libtpu: 0.0.44.dev20260713+nightly
codegen_flags: <defaults>
</compile_context>

<pallas_src>
import functools

import jax
import jax.numpy as jnp
from jax import lax
from jax.experimental import pallas as pl
from jax.experimental.pallas import tpu as pltpu
from jax.experimental.pallas import tpu_sc as plsc

NC = 2
NS = 16
NW = NC * NS
L = 16


def _vgather16(vec, idx):
  return lax.gather(
      vec,
      idx[:, None],
      lax.GatherDimensionNumbers(
          offset_dims=(), collapsed_slice_dims=(0,), start_index_map=(0,)),
      slice_sizes=(1,),
      mode=lax.GatherScatterMode.PROMISE_IN_BOUNDS,
  )


def _make_sc_partials(n, ch, nchunk, rem):
  base = nchunk * ch

  def body(ftf_hbm, lab_hbm, cen_hbm, out_hbm,
           fxb0, fxb1, fyb0, fyb1, lb0, lb1, cbuf, asq, act, sem0, sem1):
    c = lax.axis_index("c")
    s = lax.axis_index("s")
    wid = s * NC + c
    sems = (sem0, sem1)
    fxbuf = (fxb0, fxb1)
    fybuf = (fyb0, fyb1)
    lbuf = (lb0, lb1)

    pltpu.sync_copy(cen_hbm, cbuf)
    zeros = jnp.zeros((L,), jnp.float32)
    ones = jnp.ones((L,), jnp.float32)
    iota = lax.iota(jnp.int32, L)
    lane17 = iota * 17
    for k in range(17):
      asq[pl.ds(16 * k, 16)] = zeros
      act[pl.ds(16 * k, 16)] = zeros
    cxv = cbuf[pl.ds(0, 16)]
    cyv = cbuf[pl.ds(16, 16)]

    def group(fxr, fyr, lr, g):
      lv = lr[pl.ds(g * 16, 16)]
      li = lv.astype(jnp.int32)
      fx = fxr[pl.ds(g * 16, 16)]
      fy = fyr[pl.ds(g * 16, 16)]
      cx = _vgather16(cxv, li)
      cy = _vgather16(cyv, li)
      dx = fx - cx
      dy = fy - cy
      sq = dx * dx + dy * dy
      sidx = lane17 + li
      plsc.addupdate_scatter(asq, [sidx], sq)
      plsc.addupdate_scatter(act, [sidx], ones)

    def start(k):
      cbase = wid * base + k * ch
      sl = k % 2
      return (
          pltpu.async_copy(lab_hbm.at[pl.ds(cbase, ch)], lbuf[sl], sems[sl]),
          pltpu.async_copy(ftf_hbm.at[pl.ds(cbase, ch)], fxbuf[sl],
                           sems[sl]),
          pltpu.async_copy(ftf_hbm.at[pl.ds(n + cbase, ch)], fybuf[sl],
                           sems[sl]),
      )

    handles = start(0)
    for k in range(nchunk):
      sl = k % 2
      nxt = start(k + 1) if k + 1 < nchunk else None
      for h in handles:
        h.wait()
      handles = nxt

      @plsc.parallel_loop(0, ch // 16, 1, unroll=8)
      def _grp(g):
        group(fxbuf[sl], fybuf[sl], lbuf[sl], g)

    if rem:
      @pl.when(wid == 0)
      def _tail():
        tbase = NW * base
        pltpu.sync_copy(lab_hbm.at[pl.ds(tbase, rem)],
                        lbuf[0].at[pl.ds(0, rem)])
        pltpu.sync_copy(ftf_hbm.at[pl.ds(tbase, rem)],
                        fxbuf[0].at[pl.ds(0, rem)])
        pltpu.sync_copy(ftf_hbm.at[pl.ds(n + tbase, rem)],
                        fybuf[0].at[pl.ds(0, rem)])

        def g_body(g, carry2):
          group(fxbuf[0], fybuf[0], lbuf[0], g)
          return carry2

        lax.fori_loop(0, rem // 16, g_body, 0)

    vsq = zeros
    vct = zeros
    for l in range(16):
      vsq = vsq + plsc.load_gather(asq, [iota + 17 * l])
      vct = vct + plsc.load_gather(act, [iota + 17 * l])
    cbuf[pl.ds(0, 16)] = vsq
    cbuf[pl.ds(16, 16)] = vct
    pltpu.sync_copy(cbuf.at[pl.ds(0, 16)], out_hbm.at[pl.ds(16 * wid, 16)])
    pltpu.sync_copy(cbuf.at[pl.ds(16, 16)],
                    out_hbm.at[pl.ds(16 * NW + 16 * wid, 16)])

  mesh = plsc.VectorSubcoreMesh(
      core_axis_name="c", subcore_axis_name="s", num_cores=NC,
      num_subcores=NS)
  return pl.kernel(
      body,
      out_type=jax.ShapeDtypeStruct((2 * 16 * NW,), jnp.float32),
      mesh=mesh,
      compiler_params=pltpu.CompilerParams(needs_layout_passes=False),
      scratch_types=[
          pltpu.VMEM((ch,), jnp.float32),
          pltpu.VMEM((ch,), jnp.float32),
          pltpu.VMEM((ch,), jnp.float32),
          pltpu.VMEM((ch,), jnp.float32),
          pltpu.VMEM((ch,), jnp.float32),
          pltpu.VMEM((ch,), jnp.float32),
          pltpu.VMEM((32,), jnp.float32),
          pltpu.VMEM((16 * 17,), jnp.float32),
          pltpu.VMEM((16 * 17,), jnp.float32),
          pltpu.SemaphoreType.DMA,
          pltpu.SemaphoreType.DMA,
      ],
  )


def _combine_kernel(n, part_ref, lam_ref, o_ref):
  x = part_ref[...]
  row = lax.broadcasted_iota(jnp.int32, (8, 128), 0)
  col = lax.broadcasted_iota(jnp.int32, (8, 128), 1)
  cls = col % 16
  is_sq = row < 4
  sq_x = jnp.where(is_sq, x, 0.0)
  ct_x = jnp.where(is_sq, 0.0, x)
  total = jnp.float32(0.0)
  for c in range(16):
    m = cls == c
    s_c = jnp.sum(jnp.where(m, sq_x, 0.0))
    t_c = jnp.sum(jnp.where(m, ct_x, 0.0))
    total += jnp.where(t_c > 0, s_c / jnp.maximum(t_c, 1.0), 0.0)
  loss = lam_ref[0, 0] * (0.5 / n) * total
  o_ref[...] = jnp.broadcast_to(loss, (1, 1))


def kernel(feature, label, lambdas, center):
  n = label.shape[0]
  nclass = center.shape[0]
  assert nclass <= 16
  base = (n // (NW * 8)) * 8
  rem = n - NW * base
  assert rem % 16 == 0
  ch = 16
  for d in range(12288, 15, -16):
    if base % d == 0:
      ch = d
      break
  nchunk = base // ch

  ftf = feature.T.reshape(-1)
  cen_cols = jnp.zeros((2, 16), jnp.float32).at[:, :nclass].set(
      center.T.astype(jnp.float32)).reshape(-1)

  partials = _make_sc_partials(n, ch, nchunk, rem)(ftf, label, cen_cols)

  lam = jnp.asarray(lambdas, jnp.float32).reshape(1, 1)
  loss = pl.pallas_call(
      functools.partial(_combine_kernel, n),
      out_shape=jax.ShapeDtypeStruct((1, 1), jnp.float32),
      in_specs=[
          pl.BlockSpec(memory_space=pltpu.VMEM),
          pl.BlockSpec(memory_space=pltpu.SMEM),
      ],
      out_specs=pl.BlockSpec(memory_space=pltpu.VMEM),
  )(partials.reshape(8, 128), lam)
  return loss[0, 0]

# --- scband reference (transcript-rebuilt; emitter-appended) ---
"""Pipeline reference for scband-centerloss-net-9242769621384 (READ-ONLY COPY).

The authoritative reference and input builder live on the scoring server;
editing this copy changes nothing except your own understanding.
"""

import jax, jax.numpy as jnp
import numpy as np


def setup_inputs(seed: int = 0) -> dict:
    key = jax.random.key(seed)
    k1, k2, k3 = jax.random.split(key, 3)
    N = 2000000
    feature = jax.random.normal(k1, (N, 2), dtype=jnp.float32)
    label = jax.random.randint(k2, (N,), 0, 10).astype(jnp.float32)
    lambdas = jnp.array(1.0, dtype=jnp.float32)
    center = jax.random.normal(k3, (10, 2), dtype=jnp.float32)
    return {"feature": feature, "label": label, "lambdas": lambdas, "center": center}


def reference(feature, label, lambdas, center):
    label_int = label.astype(jnp.int32)
    # center.index_select(0, label)
    center_exp = jnp.take(center, label_int, axis=0)
    # torch.histc(label, bins=max(label)+1, min=0, max=max(label)) for integer-valued
    # float labels is equivalent to a bincount over [0, max].
    bins = center.shape[0]
    count = jnp.bincount(label_int, length=bins).astype(feature.dtype)
    count_exp = jnp.take(count, label_int, axis=0)
    sq = jnp.sum(jnp.power(feature - center_exp, 2), axis=1)
    center_loss = lambdas / 2 * jnp.mean(jnp.divide(sq, count_exp))
    return center_loss

if __name__ == "__main__":
    import jax
    _d = setup_inputs()
    print(jax.jit(kernel)(*tuple(_d.values())))

</pallas_src>

<mosaic_0001>
#map = affine_map<(d0, d1) -> (0)>
module attributes {stable_mosaic.version = 14 : i64} {
  func.func @body(%arg0: i32, %arg1: i32, %arg2: memref<4000000xf32, #tpu.memory_space<hbm>>, %arg3: memref<2000000xf32, #tpu.memory_space<hbm>>, %arg4: memref<32xf32, #tpu.memory_space<hbm>>, %arg5: memref<1024xf32, #tpu.memory_space<hbm>>, %arg6: memref<10416xf32, #tpu.memory_space<vmem>>, %arg7: memref<10416xf32, #tpu.memory_space<vmem>>, %arg8: memref<10416xf32, #tpu.memory_space<vmem>>, %arg9: memref<10416xf32, #tpu.memory_space<vmem>>, %arg10: memref<10416xf32, #tpu.memory_space<vmem>>, %arg11: memref<10416xf32, #tpu.memory_space<vmem>>, %arg12: memref<32xf32, #tpu.memory_space<vmem>>, %arg13: memref<272xf32, #tpu.memory_space<vmem>>, %arg14: memref<272xf32, #tpu.memory_space<vmem>>, %arg15: memref<!tpu.dma_semaphore, #tpu.memory_space<semaphore_mem>>, %arg16: memref<!tpu.dma_semaphore, #tpu.memory_space<semaphore_mem>>) attributes {dimension_semantics = [#tpu.dimension_semantics<core_parallel>, #tpu.dimension_semantics<subcore_parallel>], iteration_bounds = array<i64: 2, 16>, scalar_prefetch = 0 : i64, scratch_operands = 11 : i64, tpu.core_type = #tpu.core_type<sc_vector_subcore>, window_params = [{transform_indices = #map}, {transform_indices = #map}, {transform_indices = #map}, {transform_indices = #map}]} {
    %mul3A = arith.constant 2 : i32
    %mul3A_0 = arith.muli %arg1, %mul3A : i32
    %add3A = arith.addi %mul3A_0, %arg0 : i32
    "tpu.region"() ({
      %run_scoped3A = tpu.sem_alloc : memref<!tpu.dma_semaphore, #tpu.memory_space<semaphore_mem>>
      tpu.enqueue_dma source(%arg4 : memref<32xf32, #tpu.memory_space<hbm>>) target(%arg12 : memref<32xf32, #tpu.memory_space<vmem>>) target_semaphore(%run_scoped3A : memref<!tpu.dma_semaphore, #tpu.memory_space<semaphore_mem>>)
      tpu.wait_dma2 semaphore(%run_scoped3A : memref<!tpu.dma_semaphore, #tpu.memory_space<semaphore_mem>>) src(%arg4 : memref<32xf32, #tpu.memory_space<hbm>>) dst(%arg12 : memref<32xf32, #tpu.memory_space<vmem>>)
      tpu.yield
    }) : () -> ()
    %broadcast_in_dim3A = arith.constant 0.000000e+00 : f32
    %broadcast_in_dim3A_1 = vector.broadcast %broadcast_in_dim3A : f32 to vector<16xf32>
    %broadcast_in_dim3A_2 = arith.constant 1.000000e+00 : f32
    %broadcast_in_dim3A_3 = vector.broadcast %broadcast_in_dim3A_2 : f32 to vector<16xf32>
    %iota3A = tpu.iota {dimensions = array<i32: 0>} : vector<16xi32>
    %mul3A_4 = arith.constant 17 : i32
    %mul3A_5 = vector.broadcast %mul3A_4 : i32 to vector<16xi32>
    %mul3A_6 = arith.muli %iota3A, %mul3A_5 : vector<16xi32>
    %swap3A = arith.constant 0 : index
    %swap3A_7 = tpu.vector_load %arg13[%swap3A] {strides = array<i32>} : memref<272xf32, #tpu.memory_space<vmem>>, vector<16xf32>,
    tpu.vector_store %arg13[%swap3A], %broadcast_in_dim3A_1 {strides = array<i32>} : memref<272xf32, #tpu.memory_space<vmem>>, vector<16xf32>,
    %swap3A_8 = arith.constant 0 : index
    %swap3A_9 = tpu.vector_load %arg14[%swap3A_8] {strides = array<i32>} : memref<272xf32, #tpu.memory_space<vmem>>, vector<16xf32>,
    tpu.vector_store %arg14[%swap3A_8], %broadcast_in_dim3A_1 {strides = array<i32>} : memref<272xf32, #tpu.memory_space<vmem>>, vector<16xf32>,
    %swap3A_10 = arith.constant 16 : index
    %swap3A_11 = tpu.vector_load %arg13[%swap3A_10] {strides = array<i32>} : memref<272xf32, #tpu.memory_space<vmem>>, vector<16xf32>,
    tpu.vector_store %arg13[%swap3A_10], %broadcast_in_dim3A_1 {strides = array<i32>} : memref<272xf32, #tpu.memory_space<vmem>>, vector<16xf32>,
    %swap3A_12 = arith.constant 16 : index
    %swap3A_13 = tpu.vector_load %arg14[%swap3A_12] {strides = array<i32>} : memref<272xf32, #tpu.memory_space<vmem>>, vector<16xf32>,
    tpu.vector_store %arg14[%swap3A_12], %broadcast_in_dim3A_1 {strides = array<i32>} : memref<272xf32, #tpu.memory_space<vmem>>, vector<16xf32>,
    %swap3A_14 = arith.constant 32 : index
    %swap3A_15 = tpu.vector_load %arg13[%swap3A_14] {strides = array<i32>} : memref<272xf32, #tpu.memory_space<vmem>>, vector<16xf32>,
    tpu.vector_store %arg13[%swap3A_14], %broadcast_in_dim3A_1 {strides = array<i32>} : memref<272xf32, #tpu.memory_space<vmem>>, vector<16xf32>,
    %swap3A_16 = arith.constant 32 : index
    %swap3A_17 = tpu.vector_load %arg14[%swap3A_16] {strides = array<i32>} : memref<272xf32, #tpu.memory_space<vmem>>, vector<16xf32>,
    tpu.vector_store %arg14[%swap3A_16], %broadcast_in_dim3A_1 {strides = array<i32>} : memref<272xf32, #tpu.memory_space<vmem>>, vector<16xf32>,
    %swap3A_18 = arith.constant 48 : index
    %swap3A_19 = tpu.vector_load %arg13[%swap3A_18] {strides = array<i32>} : memref<272xf32, #tpu.memory_space<vmem>>, vector<16xf32>,
    tpu.vector_store %arg13[%swap3A_18], %broadcast_in_dim3A_1 {strides = array<i32>} : memref<272xf32, #tpu.memory_space<vmem>>, vector<16xf32>,
    %swap3A_20 = arith.constant 48 : index
    %swap3A_21 = tpu.vector_load %arg14[%swap3A_20] {strides = array<i32>} : memref<272xf32, #tpu.memory_space<vmem>>, vector<16xf32>,
    tpu.vector_store %arg14[%swap3A_20], %broadcast_in_dim3A_1 {strides = array<i32>} : memref<272xf32, #tpu.memory_space<vmem>>, vector<16xf32>,
    %swap3A_22 = arith.constant 64 : index
    %swap3A_23 = tpu.vector_load %arg13[%swap3A_22] {strides = array<i32>} : memref<272xf32, #tpu.memory_space<vmem>>, vector<16xf32>,
    tpu.vector_store %arg13[%swap3A_22], %broadcast_in_dim3A_1 {strides = array<i32>} : memref<272xf32, #tpu.memory_space<vmem>>, vector<16xf32>,
    %swap3A_24 = arith.constant 64 : index
    %swap3A_25 = tpu.vector_load %arg14[%swap3A_24] {strides = array<i32>} : memref<272xf32, #tpu.memory_space<vmem>>, vector<16xf32>,
    tpu.vector_store %arg14[%swap3A_24], %broadcast_in_dim3A_1 {strides = array<i32>} : memref<272xf32, #tpu.memory_space<vmem>>, vector<16xf32>,
    %swap3A_26 = arith.constant 80 : index
    %swap3A_27 = tpu.vector_load %arg13[%swap3A_26] {strides = array<i32>} : memref<272xf32, #tpu.memory_space<vmem>>, vector<16xf32>,
    tpu.vector_store %arg13[%swap3A_26], %broadcast_in_dim3A_1 {strides = array<i32>} : memref<272xf32, #tpu.memory_space<vmem>>, vector<16xf32>,
    %swap3A_28 = arith.constant 80 : index
    %swap3A_29 = tpu.vector_load %arg14[%swap3A_28] {strides = array<i32>} : memref<272xf32, #tpu.memory_space<vmem>>, vector<16xf32>,
    tpu.vector_store %arg14[%swap3A_28], %broadcast_in_dim3A_1 {strides = array<i32>} : memref<272xf32, #tpu.memory_space<vmem>>, vector<16xf32>,
    %swap3A_30 = arith.constant 96 : index
    %swap3A_31 = tpu.vector_load %arg13[%swap3A_30] {strides = array<i32>} : memref<272xf32, #tpu.memory_space<vmem>>, vector<16xf32>,
    tpu.vector_store %arg13[%swap3A_30], %broadcast_in_dim3A_1 {strides = array<i32>} : memref<272xf32, #tpu.memory_space<vmem>>, vector<16xf32>,
    %swap3A_32 = arith.constant 96 : index
    %swap3A_33 = tpu.vector_load %arg14[%swap3A_32] {strides = array<i32>} : memref<272xf32, #tpu.memory_space<vmem>>, vector<16xf32>,
    tpu.vector_store %arg14[%swap3A_32], %broadcast_in_dim3A_1 {strides = array<i32>} : memref<272xf32, #tpu.memory_space<vmem>>, vector<16xf32>,
    %swap3A_34 = arith.constant 112 : index
    %swap3A_35 = tpu.vector_load %arg13[%swap3A_34] {strides = array<i32>} : memref<272xf32, #tpu.memory_space<vmem>>, vector<16xf32>,
    tpu.vector_store %arg13[%swap3A_34], %broadcast_in_dim3A_1 {strides = array<i32>} : memref<272xf32, #tpu.memory_space<vmem>>, vector<16xf32>,
    %swap3A_36 = arith.constant 112 : index
    %swap3A_37 = tpu.vector_load %arg14[%swap3A_36] {strides = array<i32>} : memref<272xf32, #tpu.memory_space<vmem>>, vector<16xf32>,
    tpu.vector_store %arg14[%swap3A_36], %broadcast_in_dim3A_1 {strides = array<i32>} : memref<272xf32, #tpu.memory_space<vmem>>, vector<16xf32>,
    %swap3A_38 = arith.constant 128 : index
    %swap3A_39 = tpu.vector_load %arg13[%swap3A_38] {strides = array<i32>} : memref<272xf32, #tpu.memory_space<vmem>>, vector<16xf32>,
    tpu.vector_store %arg13[%swap3A_38], %broadcast_in_dim3A_1 {strides = array<i32>} : memref<272xf32, #tpu.memory_space<vmem>>, vector<16xf32>,
    %swap3A_40 = arith.constant 128 : index
    %swap3A_41 = tpu.vector_load %arg14[%swap3A_40] {strides = array<i32>} : memref<272xf32, #tpu.memory_space<vmem>>, vector<16xf32>,
    tpu.vector_store %arg14[%swap3A_40], %broadcast_in_dim3A_1 {strides = array<i32>} : memref<272xf32, #tpu.memory_space<vmem>>, vector<16xf32>,
    %swap3A_42 = arith.constant 144 : index
    %swap3A_43 = tpu.vector_load %arg13[%swap3A_42] {strides = array<i32>} : memref<272xf32, #tpu.memory_space<vmem>>, vector<16xf32>,
    tpu.vector_store %arg13[%swap3A_42], %broadcast_in_dim3A_1 {strides = array<i32>} : memref<272xf32, #tpu.memory_space<vmem>>, vector<16xf32>,
    %swap3A_44 = arith.constant 144 : index
    %swap3A_45 = tpu.vector_load %arg14[%swap3A_44] {strides = array<i32>} : memref<272xf32, #tpu.memory_space<vmem>>, vector<16xf32>,
    tpu.vector_store %arg14[%swap3A_44], %broadcast_in_dim3A_1 {strides = array<i32>} : memref<272xf32, #tpu.memory_space<vmem>>, vector<16xf32>,
    %swap3A_46 = arith.constant 160 : index
    %swap3A_47 = tpu.vector_load %arg13[%swap3A_46] {strides = array<i32>} : memref<272xf32, #tpu.memory_space<vmem>>, vector<16xf32>,
    tpu.vector_store %arg13[%swap3A_46], %broadcast_in_dim3A_1 {strides = array<i32>} : memref<272xf32, #tpu.memory_space<vmem>>, vector<16xf32>,
    %swap3A_48 = arith.constant 160 : index
    %swap3A_49 = tpu.vector_load %arg14[%swap3A_48] {strides = array<i32>} : memref<272xf32, #tpu.memory_space<vmem>>, vector<16xf32>,
    tpu.vector_store %arg14[%swap3A_48], %broadcast_in_dim3A_1 {strides = array<i32>} : memref<272xf32, #tpu.memory_space<vmem>>, vector<16xf32>,
    %swap3A_50 = arith.constant 176 : index
    %swap3A_51 = tpu.vector_load %arg13[%swap3A_50] {strides = array<i32>} : memref<272xf32, #tpu.memory_space<vmem>>, vector<16xf32>,
    tpu.vector_store %arg13[%swap3A_50], %broadcast_in_dim3A_1 {strides = array<i32>} : memref<272xf32, #tpu.memory_space<vmem>>, vector<16xf32>,
    %swap3A_52 = arith.constant 176 : index
    %swap3A_53 = tpu.vector_load %arg14[%swap3A_52] {strides = array<i32>} : memref<272xf32, #tpu.memory_space<vmem>>, vector<16xf32>,
    tpu.vector_store %arg14[%swap3A_52], %broadcast_in_dim3A_1 {strides = array<i32>} : memref<272xf32, #tpu.memory_space<vmem>>, vector<16xf32>,
    %swap3A_54 = arith.constant 192 : index
    %swap3A_55 = tpu.vector_load %arg13[%swap3A_54] {strides = array<i32>} : memref<272xf32, #tpu.memory_space<vmem>>, vector<16xf32>,
    tpu.vector_store %arg13[%swap3A_54], %broadcast_in_dim3A_1 {strides = array<i32>} : memref<272xf32, #tpu.memory_space<vmem>>, vector<16xf32>,
    %swap3A_56 = arith.constant 192 : index
    %swap3A_57 = tpu.vector_load %arg14[%swap3A_56] {strides = array<i32>} : memref<272xf32, #tpu.memory_space<vmem>>, vector<16xf32>,
    tpu.vector_store %arg14[%swap3A_56], %broadcast_in_dim3A_1 {strides = array<i32>} : memref<272xf32, #tpu.memory_space<vmem>>, vector<16xf32>,
    %swap3A_58 = arith.constant 208 : index
    %swap3A_59 = tpu.vector_load %arg13[%swap3A_58] {strides = array<i32>} : memref<272xf32, #tpu.memory_space<vmem>>, vector<16xf32>,
    tpu.vector_store %arg13[%swap3A_58], %broadcast_in_dim3A_1 {strides = array<i32>} : memref<272xf32, #tpu.memory_space<vmem>>, vector<16xf32>,
    %swap3A_60 = arith.constant 208 : index
    %swap3A_61 = tpu.vector_load %arg14[%swap3A_60] {strides = array<i32>} : memref<272xf32, #tpu.memory_space<vmem>>, vector<16xf32>,
    tpu.vector_store %arg14[%swap3A_60], %broadcast_in_dim3A_1 {strides = array<i32>} : memref<272xf32, #tpu.memory_space<vmem>>, vector<16xf32>,
    %swap3A_62 = arith.constant 224 : index
    %swap3A_63 = tpu.vector_load %arg13[%swap3A_62] {strides = array<i32>} : memref<272xf32, #tpu.memory_space<vmem>>, vector<16xf32>,
    tpu.vector_store %arg13[%swap3A_62], %broadcast_in_dim3A_1 {strides = array<i32>} : memref<272xf32, #tpu.memory_space<vmem>>, vector<16xf32>,
    %swap3A_64 = arith.constant 224 : index
    %swap3A_65 = tpu.vector_load %arg14[%swap3A_64] {strides = array<i32>} : memref<272xf32, #tpu.memory_space<vmem>>, vector<16xf32>,
    tpu.vector_store %arg14[%swap3A_64], %broadcast_in_dim3A_1 {strides = array<i32>} : memref<272xf32, #tpu.memory_space<vmem>>, vector<16xf32>,
    %swap3A_66 = arith.constant 240 : index
    %swap3A_67 = tpu.vector_load %arg13[%swap3A_66] {strides = array<i32>} : memref<272xf32, #tpu.memory_space<vmem>>, vector<16xf32>,
    tpu.vector_store %arg13[%swap3A_66], %broadcast_in_dim3A_1 {strides = array<i32>} : memref<272xf32, #tpu.memory_space<vmem>>, vector<16xf32>,
    %swap3A_68 = arith.constant 240 : index
    %swap3A_69 = tpu.vector_load %arg14[%swap3A_68] {strides = array<i32>} : memref<272xf32, #tpu.memory_space<vmem>>, vector<16xf32>,
    tpu.vector_store %arg14[%swap3A_68], %broadcast_in_dim3A_1 {strides = array<i32>} : memref<272xf32, #tpu.memory_space<vmem>>, vector<16xf32>,
    %swap3A_70 = arith.constant 256 : index
    %swap3A_71 = tpu.vector_load %arg13[%swap3A_70] {strides = array<i32>} : memref<272xf32, #tpu.memory_space<vmem>>, vector<16xf32>,
    tpu.vector_store %arg13[%swap3A_70], %broadcast_in_dim3A_1 {strides = array<i32>} : memref<272xf32, #tpu.memory_space<vmem>>, vector<16xf32>,
    %swap3A_72 = arith.constant 256 : index
    %swap3A_73 = tpu.vector_load %arg14[%swap3A_72] {strides = array<i32>} : memref<272xf32, #tpu.memory_space<vmem>>, vector<16xf32>,
    tpu.vector_store %arg14[%swap3A_72], %broadcast_in_dim3A_1 {strides = array<i32>} : memref<272xf32, #tpu.memory_space<vmem>>, vector<16xf32>,
    %get3A = arith.constant 0 : index
    %get3A_74 = tpu.vector_load %arg12[%get3A] {strides = array<i32>} : memref<32xf32, #tpu.memory_space<vmem>>, vector<16xf32>,
    %get3A_75 = arith.constant 16 : index
    %get3A_76 = tpu.vector_load %arg12[%get3A_75] {strides = array<i32>} : memref<32xf32, #tpu.memory_space<vmem>>, vector<16xf32>,
    %mul3A_77 = arith.constant 62496 : i32
    %mul3A_78 = arith.muli %add3A, %mul3A_77 : i32
    %add3A_79 = arith.constant 0 : i32
    %add3A_80 = arith.addi %mul3A_78, %add3A_79 : i32
    %dma_start3A = tpu.memref_slice %arg3[%add3A_80] : memref<2000000xf32, #tpu.memory_space<hbm>> -> memref<10416xf32, #tpu.memory_space<hbm>>
    %dma_start3A_81 = tpu.memref_slice %arg3[%add3A_80] : memref<2000000xf32, #tpu.memory_space<hbm>> -> memref<10416xf32, #tpu.memory_space<hbm>>
    tpu.enqueue_dma source(%dma_start3A_81 : memref<10416xf32, #tpu.memory_space<hbm>>) target(%arg10 : memref<10416xf32, #tpu.memory_space<vmem>>) target_semaphore(%arg15 : memref<!tpu.dma_semaphore, #tpu.memory_space<semaphore_mem>>)
    %dma_start3A_82 = tpu.memref_slice %arg2[%add3A_80] : memref<4000000xf32, #tpu.memory_space<hbm>> -> memref<10416xf32, #tpu.memory_space<hbm>>
    %dma_start3A_83 = tpu.memref_slice %arg2[%add3A_80] : memref<4000000xf32, #tpu.memory_space<hbm>> -> memref<10416xf32, #tpu.memory_space<hbm>>
    tpu.enqueue_dma source(%dma_start3A_83 : memref<10416xf32, #tpu.memory_space<hbm>>) target(%arg6 : memref<10416xf32, #tpu.memory_space<vmem>>) target_semaphore(%arg15 : memref<!tpu.dma_semaphore, #tpu.memory_space<semaphore_mem>>)
    %add3A_84 = arith.constant 2000000 : i32
    %add3A_85 = arith.addi %add3A_84, %add3A_80 : i32
    %dma_start3A_86 = tpu.memref_slice %arg2[%add3A_85] : memref<4000000xf32, #tpu.memory_space<hbm>> -> memref<10416xf32, #tpu.memory_space<hbm>>
    %dma_start3A_87 = tpu.memref_slice %arg2[%add3A_85] : memref<4000000xf32, #tpu.memory_space<hbm>> -> memref<10416xf32, #tpu.memory_space<hbm>>
    tpu.enqueue_dma source(%dma_start3A_87 : memref<10416xf32, #tpu.memory_space<hbm>>) target(%arg8 : memref<10416xf32, #tpu.memory_space<vmem>>) target_semaphore(%arg15 : memref<!tpu.dma_semaphore, #tpu.memory_space<semaphore_mem>>)
    %mul3A_88 = arith.constant 62496 : i32
    %mul3A_89 = arith.muli %add3A, %mul3A_88 : i32
    %add3A_90 = arith.constant 10416 : i32
    %add3A_91 = arith.addi %mul3A_89, %add3A_90 : i32
    %dma_start3A_92 = tpu.memref_slice %arg3[%add3A_91] : memref<2000000xf32, #tpu.memory_space<hbm>> -> memref<10416xf32, #tpu.memory_space<hbm>>
    %dma_start3A_93 = tpu.memref_slice %arg3[%add3A_91] : memref<2000000xf32, #tpu.memory_space<hbm>> -> memref<10416xf32, #tpu.memory_space<hbm>>
    tpu.enqueue_dma source(%dma_start3A_93 : memref<10416xf32, #tpu.memory_space<hbm>>) target(%arg11 : memref<10416xf32, #tpu.memory_space<vmem>>) target_semaphore(%arg16 : memref<!tpu.dma_semaphore, #tpu.memory_space<semaphore_mem>>)
    %dma_start3A_94 = tpu.memref_slice %arg2[%add3A_91] : memref<4000000xf32, #tpu.memory_space<hbm>> -> memref<10416xf32, #tpu.memory_space<hbm>>
    %dma_start3A_95 = tpu.memref_slice %arg2[%add3A_91] : memref<4000000xf32, #tpu.memory_space<hbm>> -> memref<10416xf32, #tpu.memory_space<hbm>>
    tpu.enqueue_dma source(%dma_start3A_95 : memref<10416xf32, #tpu.memory_space<hbm>>) target(%arg7 : memref<10416xf32, #tpu.memory_space<vmem>>) target_semaphore(%arg16 : memref<!tpu.dma_semaphore, #tpu.memory_space<semaphore_mem>>)
    %add3A_96 = arith.constant 2000000 : i32
    %add3A_97 = arith.addi %add3A_96, %add3A_91 : i32
    %dma_start3A_98 = tpu.memref_slice %arg2[%add3A_97] : memref<4000000xf32, #tpu.memory_space<hbm>> -> memref<10416xf32, #tpu.memory_space<hbm>>
    %dma_start3A_99 = tpu.memref_slice %arg2[%add3A_97] : memref<4000000xf32, #tpu.memory_space<hbm>> -> memref<10416xf32, #tpu.memory_space<hbm>>
    tpu.enqueue_dma source(%dma_start3A_99 : memref<10416xf32, #tpu.memory_space<hbm>>) target(%arg9 : memref<10416xf32, #tpu.memory_space<vmem>>) target_semaphore(%arg16 : memref<!tpu.dma_semaphore, #tpu.memory_space<semaphore_mem>>)
    %dma_wait3A = tpu.memref_slice %arg3[%add3A_80] : memref<2000000xf32, #tpu.memory_space<hbm>> -> memref<10416xf32, #tpu.memory_space<hbm>>
    %dma_wait3A_100 = tpu.memref_slice %arg3[%add3A_80] : memref<2000000xf32, #tpu.memory_space<hbm>> -> memref<10416xf32, #tpu.memory_space<hbm>>
    tpu.wait_dma2 semaphore(%arg15 : memref<!tpu.dma_semaphore, #tpu.memory_space<semaphore_mem>>) src(%dma_wait3A_100 : memref<10416xf32, #tpu.memory_space<hbm>>) dst(%arg10 : memref<10416xf32, #tpu.memory_space<vmem>>)
    %dma_wait3A_101 = tpu.memref_slice %arg2[%add3A_80] : memref<4000000xf32, #tpu.memory_space<hbm>> -> memref<10416xf32, #tpu.memory_space<hbm>>
    %dma_wait3A_102 = tpu.memref_slice %arg2[%add3A_80] : memref<4000000xf32, #tpu.memory_space<hbm>> -> memref<10416xf32, #tpu.memory_space<hbm>>
    tpu.wait_dma2 semaphore(%arg15 : memref<!tpu.dma_semaphore, #tpu.memory_space<semaphore_mem>>) src(%dma_wait3A_102 : memref<10416xf32, #tpu.memory_space<hbm>>) dst(%arg6 : memref<10416xf32, #tpu.memory_space<vmem>>)
    %dma_wait3A_103 = tpu.memref_slice %arg2[%add3A_85] : memref<4000000xf32, #tpu.memory_space<hbm>> -> memref<10416xf32, #tpu.memory_space<hbm>>
    %dma_wait3A_104 = tpu.memref_slice %arg2[%add3A_85] : memref<4000000xf32, #tpu.memory_space<hbm>> -> memref<10416xf32, #tpu.memory_space<hbm>>
    tpu.wait_dma2 semaphore(%arg15 : memref<!tpu.dma_semaphore, #tpu.memory_space<semaphore_mem>>) src(%dma_wait3A_104 : memref<10416xf32, #tpu.memory_space<hbm>>) dst(%arg8 : memref<10416xf32, #tpu.memory_space<vmem>>)
    %parallel_loop3A = arith.constant 0 : i32
    %parallel_loop3A_105 = arith.constant 651 : i32
    %parallel_loop3A_106 = arith.constant 1 : i32
    scf.for %parallel_loop3A_371 = %parallel_loop3A to %parallel_loop3A_105 step %parallel_loop3A_106  : i32 {
      %parallel_loop3A_372 = arith.constant 16 : i32
      %parallel_loop3A_373 = arith.muli %parallel_loop3A_371, %parallel_loop3A_372 : i32
      %parallel_loop3A_374 = arith.index_cast %parallel_loop3A_373 : i32 to index
      %parallel_loop3A_375 = tpu.vector_load %arg10[%parallel_loop3A_374] {strides = array<i32>} : memref<10416xf32, #tpu.memory_space<vmem>>, vector<16xf32>,
      %parallel_loop3A_376 = arith.fptosi %parallel_loop3A_375 : vector<16xf32> to vector<16xi32>
      %parallel_loop3A_377 = arith.constant 16 : i32
      %parallel_loop3A_378 = arith.muli %parallel_loop3A_371, %parallel_loop3A_377 : i32
      %parallel_loop3A_379 = arith.index_cast %parallel_loop3A_378 : i32 to index
      %parallel_loop3A_380 = tpu.vector_load %arg6[%parallel_loop3A_379] {strides = array<i32>} : memref<10416xf32, #tpu.memory_space<vmem>>, vector<16xf32>,
      %parallel_loop3A_381 = arith.constant 16 : i32
      %parallel_loop3A_382 = arith.muli %parallel_loop3A_371, %parallel_loop3A_381 : i32
      %parallel_loop3A_383 = arith.index_cast %parallel_loop3A_382 : i32 to index
      %parallel_loop3A_384 = tpu.vector_load %arg8[%parallel_loop3A_383] {strides = array<i32>} : memref<10416xf32, #tpu.memory_space<vmem>>, vector<16xf32>,
      %parallel_loop3A_385 = vector.shape_cast %parallel_loop3A_376 : vector<16xi32> to vector<16x1xi32>
      %parallel_loop3A_386 = vector.shape_cast %parallel_loop3A_385 : vector<16x1xi32> to vector<16xi32>
      %parallel_loop3A_387 = tpu.dynamic_gather %get3A_74[%parallel_loop3A_386] in [0] : vector<16xf32>, vector<16xi32> -> vector<16xf32>
      %parallel_loop3A_388 = vector.shape_cast %parallel_loop3A_376 : vector<16xi32> to vector<16x1xi32>
      %parallel_loop3A_389 = vector.shape_cast %parallel_loop3A_388 : vector<16x1xi32> to vector<16xi32>
      %parallel_loop3A_390 = tpu.dynamic_gather %get3A_76[%parallel_loop3A_389] in [0] : vector<16xf32>, vector<16xi32> -> vector<16xf32>
      %parallel_loop3A_391 = arith.subf %parallel_loop3A_380, %parallel_loop3A_387 : vector<16xf32>
      %parallel_loop3A_392 = arith.subf %parallel_loop3A_384, %parallel_loop3A_390 : vector<16xf32>
      %parallel_loop3A_393 = arith.mulf %parallel_loop3A_391, %parallel_loop3A_391 : vector<16xf32>
      %parallel_loop3A_394 = arith.mulf %parallel_loop3A_392, %parallel_loop3A_392 : vector<16xf32>
      %parallel_loop3A_395 = arith.addf %parallel_loop3A_393, %parallel_loop3A_394 : vector<16xf32>
      %parallel_loop3A_396 = arith.addi %mul3A_6, %parallel_loop3A_376 : vector<16xi32>
      tpu.vector_store_idx %arg13[%parallel_loop3A_396], %parallel_loop3A_395 {add = true} : memref<272xf32, #tpu.memory_space<vmem>>[vector<16xi32>], vector<16xf32>,
      tpu.vector_store_idx %arg14[%parallel_loop3A_396], %broadcast_in_dim3A_3 {add = true} : memref<272xf32, #tpu.memory_space<vmem>>[vector<16xi32>], vector<16xf32>,
    } {sc.loop_unroll_factor = 8 : i64, sc.parallel_access}
    %mul3A_107 = arith.constant 62496 : i32
    %mul3A_108 = arith.muli %add3A, %mul3A_107 : i32
    %add3A_109 = arith.constant 20832 : i32
    %add3A_110 = arith.addi %mul3A_108, %add3A_109 : i32
    %dma_start3A_111 = tpu.memref_slice %arg3[%add3A_110] : memref<2000000xf32, #tpu.memory_space<hbm>> -> memref<10416xf32, #tpu.memory_space<hbm>>
    %dma_start3A_112 = tpu.memref_slice %arg3[%add3A_110] : memref<2000000xf32, #tpu.memory_space<hbm>> -> memref<10416xf32, #tpu.memory_space<hbm>>
    tpu.enqueue_dma source(%dma_start3A_112 : memref<10416xf32, #tpu.memory_space<hbm>>) target(%arg10 : memref<10416xf32, #tpu.memory_space<vmem>>) target_semaphore(%arg15 : memref<!tpu.dma_semaphore, #tpu.memory_space<semaphore_mem>>)
    %dma_start3A_113 = tpu.memref_slice %arg2[%add3A_110] : memref<4000000xf32, #tpu.memory_space<hbm>> -> memref<10416xf32, #tpu.memory_space<hbm>>
    %dma_start3A_114 = tpu.memref_slice %arg2[%add3A_110] : memref<4000000xf32, #tpu.memory_space<hbm>> -> memref<10416xf32, #tpu.memory_space<hbm>>
    tpu.enqueue_dma source(%dma_start3A_114 : memref<10416xf32, #tpu.memory_space<hbm>>) target(%arg6 : memref<10416xf32, #tpu.memory_space<vmem>>) target_semaphore(%arg15 : memref<!tpu.dma_semaphore, #tpu.memory_space<semaphore_mem>>)
    %add3A_115 = arith.constant 2000000 : i32
    %add3A_116 = arith.addi %add3A_115, %add3A_110 : i32
    %dma_start3A_117 = tpu.memref_slice %arg2[%add3A_116] : memref<4000000xf32, #tpu.memory_space<hbm>> -> memref<10416xf32, #tpu.memory_space<hbm>>
    %dma_start3A_118 = tpu.memref_slice %arg2[%add3A_116] : memref<4000000xf32, #tpu.memory_space<hbm>> -> memref<10416xf32, #tpu.memory_space<hbm>>
    tpu.enqueue_dma source(%dma_start3A_118 : memref<10416xf32, #tpu.memory_space<hbm>>) target(%arg8 : memref<10416xf32, #tpu.memory_space<vmem>>) target_semaphore(%arg15 : memref<!tpu.dma_semaphore, #tpu.memory_space<semaphore_mem>>)
    %dma_wait3A_119 = tpu.memref_slice %arg3[%add3A_91] : memref<2000000xf32, #tpu.memory_space<hbm>> -> memref<10416xf32, #tpu.memory_space<hbm>>
    %dma_wait3A_120 = tpu.memref_slice %arg3[%add3A_91] : memref<2000000xf32, #tpu.memory_space<hbm>> -> memref<10416xf32, #tpu.memory_space<hbm>>
    tpu.wait_dma2 semaphore(%arg16 : memref<!tpu.dma_semaphore, #tpu.memory_space<semaphore_mem>>) src(%dma_wait3A_120 : memref<10416xf32, #tpu.memory_space<hbm>>) dst(%arg11 : memref<10416xf32, #tpu.memory_space<vmem>>)
    %dma_wait3A_121 = tpu.memref_slice %arg2[%add3A_91] : memref<4000000xf32, #tpu.memory_space<hbm>> -> memref<10416xf32, #tpu.memory_space<hbm>>
    %dma_wait3A_122 = tpu.memref_slice %arg2[%add3A_91] : memref<4000000xf32, #tpu.memory_space<hbm>> -> memref<10416xf32, #tpu.memory_space<hbm>>
    tpu.wait_dma2 semaphore(%arg16 : memref<!tpu.dma_semaphore, #tpu.memory_space<semaphore_mem>>) src(%dma_wait3A_122 : memref<10416xf32, #tpu.memory_space<hbm>>) dst(%arg7 : memref<10416xf32, #tpu.memory_space<vmem>>)
    %dma_wait3A_123 = tpu.memref_slice %arg2[%add3A_97] : memref<4000000xf32, #tpu.memory_space<hbm>> -> memref<10416xf32, #tpu.memory_space<hbm>>
    %dma_wait3A_124 = tpu.memref_slice %arg2[%add3A_97] : memref<4000000xf32, #tpu.memory_space<hbm>> -> memref<10416xf32, #tpu.memory_space<hbm>>
    tpu.wait_dma2 semaphore(%arg16 : memref<!tpu.dma_semaphore, #tpu.memory_space<semaphore_mem>>) src(%dma_wait3A_124 : memref<10416xf32, #tpu.memory_space<hbm>>) dst(%arg9 : memref<10416xf32, #tpu.memory_space<vmem>>)
    %parallel_loop3A_125 = arith.constant 0 : i32
    %parallel_loop3A_126 = arith.constant 651 : i32
    %parallel_loop3A_127 = arith.constant 1 : i32
    scf.for %parallel_loop3A_371 = %parallel_loop3A_125 to %parallel_loop3A_126 step %parallel_loop3A_127  : i32 {
      %parallel_loop3A_372 = arith.constant 16 : i32
      %parallel_loop3A_373 = arith.muli %parallel_loop3A_371, %parallel_loop3A_372 : i32
      %parallel_loop3A_374 = arith.index_cast %parallel_loop3A_373 : i32 to index
      %parallel_loop3A_375 = tpu.vector_load %arg11[%parallel_loop3A_374] {strides = array<i32>} : memref<10416xf32, #tpu.memory_space<vmem>>, vector<16xf32>,
      %parallel_loop3A_376 = arith.fptosi %parallel_loop3A_375 : vector<16xf32> to vector<16xi32>
      %parallel_loop3A_377 = arith.constant 16 : i32
      %parallel_loop3A_378 = arith.muli %parallel_loop3A_371, %parallel_loop3A_377 : i32
      %parallel_loop3A_379 = arith.index_cast %parallel_loop3A_378 : i32 to index
      %parallel_loop3A_380 = tpu.vector_load %arg7[%parallel_loop3A_379] {strides = array<i32>} : memref<10416xf32, #tpu.memory_space<vmem>>, vector<16xf32>,
      %parallel_loop3A_381 = arith.constant 16 : i32
      %parallel_loop3A_382 = arith.muli %parallel_loop3A_371, %parallel_loop3A_381 : i32
      %parallel_loop3A_383 = arith.index_cast %parallel_loop3A_382 : i32 to index
      %parallel_loop3A_384 = tpu.vector_load %arg9[%parallel_loop3A_383] {strides = array<i32>} : memref<10416xf32, #tpu.memory_space<vmem>>, vector<16xf32>,
      %parallel_loop3A_385 = vector.shape_cast %parallel_loop3A_376 : vector<16xi32> to vector<16x1xi32>
      %parallel_loop3A_386 = vector.shape_cast %parallel_loop3A_385 : vector<16x1xi32> to vector<16xi32>
      %parallel_loop3A_387 = tpu.dynamic_gather %get3A_74[%parallel_loop3A_386] in [0] : vector<16xf32>, vector<16xi32> -> vector<16xf32>
      %parallel_loop3A_388 = vector.shape_cast %parallel_loop3A_376 : vector<16xi32> to vector<16x1xi32>
      %parallel_loop3A_389 = vector.shape_cast %parallel_loop3A_388 : vector<16x1xi32> to vector<16xi32>
      %parallel_loop3A_390 = tpu.dynamic_gather %get3A_76[%parallel_loop3A_389] in [0] : vector<16xf32>, vector<16xi32> -> vector<16xf32>
      %parallel_loop3A_391 = arith.subf %parallel_loop3A_380, %parallel_loop3A_387 : vector<16xf32>
      %parallel_loop3A_392 = arith.subf %parallel_loop3A_384, %parallel_loop3A_390 : vector<16xf32>
      %parallel_loop3A_393 = arith.mulf %parallel_loop3A_391, %parallel_loop3A_391 : vector<16xf32>
      %parallel_loop3A_394 = arith.mulf %parallel_loop3A_392, %parallel_loop3A_392 : vector<16xf32>
      %parallel_loop3A_395 = arith.addf %parallel_loop3A_393, %parallel_loop3A_394 : vector<16xf32>
      %parallel_loop3A_396 = arith.addi %mul3A_6, %parallel_loop3A_376 : vector<16xi32>
      tpu.vector_store_idx %arg13[%parallel_loop3A_396], %parallel_loop3A_395 {add = true} : memref<272xf32, #tpu.memory_space<vmem>>[vector<16xi32>], vector<16xf32>,
      tpu.vector_store_idx %arg14[%parallel_loop3A_396], %broadcast_in_dim3A_3 {add = true} : memref<272xf32, #tpu.memory_space<vmem>>[vector<16xi32>], vector<16xf32>,
    } {sc.loop_unroll_factor = 8 : i64, sc.parallel_access}
    %mul3A_128 = arith.constant 62496 : i32
    %mul3A_129 = arith.muli %add3A, %mul3A_128 : i32
    %add3A_130 = arith.constant 31248 : i32
    %add3A_131 = arith.addi %mul3A_129, %add3A_130 : i32
    %dma_start3A_132 = tpu.memref_slice %arg3[%add3A_131] : memref<2000000xf32, #tpu.memory_space<hbm>> -> memref<10416xf32, #tpu.memory_space<hbm>>
    %dma_start3A_133 = tpu.memref_slice %arg3[%add3A_131] : memref<2000000xf32, #tpu.memory_space<hbm>> -> memref<10416xf32, #tpu.memory_space<hbm>>
    tpu.enqueue_dma source(%dma_start3A_133 : memref<10416xf32, #tpu.memory_space<hbm>>) target(%arg11 : memref<10416xf32, #tpu.memory_space<vmem>>) target_semaphore(%arg16 : memref<!tpu.dma_semaphore, #tpu.memory_space<semaphore_mem>>)
    %dma_start3A_134 = tpu.memref_slice %arg2[%add3A_131] : memref<4000000xf32, #tpu.memory_space<hbm>> -> memref<10416xf32, #tpu.memory_space<hbm>>
    %dma_start3A_135 = tpu.memref_slice %arg2[%add3A_131] : memref<4000000xf32, #tpu.memory_space<hbm>> -> memref<10416xf32, #tpu.memory_space<hbm>>
    tpu.enqueue_dma source(%dma_start3A_135 : memref<10416xf32, #tpu.memory_space<hbm>>) target(%arg7 : memref<10416xf32, #tpu.memory_space<vmem>>) target_semaphore(%arg16 : memref<!tpu.dma_semaphore, #tpu.memory_space<semaphore_mem>>)
    %add3A_136 = arith.constant 2000000 : i32
    %add3A_137 = arith.addi %add3A_136, %add3A_131 : i32
    %dma_start3A_138 = tpu.memref_slice %arg2[%add3A_137] : memref<4000000xf32, #tpu.memory_space<hbm>> -> memref<10416xf32, #tpu.memory_space<hbm>>
    %dma_start3A_139 = tpu.memref_slice %arg2[%add3A_137] : memref<4000000xf32, #tpu.memory_space<hbm>> -> memref<10416xf32, #tpu.memory_space<hbm>>
    tpu.enqueue_dma source(%dma_start3A_139 : memref<10416xf32, #tpu.memory_space<hbm>>) target(%arg9 : memref<10416xf32, #tpu.memory_space<vmem>>) target_semaphore(%arg16 : memref<!tpu.dma_semaphore, #tpu.memory_space<semaphore_mem>>)
    %dma_wait3A_140 = tpu.memref_slice %arg3[%add3A_110] : memref<2000000xf32, #tpu.memory_space<hbm>> -> memref<10416xf32, #tpu.memory_space<hbm>>
    %dma_wait3A_141 = tpu.memref_slice %arg3[%add3A_110] : memref<2000000xf32, #tpu.memory_space<hbm>> -> memref<10416xf32, #tpu.memory_space<hbm>>
    tpu.wait_dma2 semaphore(%arg15 : memref<!tpu.dma_semaphore, #tpu.memory_space<semaphore_mem>>) src(%dma_wait3A_141 : memref<10416xf32, #tpu.memory_space<hbm>>) dst(%arg10 : memref<10416xf32, #tpu.memory_space<vmem>>)
    %dma_wait3A_142 = tpu.memref_slice %arg2[%add3A_110] : memref<4000000xf32, #tpu.memory_space<hbm>> -> memref<10416xf32, #tpu.memory_space<hbm>>
    %dma_wait3A_143 = tpu.memref_slice %arg2[%add3A_110] : memref<4000000xf32, #tpu.memory_space<hbm>> -> memref<10416xf32, #tpu.memory_space<hbm>>
    tpu.wait_dma2 semaphore(%arg15 : memref<!tpu.dma_semaphore, #tpu.memory_space<semaphore_mem>>) src(%dma_wait3A_143 : memref<10416xf32, #tpu.memory_space<hbm>>) dst(%arg6 : memref<10416xf32, #tpu.memory_space<vmem>>)
    %dma_wait3A_144 = tpu.memref_slice %arg2[%add3A_116] : memref<4000000xf32, #tpu.memory_space<hbm>> -> memref<10416xf32, #tpu.memory_space<hbm>>
    %dma_wait3A_145 = tpu.memref_slice %arg2[%add3A_116] : memref<4000000xf32, #tpu.memory_space<hbm>> -> memref<10416xf32, #tpu.memory_space<hbm>>
    tpu.wait_dma2 semaphore(%arg15 : memref<!tpu.dma_semaphore, #tpu.memory_space<semaphore_mem>>) src(%dma_wait3A_145 : memref<10416xf32, #tpu.memory_space<hbm>>) dst(%arg8 : memref<10416xf32, #tpu.memory_space<vmem>>)
    %parallel_loop3A_146 = arith.constant 0 : i32
    %parallel_loop3A_147 = arith.constant 651 : i32
    %parallel_loop3A_148 = arith.constant 1 : i32
    scf.for %parallel_loop3A_371 = %parallel_loop3A_146 to %parallel_loop3A_147 step %parallel_loop3A_148  : i32 {
      %parallel_loop3A_372 = arith.constant 16 : i32
      %parallel_loop3A_373 = arith.muli %parallel_loop3A_371, %parallel_loop3A_372 : i32
      %parallel_loop3A_374 = arith.index_cast %parallel_loop3A_373 : i32 to index
      %parallel_loop3A_375 = tpu.vector_load %arg10[%parallel_loop3A_374] {strides = array<i32>} : memref<10416xf32, #tpu.memory_space<vmem>>, vector<16xf32>,
      %parallel_loop3A_376 = arith.fptosi %parallel_loop3A_375 : vector<16xf32> to vector<16xi32>
      %parallel_loop3A_377 = arith.constant 16 : i32
      %parallel_loop3A_378 = arith.muli %parallel_loop3A_371, %parallel_loop3A_377 : i32
      %parallel_loop3A_379 = arith.index_cast %parallel_loop3A_378 : i32 to index
      %parallel_loop3A_380 = tpu.vector_load %arg6[%parallel_loop3A_379] {strides = array<i32>} : memref<10416xf32, #tpu.memory_space<vmem>>, vector<16xf32>,
      %parallel_loop3A_381 = arith.constant 16 : i32
      %parallel_loop3A_382 = arith.muli %parallel_loop3A_371, %parallel_loop3A_381 : i32
      %parallel_loop3A_383 = arith.index_cast %parallel_loop3A_382 : i32 to index
      %parallel_loop3A_384 = tpu.vector_load %arg8[%parallel_loop3A_383] {strides = array<i32>} : memref<10416xf32, #tpu.memory_space<vmem>>, vector<16xf32>,
      %parallel_loop3A_385 = vector.shape_cast %parallel_loop3A_376 : vector<16xi32> to vector<16x1xi32>
      %parallel_loop3A_386 = vector.shape_cast %parallel_loop3A_385 : vector<16x1xi32> to vector<16xi32>
      %parallel_loop3A_387 = tpu.dynamic_gather %get3A_74[%parallel_loop3A_386] in [0] : vector<16xf32>, vector<16xi32> -> vector<16xf32>
      %parallel_loop3A_388 = vector.shape_cast %parallel_loop3A_376 : vector<16xi32> to vector<16x1xi32>
      %parallel_loop3A_389 = vector.shape_cast %parallel_loop3A_388 : vector<16x1xi32> to vector<16xi32>
      %parallel_loop3A_390 = tpu.dynamic_gather %get3A_76[%parallel_loop3A_389] in [0] : vector<16xf32>, vector<16xi32> -> vector<16xf32>
      %parallel_loop3A_391 = arith.subf %parallel_loop3A_380, %parallel_loop3A_387 : vector<16xf32>
      %parallel_loop3A_392 = arith.subf %parallel_loop3A_384, %parallel_loop3A_390 : vector<16xf32>
      %parallel_loop3A_393 = arith.mulf %parallel_loop3A_391, %parallel_loop3A_391 : vector<16xf32>
      %parallel_loop3A_394 = arith.mulf %parallel_loop3A_392, %parallel_loop3A_392 : vector<16xf32>
      %parallel_loop3A_395 = arith.addf %parallel_loop3A_393, %parallel_loop3A_394 : vector<16xf32>
      %parallel_loop3A_396 = arith.addi %mul3A_6, %parallel_loop3A_376 : vector<16xi32>
      tpu.vector_store_idx %arg13[%parallel_loop3A_396], %parallel_loop3A_395 {add = true} : memref<272xf32, #tpu.memory_space<vmem>>[vector<16xi32>], vector<16xf32>,
      tpu.vector_store_idx %arg14[%parallel_loop3A_396], %broadcast_in_dim3A_3 {add = true} : memref<272xf32, #tpu.memory_space<vmem>>[vector<16xi32>], vector<16xf32>,
    } {sc.loop_unroll_factor = 8 : i64, sc.parallel_access}
    %mul3A_149 = arith.constant 62496 : i32
    %mul3A_150 = arith.muli %add3A, %mul3A_149 : i32
    %add3A_151 = arith.constant 41664 : i32
    %add3A_152 = arith.addi %mul3A_150, %add3A_151 : i32
    %dma_start3A_153 = tpu.memref_slice %arg3[%add3A_152] : memref<2000000xf32, #tpu.memory_space<hbm>> -> memref<10416xf32, #tpu.memory_space<hbm>>
    %dma_start3A_154 = tpu.memref_slice %arg3[%add3A_152] : memref<2000000xf32, #tpu.memory_space<hbm>> -> memref<10416xf32, #tpu.memory_space<hbm>>
    tpu.enqueue_dma source(%dma_start3A_154 : memref<10416xf32, #tpu.memory_space<hbm>>) target(%arg10 : memref<10416xf32, #tpu.memory_space<vmem>>) target_semaphore(%arg15 : memref<!tpu.dma_semaphore, #tpu.memory_space<semaphore_mem>>)
    %dma_start3A_155 = tpu.memref_slice %arg2[%add3A_152] : memref<4000000xf32, #tpu.memory_space<hbm>> -> memref<10416xf32, #tpu.memory_space<hbm>>
    %dma_start3A_156 = tpu.memref_slice %arg2[%add3A_152] : memref<4000000xf32, #tpu.memory_space<hbm>> -> memref<10416xf32, #tpu.memory_space<hbm>>
    tpu.enqueue_dma source(%dma_start3A_156 : memref<10416xf32, #tpu.memory_space<hbm>>) target(%arg6 : memref<10416xf32, #tpu.memory_space<vmem>>) target_semaphore(%arg15 : memref<!tpu.dma_semaphore, #tpu.memory_space<semaphore_mem>>)
    %add3A_157 = arith.constant 2000000 : i32
    %add3A_158 = arith.addi %add3A_157, %add3A_152 : i32
    %dma_start3A_159 = tpu.memref_slice %arg2[%add3A_158] : memref<4000000xf32, #tpu.memory_space<hbm>> -> memref<10416xf32, #tpu.memory_space<hbm>>
    %dma_start3A_160 = tpu.memref_slice %arg2[%add3A_158] : memref<4000000xf32, #tpu.memory_space<hbm>> -> memref<10416xf32, #tpu.memory_space<hbm>>
    tpu.enqueue_dma source(%dma_start3A_160 : memref<10416xf32, #tpu.memory_space<hbm>>) target(%arg8 : memref<10416xf32, #tpu.memory_space<vmem>>) target_semaphore(%arg15 : memref<!tpu.dma_semaphore, #tpu.memory_space<semaphore_mem>>)
    %dma_wait3A_161 = tpu.memref_slice %arg3[%add3A_131] : memref<2000000xf32, #tpu.memory_space<hbm>> -> memref<10416xf32, #tpu.memory_space<hbm>>
    %dma_wait3A_162 = tpu.memref_slice %arg3[%add3A_131] : memref<2000000xf32, #tpu.memory_space<hbm>> -> memref<10416xf32, #tpu.memory_space<hbm>>
    tpu.wait_dma2 semaphore(%arg16 : memref<!tpu.dma_semaphore, #tpu.memory_space<semaphore_mem>>) src(%dma_wait3A_162 : memref<10416xf32, #tpu.memory_space<hbm>>) dst(%arg11 : memref<10416xf32, #tpu.memory_space<vmem>>)
    %dma_wait3A_163 = tpu.memref_slice %arg2[%add3A_131] : memref<4000000xf32, #tpu.memory_space<hbm>> -> memref<10416xf32, #tpu.memory_space<hbm>>
    %dma_wait3A_164 = tpu.memref_slice %arg2[%add3A_131] : memref<4000000xf32, #tpu.memory_space<hbm>> -> memref<10416xf32, #tpu.memory_space<hbm>>
    tpu.wait_dma2 semaphore(%arg16 : memref<!tpu.dma_semaphore, #tpu.memory_space<semaphore_mem>>) src(%dma_wait3A_164 : memref<10416xf32, #tpu.memory_space<hbm>>) dst(%arg7 : memref<10416xf32, #tpu.memory_space<vmem>>)
    %dma_wait3A_165 = tpu.memref_slice %arg2[%add3A_137] : memref<4000000xf32, #tpu.memory_space<hbm>> -> memref<10416xf32, #tpu.memory_space<hbm>>
    %dma_wait3A_166 = tpu.memref_slice %arg2[%add3A_137] : memref<4000000xf32, #tpu.memory_space<hbm>> -> memref<10416xf32, #tpu.memory_space<hbm>>
    tpu.wait_dma2 semaphore(%arg16 : memref<!tpu.dma_semaphore, #tpu.memory_space<semaphore_mem>>) src(%dma_wait3A_166 : memref<10416xf32, #tpu.memory_space<hbm>>) dst(%arg9 : memref<10416xf32, #tpu.memory_space<vmem>>)
    %parallel_loop3A_167 = arith.constant 0 : i32
    %parallel_loop3A_168 = arith.constant 651 : i32
    %parallel_loop3A_169 = arith.constant 1 : i32
    scf.for %parallel_loop3A_371 = %parallel_loop3A_167 to %parallel_loop3A_168 step %parallel_loop3A_169  : i32 {
      %parallel_loop3A_372 = arith.constant 16 : i32
      %parallel_loop3A_373 = arith.muli %parallel_loop3A_371, %parallel_loop3A_372 : i32
      %parallel_loop3A_374 = arith.index_cast %parallel_loop3A_373 : i32 to index
      %parallel_loop3A_375 = tpu.vector_load %arg11[%parallel_loop3A_374] {strides = array<i32>} : memref<10416xf32, #tpu.memory_space<vmem>>, vector<16xf32>,
      %parallel_loop3A_376 = arith.fptosi %parallel_loop3A_375 : vector<16xf32> to vector<16xi32>
      %parallel_loop3A_377 = arith.constant 16 : i32
      %parallel_loop3A_378 = arith.muli %parallel_loop3A_371, %parallel_loop3A_377 : i32
      %parallel_loop3A_379 = arith.index_cast %parallel_loop3A_378 : i32 to index
      %parallel_loop3A_380 = tpu.vector_load %arg7[%parallel_loop3A_379] {strides = array<i32>} : memref<10416xf32, #tpu.memory_space<vmem>>, vector<16xf32>,
      %parallel_loop3A_381 = arith.constant 16 : i32
      %parallel_loop3A_382 = arith.muli %parallel_loop3A_371, %parallel_loop3A_381 : i32
      %parallel_loop3A_383 = arith.index_cast %parallel_loop3A_382 : i32 to index
      %parallel_loop3A_384 = tpu.vector_load %arg9[%parallel_loop3A_383] {strides = array<i32>} : memref<10416xf32, #tpu.memory_space<vmem>>, vector<16xf32>,
      %parallel_loop3A_385 = vector.shape_cast %parallel_loop3A_376 : vector<16xi32> to vector<16x1xi32>
      %parallel_loop3A_386 = vector.shape_cast %parallel_loop3A_385 : vector<16x1xi32> to vector<16xi32>
      %parallel_loop3A_387 = tpu.dynamic_gather %get3A_74[%parallel_loop3A_386] in [0] : vector<16xf32>, vector<16xi32> -> vector<16xf32>
      %parallel_loop3A_388 = vector.shape_cast %parallel_loop3A_376 : vector<16xi32> to vector<16x1xi32>
      %parallel_loop3A_389 = vector.shape_cast %parallel_loop3A_388 : vector<16x1xi32> to vector<16xi32>
      %parallel_loop3A_390 = tpu.dynamic_gather %get3A_76[%parallel_loop3A_389] in [0] : vector<16xf32>, vector<16xi32> -> vector<16xf32>
      %parallel_loop3A_391 = arith.subf %parallel_loop3A_380, %parallel_loop3A_387 : vector<16xf32>
      %parallel_loop3A_392 = arith.subf %parallel_loop3A_384, %parallel_loop3A_390 : vector<16xf32>
      %parallel_loop3A_393 = arith.mulf %parallel_loop3A_391, %parallel_loop3A_391 : vector<16xf32>
      %parallel_loop3A_394 = arith.mulf %parallel_loop3A_392, %parallel_loop3A_392 : vector<16xf32>
      %parallel_loop3A_395 = arith.addf %parallel_loop3A_393, %parallel_loop3A_394 : vector<16xf32>
      %parallel_loop3A_396 = arith.addi %mul3A_6, %parallel_loop3A_376 : vector<16xi32>
      tpu.vector_store_idx %arg13[%parallel_loop3A_396], %parallel_loop3A_395 {add = true} : memref<272xf32, #tpu.memory_space<vmem>>[vector<16xi32>], vector<16xf32>,
      tpu.vector_store_idx %arg14[%parallel_loop3A_396], %broadcast_in_dim3A_3 {add = true} : memref<272xf32, #tpu.memory_space<vmem>>[vector<16xi32>], vector<16xf32>,
    } {sc.loop_unroll_factor = 8 : i64, sc.parallel_access}
    %mul3A_170 = arith.constant 62496 : i32
    %mul3A_171 = arith.muli %add3A, %mul3A_170 : i32
    %add3A_172 = arith.constant 52080 : i32
    %add3A_173 = arith.addi %mul3A_171, %add3A_172 : i32
    %dma_start3A_174 = tpu.memref_slice %arg3[%add3A_173] : memref<2000000xf32, #tpu.memory_space<hbm>> -> memref<10416xf32, #tpu.memory_space<hbm>>
    %dma_start3A_175 = tpu.memref_slice %arg3[%add3A_173] : memref<2000000xf32, #tpu.memory_space<hbm>> -> memref<10416xf32, #tpu.memory_space<hbm>>
    tpu.enqueue_dma source(%dma_start3A_175 : memref<10416xf32, #tpu.memory_space<hbm>>) target(%arg11 : memref<10416xf32, #tpu.memory_space<vmem>>) target_semaphore(%arg16 : memref<!tpu.dma_semaphore, #tpu.memory_space<semaphore_mem>>)
    %dma_start3A_176 = tpu.memref_slice %arg2[%add3A_173] : memref<4000000xf32, #tpu.memory_space<hbm>> -> memref<10416xf32, #tpu.memory_space<hbm>>
    %dma_start3A_177 = tpu.memref_slice %arg2[%add3A_173] : memref<4000000xf32, #tpu.memory_space<hbm>> -> memref<10416xf32, #tpu.memory_space<hbm>>
    tpu.enqueue_dma source(%dma_start3A_177 : memref<10416xf32, #tpu.memory_space<hbm>>) target(%arg7 : memref<10416xf32, #tpu.memory_space<vmem>>) target_semaphore(%arg16 : memref<!tpu.dma_semaphore, #tpu.memory_space<semaphore_mem>>)
    %add3A_178 = arith.constant 2000000 : i32
    %add3A_179 = arith.addi %add3A_178, %add3A_173 : i32
    %dma_start3A_180 = tpu.memref_slice %arg2[%add3A_179] : memref<4000000xf32, #tpu.memory_space<hbm>> -> memref<10416xf32, #tpu.memory_space<hbm>>
    %dma_start3A_181 = tpu.memref_slice %arg2[%add3A_179] : memref<4000000xf32, #tpu.memory_space<hbm>> -> memref<10416xf32, #tpu.memory_space<hbm>>
    tpu.enqueue_dma source(%dma_start3A_181 : memref<10416xf32, #tpu.memory_space<hbm>>) target(%arg9 : memref<10416xf32, #tpu.memory_space<vmem>>) target_semaphore(%arg16 : memref<!tpu.dma_semaphore, #tpu.memory_space<semaphore_mem>>)
    %dma_wait3A_182 = tpu.memref_slice %arg3[%add3A_152] : memref<2000000xf32, #tpu.memory_space<hbm>> -> memref<10416xf32, #tpu.memory_space<hbm>>
    %dma_wait3A_183 = tpu.memref_slice %arg3[%add3A_152] : memref<2000000xf32, #tpu.memory_space<hbm>> -> memref<10416xf32, #tpu.memory_space<hbm>>
    tpu.wait_dma2 semaphore(%arg15 : memref<!tpu.dma_semaphore, #tpu.memory_space<semaphore_mem>>) src(%dma_wait3A_183 : memref<10416xf32, #tpu.memory_space<hbm>>) dst(%arg10 : memref<10416xf32, #tpu.memory_space<vmem>>)
    %dma_wait3A_184 = tpu.memref_slice %arg2[%add3A_152] : memref<4000000xf32, #tpu.memory_space<hbm>> -> memref<10416xf32, #tpu.memory_space<hbm>>
    %dma_wait3A_185 = tpu.memref_slice %arg2[%add3A_152] : memref<4000000xf32, #tpu.memory_space<hbm>> -> memref<10416xf32, #tpu.memory_space<hbm>>
    tpu.wait_dma2 semaphore(%arg15 : memref<!tpu.dma_semaphore, #tpu.memory_space<semaphore_mem>>) src(%dma_wait3A_185 : memref<10416xf32, #tpu.memory_space<hbm>>) dst(%arg6 : memref<10416xf32, #tpu.memory_space<vmem>>)
    %dma_wait3A_186 = tpu.memref_slice %arg2[%add3A_158] : memref<4000000xf32, #tpu.memory_space<hbm>> -> memref<10416xf32, #tpu.memory_space<hbm>>
    %dma_wait3A_187 = tpu.memref_slice %arg2[%add3A_158] : memref<4000000xf32, #tpu.memory_space<hbm>> -> memref<10416xf32, #tpu.memory_space<hbm>>
    tpu.wait_dma2 semaphore(%arg15 : memref<!tpu.dma_semaphore, #tpu.memory_space<semaphore_mem>>) src(%dma_wait3A_187 : memref<10416xf32, #tpu.memory_space<hbm>>) dst(%arg8 : memref<10416xf32, #tpu.memory_space<vmem>>)
    %parallel_loop3A_188 = arith.constant 0 : i32
    %parallel_loop3A_189 = arith.constant 651 : i32
    %parallel_loop3A_190 = arith.constant 1 : i32
    scf.for %parallel_loop3A_371 = %parallel_loop3A_188 to %parallel_loop3A_189 step %parallel_loop3A_190  : i32 {
      %parallel_loop3A_372 = arith.constant 16 : i32
      %parallel_loop3A_373 = arith.muli %parallel_loop3A_371, %parallel_loop3A_372 : i32
      %parallel_loop3A_374 = arith.index_cast %parallel_loop3A_373 : i32 to index
      %parallel_loop3A_375 = tpu.vector_load %arg10[%parallel_loop3A_374] {strides = array<i32>} : memref<10416xf32, #tpu.memory_space<vmem>>, vector<16xf32>,
      %parallel_loop3A_376 = arith.fptosi %parallel_loop3A_375 : vector<16xf32> to vector<16xi32>
      %parallel_loop3A_377 = arith.constant 16 : i32
      %parallel_loop3A_378 = arith.muli %parallel_loop3A_371, %parallel_loop3A_377 : i32
      %parallel_loop3A_379 = arith.index_cast %parallel_loop3A_378 : i32 to index
      %parallel_loop3A_380 = tpu.vector_load %arg6[%parallel_loop3A_379] {strides = array<i32>} : memref<10416xf32, #tpu.memory_space<vmem>>, vector<16xf32>,
      %parallel_loop3A_381 = arith.constant 16 : i32
      %parallel_loop3A_382 = arith.muli %parallel_loop3A_371, %parallel_loop3A_381 : i32
      %parallel_loop3A_383 = arith.index_cast %parallel_loop3A_382 : i32 to index
      %parallel_loop3A_384 = tpu.vector_load %arg8[%parallel_loop3A_383] {strides = array<i32>} : memref<10416xf32, #tpu.memory_space<vmem>>, vector<16xf32>,
      %parallel_loop3A_385 = vector.shape_cast %parallel_loop3A_376 : vector<16xi32> to vector<16x1xi32>
      %parallel_loop3A_386 = vector.shape_cast %parallel_loop3A_385 : vector<16x1xi32> to vector<16xi32>
      %parallel_loop3A_387 = tpu.dynamic_gather %get3A_74[%parallel_loop3A_386] in [0] : vector<16xf32>, vector<16xi32> -> vector<16xf32>
      %parallel_loop3A_388 = vector.shape_cast %parallel_loop3A_376 : vector<16xi32> to vector<16x1xi32>
      %parallel_loop3A_389 = vector.shape_cast %parallel_loop3A_388 : vector<16x1xi32> to vector<16xi32>
      %parallel_loop3A_390 = tpu.dynamic_gather %get3A_76[%parallel_loop3A_389] in [0] : vector<16xf32>, vector<16xi32> -> vector<16xf32>
      %parallel_loop3A_391 = arith.subf %parallel_loop3A_380, %parallel_loop3A_387 : vector<16xf32>
      %parallel_loop3A_392 = arith.subf %parallel_loop3A_384, %parallel_loop3A_390 : vector<16xf32>
      %parallel_loop3A_393 = arith.mulf %parallel_loop3A_391, %parallel_loop3A_391 : vector<16xf32>
      %parallel_loop3A_394 = arith.mulf %parallel_loop3A_392, %parallel_loop3A_392 : vector<16xf32>
      %parallel_loop3A_395 = arith.addf %parallel_loop3A_393, %parallel_loop3A_394 : vector<16xf32>
      %parallel_loop3A_396 = arith.addi %mul3A_6, %parallel_loop3A_376 : vector<16xi32>
      tpu.vector_store_idx %arg13[%parallel_loop3A_396], %parallel_loop3A_395 {add = true} : memref<272xf32, #tpu.memory_space<vmem>>[vector<16xi32>], vector<16xf32>,
      tpu.vector_store_idx %arg14[%parallel_loop3A_396], %broadcast_in_dim3A_3 {add = true} : memref<272xf32, #tpu.memory_space<vmem>>[vector<16xi32>], vector<16xf32>,
    } {sc.loop_unroll_factor = 8 : i64, sc.parallel_access}
    %dma_wait3A_191 = tpu.memref_slice %arg3[%add3A_173] : memref<2000000xf32, #tpu.memory_space<hbm>> -> memref<10416xf32, #tpu.memory_space<hbm>>
    %dma_wait3A_192 = tpu.memref_slice %arg3[%add3A_173] : memref<2000000xf32, #tpu.memory_space<hbm>> -> memref<10416xf32, #tpu.memory_space<hbm>>
    tpu.wait_dma2 semaphore(%arg16 : memref<!tpu.dma_semaphore, #tpu.memory_space<semaphore_mem>>) src(%dma_wait3A_192 : memref<10416xf32, #tpu.memory_space<hbm>>) dst(%arg11 : memref<10416xf32, #tpu.memory_space<vmem>>)
    %dma_wait3A_193 = tpu.memref_slice %arg2[%add3A_173] : memref<4000000xf32, #tpu.memory_space<hbm>> -> memref<10416xf32, #tpu.memory_space<hbm>>
    %dma_wait3A_194 = tpu.memref_slice %arg2[%add3A_173] : memref<4000000xf32, #tpu.memory_space<hbm>> -> memref<10416xf32, #tpu.memory_space<hbm>>
    tpu.wait_dma2 semaphore(%arg16 : memref<!tpu.dma_semaphore, #tpu.memory_space<semaphore_mem>>) src(%dma_wait3A_194 : memref<10416xf32, #tpu.memory_space<hbm>>) dst(%arg7 : memref<10416xf32, #tpu.memory_space<vmem>>)
    %dma_wait3A_195 = tpu.memref_slice %arg2[%add3A_179] : memref<4000000xf32, #tpu.memory_space<hbm>> -> memref<10416xf32, #tpu.memory_space<hbm>>
    %dma_wait3A_196 = tpu.memref_slice %arg2[%add3A_179] : memref<4000000xf32, #tpu.memory_space<hbm>> -> memref<10416xf32, #tpu.memory_space<hbm>>
    tpu.wait_dma2 semaphore(%arg16 : memref<!tpu.dma_semaphore, #tpu.memory_space<semaphore_mem>>) src(%dma_wait3A_196 : memref<10416xf32, #tpu.memory_space<hbm>>) dst(%arg9 : memref<10416xf32, #tpu.memory_space<vmem>>)
    %parallel_loop3A_197 = arith.constant 0 : i32
    %parallel_loop3A_198 = arith.constant 651 : i32
    %parallel_loop3A_199 = arith.constant 1 : i32
    scf.for %parallel_loop3A_371 = %parallel_loop3A_197 to %parallel_loop3A_198 step %parallel_loop3A_199  : i32 {
      %parallel_loop3A_372 = arith.constant 16 : i32
      %parallel_loop3A_373 = arith.muli %parallel_loop3A_371, %parallel_loop3A_372 : i32
      %parallel_loop3A_374 = arith.index_cast %parallel_loop3A_373 : i32 to index
      %parallel_loop3A_375 = tpu.vector_load %arg11[%parallel_loop3A_374] {strides = array<i32>} : memref<10416xf32, #tpu.memory_space<vmem>>, vector<16xf32>,
      %parallel_loop3A_376 = arith.fptosi %parallel_loop3A_375 : vector<16xf32> to vector<16xi32>
      %parallel_loop3A_377 = arith.constant 16 : i32
      %parallel_loop3A_378 = arith.muli %parallel_loop3A_371, %parallel_loop3A_377 : i32
      %parallel_loop3A_379 = arith.index_cast %parallel_loop3A_378 : i32 to index
      %parallel_loop3A_380 = tpu.vector_load %arg7[%parallel_loop3A_379] {strides = array<i32>} : memref<10416xf32, #tpu.memory_space<vmem>>, vector<16xf32>,
      %parallel_loop3A_381 = arith.constant 16 : i32
      %parallel_loop3A_382 = arith.muli %parallel_loop3A_371, %parallel_loop3A_381 : i32
      %parallel_loop3A_383 = arith.index_cast %parallel_loop3A_382 : i32 to index
      %parallel_loop3A_384 = tpu.vector_load %arg9[%parallel_loop3A_383] {strides = array<i32>} : memref<10416xf32, #tpu.memory_space<vmem>>, vector<16xf32>,
      %parallel_loop3A_385 = vector.shape_cast %parallel_loop3A_376 : vector<16xi32> to vector<16x1xi32>
      %parallel_loop3A_386 = vector.shape_cast %parallel_loop3A_385 : vector<16x1xi32> to vector<16xi32>
      %parallel_loop3A_387 = tpu.dynamic_gather %get3A_74[%parallel_loop3A_386] in [0] : vector<16xf32>, vector<16xi32> -> vector<16xf32>
      %parallel_loop3A_388 = vector.shape_cast %parallel_loop3A_376 : vector<16xi32> to vector<16x1xi32>
      %parallel_loop3A_389 = vector.shape_cast %parallel_loop3A_388 : vector<16x1xi32> to vector<16xi32>
      %parallel_loop3A_390 = tpu.dynamic_gather %get3A_76[%parallel_loop3A_389] in [0] : vector<16xf32>, vector<16xi32> -> vector<16xf32>
      %parallel_loop3A_391 = arith.subf %parallel_loop3A_380, %parallel_loop3A_387 : vector<16xf32>
      %parallel_loop3A_392 = arith.subf %parallel_loop3A_384, %parallel_loop3A_390 : vector<16xf32>
      %parallel_loop3A_393 = arith.mulf %parallel_loop3A_391, %parallel_loop3A_391 : vector<16xf32>
      %parallel_loop3A_394 = arith.mulf %parallel_loop3A_392, %parallel_loop3A_392 : vector<16xf32>
      %parallel_loop3A_395 = arith.addf %parallel_loop3A_393, %parallel_loop3A_394 : vector<16xf32>
      %parallel_loop3A_396 = arith.addi %mul3A_6, %parallel_loop3A_376 : vector<16xi32>
      tpu.vector_store_idx %arg13[%parallel_loop3A_396], %parallel_loop3A_395 {add = true} : memref<272xf32, #tpu.memory_space<vmem>>[vector<16xi32>], vector<16xf32>,
      tpu.vector_store_idx %arg14[%parallel_loop3A_396], %broadcast_in_dim3A_3 {add = true} : memref<272xf32, #tpu.memory_space<vmem>>[vector<16xi32>], vector<16xf32>,
    } {sc.loop_unroll_factor = 8 : i64, sc.parallel_access}
    %eq3A = arith.constant 0 : i32
    %eq3A_200 = arith.cmpi eq, %add3A, %eq3A : i32
    %convert_element_type3A = arith.extui %eq3A_200 : i1 to i32
    %cond3A = arith.constant 0 : i32
    %cond3A_201 = arith.cmpi ne, %convert_element_type3A, %cond3A : i32
    scf.if %cond3A_201 {
      "tpu.region"() ({
        %run_scoped3A = tpu.sem_alloc : memref<!tpu.dma_semaphore, #tpu.memory_space<semaphore_mem>>
        %dma_start3A_376 = arith.constant 0 : i32
        %dma_start3A_377 = tpu.memref_slice %arg10[%dma_start3A_376] : memref<10416xf32, #tpu.memory_space<vmem>> -> memref<128xf32, #tpu.memory_space<vmem>>
        %dma_start3A_378 = arith.constant 1999872 : i32
        %dma_start3A_379 = tpu.memref_slice %arg3[%dma_start3A_378] : memref<2000000xf32, #tpu.memory_space<hbm>> -> memref<128xf32, #tpu.memory_space<hbm>>
        %dma_start3A_380 = arith.constant 0 : i32
        %dma_start3A_381 = tpu.memref_slice %arg10[%dma_start3A_380] : memref<10416xf32, #tpu.memory_space<vmem>> -> memref<128xf32, #tpu.memory_space<vmem>>
        %dma_start3A_382 = arith.constant 1999872 : i32
        %dma_start3A_383 = tpu.memref_slice %arg3[%dma_start3A_382] : memref<2000000xf32, #tpu.memory_space<hbm>> -> memref<128xf32, #tpu.memory_space<hbm>>
        tpu.enqueue_dma source(%dma_start3A_383 : memref<128xf32, #tpu.memory_space<hbm>>) target(%dma_start3A_381 : memref<128xf32, #tpu.memory_space<vmem>>) target_semaphore(%run_scoped3A : memref<!tpu.dma_semaphore, #tpu.memory_space<semaphore_mem>>)
        %dma_wait3A_384 = arith.constant 0 : i32
        %dma_wait3A_385 = tpu.memref_slice %arg10[%dma_wait3A_384] : memref<10416xf32, #tpu.memory_space<vmem>> -> memref<128xf32, #tpu.memory_space<vmem>>
        %dma_wait3A_386 = arith.constant 1999872 : i32
        %dma_wait3A_387 = tpu.memref_slice %arg3[%dma_wait3A_386] : memref<2000000xf32, #tpu.memory_space<hbm>> -> memref<128xf32, #tpu.memory_space<hbm>>
        %dma_wait3A_388 = arith.constant 0 : i32
        %dma_wait3A_389 = tpu.memref_slice %arg10[%dma_wait3A_388] : memref<10416xf32, #tpu.memory_space<vmem>> -> memref<128xf32, #tpu.memory_space<vmem>>
        %dma_wait3A_390 = arith.constant 1999872 : i32
        %dma_wait3A_391 = tpu.memref_slice %arg3[%dma_wait3A_390] : memref<2000000xf32, #tpu.memory_space<hbm>> -> memref<128xf32, #tpu.memory_space<hbm>>
        tpu.wait_dma2 semaphore(%run_scoped3A : memref<!tpu.dma_semaphore, #tpu.memory_space<semaphore_mem>>) src(%dma_wait3A_391 : memref<128xf32, #tpu.memory_space<hbm>>) dst(%dma_wait3A_389 : memref<128xf32, #tpu.memory_space<vmem>>)
        tpu.yield
      }) : () -> ()
      "tpu.region"() ({
        %run_scoped3A = tpu.sem_alloc : memref<!tpu.dma_semaphore, #tpu.memory_space<semaphore_mem>>
        %dma_start3A_376 = arith.constant 0 : i32
        %dma_start3A_377 = tpu.memref_slice %arg6[%dma_start3A_376] : memref<10416xf32, #tpu.memory_space<vmem>> -> memref<128xf32, #tpu.memory_space<vmem>>
        %dma_start3A_378 = arith.constant 1999872 : i32
        %dma_start3A_379 = tpu.memref_slice %arg2[%dma_start3A_378] : memref<4000000xf32, #tpu.memory_space<hbm>> -> memref<128xf32, #tpu.memory_space<hbm>>
        %dma_start3A_380 = arith.constant 0 : i32
        %dma_start3A_381 = tpu.memref_slice %arg6[%dma_start3A_380] : memref<10416xf32, #tpu.memory_space<vmem>> -> memref<128xf32, #tpu.memory_space<vmem>>
        %dma_start3A_382 = arith.constant 1999872 : i32
        %dma_start3A_383 = tpu.memref_slice %arg2[%dma_start3A_382] : memref<4000000xf32, #tpu.memory_space<hbm>> -> memref<128xf32, #tpu.memory_space<hbm>>
        tpu.enqueue_dma source(%dma_start3A_383 : memref<128xf32, #tpu.memory_space<hbm>>) target(%dma_start3A_381 : memref<128xf32, #tpu.memory_space<vmem>>) target_semaphore(%run_scoped3A : memref<!tpu.dma_semaphore, #tpu.memory_space<semaphore_mem>>)
        %dma_wait3A_384 = arith.constant 0 : i32
        %dma_wait3A_385 = tpu.memref_slice %arg6[%dma_wait3A_384] : memref<10416xf32, #tpu.memory_space<vmem>> -> memref<128xf32, #tpu.memory_space<vmem>>
        %dma_wait3A_386 = arith.constant 1999872 : i32
        %dma_wait3A_387 = tpu.memref_slice %arg2[%dma_wait3A_386] : memref<4000000xf32, #tpu.memory_space<hbm>> -> memref<128xf32, #tpu.memory_space<hbm>>
        %dma_wait3A_388 = arith.constant 0 : i32
        %dma_wait3A_389 = tpu.memref_slice %arg6[%dma_wait3A_388] : memref<10416xf32, #tpu.memory_space<vmem>> -> memref<128xf32, #tpu.memory_space<vmem>>
        %dma_wait3A_390 = arith.constant 1999872 : i32
        %dma_wait3A_391 = tpu.memref_slice %arg2[%dma_wait3A_390] : memref<4000000xf32, #tpu.memory_space<hbm>> -> memref<128xf32, #tpu.memory_space<hbm>>
        tpu.wait_dma2 semaphore(%run_scoped3A : memref<!tpu.dma_semaphore, #tpu.memory_space<semaphore_mem>>) src(%dma_wait3A_391 : memref<128xf32, #tpu.memory_space<hbm>>) dst(%dma_wait3A_389 : memref<128xf32, #tpu.memory_space<vmem>>)
        tpu.yield
      }) : () -> ()
      "tpu.region"() ({
        %run_scoped3A = tpu.sem_alloc : memref<!tpu.dma_semaphore, #tpu.memory_space<semaphore_mem>>
        %dma_start3A_376 = arith.constant 0 : i32
        %dma_start3A_377 = tpu.memref_slice %arg8[%dma_start3A_376] : memref<10416xf32, #tpu.memory_space<vmem>> -> memref<128xf32, #tpu.memory_space<vmem>>
        %dma_start3A_378 = arith.constant 3999872 : i32
        %dma_start3A_379 = tpu.memref_slice %arg2[%dma_start3A_378] : memref<4000000xf32, #tpu.memory_space<hbm>> -> memref<128xf32, #tpu.memory_space<hbm>>
        %dma_start3A_380 = arith.constant 0 : i32
        %dma_start3A_381 = tpu.memref_slice %arg8[%dma_start3A_380] : memref<10416xf32, #tpu.memory_space<vmem>> -> memref<128xf32, #tpu.memory_space<vmem>>
        %dma_start3A_382 = arith.constant 3999872 : i32
        %dma_start3A_383 = tpu.memref_slice %arg2[%dma_start3A_382] : memref<4000000xf32, #tpu.memory_space<hbm>> -> memref<128xf32, #tpu.memory_space<hbm>>
        tpu.enqueue_dma source(%dma_start3A_383 : memref<128xf32, #tpu.memory_space<hbm>>) target(%dma_start3A_381 : memref<128xf32, #tpu.memory_space<vmem>>) target_semaphore(%run_scoped3A : memref<!tpu.dma_semaphore, #tpu.memory_space<semaphore_mem>>)
        %dma_wait3A_384 = arith.constant 0 : i32
        %dma_wait3A_385 = tpu.memref_slice %arg8[%dma_wait3A_384] : memref<10416xf32, #tpu.memory_space<vmem>> -> memref<128xf32, #tpu.memory_space<vmem>>
        %dma_wait3A_386 = arith.constant 3999872 : i32
        %dma_wait3A_387 = tpu.memref_slice %arg2[%dma_wait3A_386] : memref<4000000xf32, #tpu.memory_space<hbm>> -> memref<128xf32, #tpu.memory_space<hbm>>
        %dma_wait3A_388 = arith.constant 0 : i32
        %dma_wait3A_389 = tpu.memref_slice %arg8[%dma_wait3A_388] : memref<10416xf32, #tpu.memory_space<vmem>> -> memref<128xf32, #tpu.memory_space<vmem>>
        %dma_wait3A_390 = arith.constant 3999872 : i32
        %dma_wait3A_391 = tpu.memref_slice %arg2[%dma_wait3A_390] : memref<4000000xf32, #tpu.memory_space<hbm>> -> memref<128xf32, #tpu.memory_space<hbm>>
        tpu.wait_dma2 semaphore(%run_scoped3A : memref<!tpu.dma_semaphore, #tpu.memory_space<semaphore_mem>>) src(%dma_wait3A_391 : memref<128xf32, #tpu.memory_space<hbm>>) dst(%dma_wait3A_389 : memref<128xf32, #tpu.memory_space<vmem>>)
        tpu.yield
      }) : () -> ()
      %scan3A = arith.constant 0 : i32
      %scan3A_371 = arith.constant 0 : i32
      %scan3A_372 = arith.constant 8 : i32
      %scan3A_373 = arith.addi %scan3A_371, %scan3A_372 : i32
      %scan3A_374 = arith.constant 1 : i32
      scf.for %scan3A_376 = %scan3A_371 to %scan3A_373 step %scan3A_374  : i32 {
        %mul3A_377 = arith.constant 16 : i32
        %mul3A_378 = arith.muli %scan3A_376, %mul3A_377 : i32
        %get3A_379 = arith.index_cast %mul3A_378 : i32 to index
        %get3A_380 = tpu.vector_load %arg10[%get3A_379] {strides = array<i32>} : memref<10416xf32, #tpu.memory_space<vmem>>, vector<16xf32>,
        %convert_element_type3A_381 = arith.fptosi %get3A_380 : vector<16xf32> to vector<16xi32>
        %mul3A_382 = arith.constant 16 : i32
        %mul3A_383 = arith.muli %scan3A_376, %mul3A_382 : i32
        %get3A_384 = arith.index_cast %mul3A_383 : i32 to index
        %get3A_385 = tpu.vector_load %arg6[%get3A_384] {strides = array<i32>} : memref<10416xf32, #tpu.memory_space<vmem>>, vector<16xf32>,
        %mul3A_386 = arith.constant 16 : i32
        %mul3A_387 = arith.muli %scan3A_376, %mul3A_386 : i32
        %get3A_388 = arith.index_cast %mul3A_387 : i32 to index
        %get3A_389 = tpu.vector_load %arg8[%get3A_388] {strides = array<i32>} : memref<10416xf32, #tpu.memory_space<vmem>>, vector<16xf32>,
        %broadcast_in_dim3A_390 = vector.shape_cast %convert_element_type3A_381 : vector<16xi32> to vector<16x1xi32>
        %gather3A_391 = vector.shape_cast %broadcast_in_dim3A_390 : vector<16x1xi32> to vector<16xi32>
        %gather3A_392 = tpu.dynamic_gather %get3A_74[%gather3A_391] in [0] : vector<16xf32>, vector<16xi32> -> vector<16xf32>
        %broadcast_in_dim3A_393 = vector.shape_cast %convert_element_type3A_381 : vector<16xi32> to vector<16x1xi32>
        %gather3A_394 = vector.shape_cast %broadcast_in_dim3A_393 : vector<16x1xi32> to vector<16xi32>
        %gather3A_395 = tpu.dynamic_gather %get3A_76[%gather3A_394] in [0] : vector<16xf32>, vector<16xi32> -> vector<16xf32>
        %sub3A = arith.subf %get3A_385, %gather3A_392 : vector<16xf32>
        %sub3A_396 = arith.subf %get3A_389, %gather3A_395 : vector<16xf32>
        %mul3A_397 = arith.mulf %sub3A, %sub3A : vector<16xf32>
        %mul3A_398 = arith.mulf %sub3A_396, %sub3A_396 : vector<16xf32>
        %add3A_399 = arith.addf %mul3A_397, %mul3A_398 : vector<16xf32>
        %add3A_400 = arith.addi %mul3A_6, %convert_element_type3A_381 : vector<16xi32>
        tpu.vector_store_idx %arg13[%add3A_400], %add3A_399 {add = true} : memref<272xf32, #tpu.memory_space<vmem>>[vector<16xi32>], vector<16xf32>,
        tpu.vector_store_idx %arg14[%add3A_400], %broadcast_in_dim3A_3 {add = true} : memref<272xf32, #tpu.memory_space<vmem>>[vector<16xi32>], vector<16xf32>,
      }
      %scan3A_375 = arith.constant 8 : i32
    } else {
    }
    %add3A_202 = arith.constant 0 : i32
    %add3A_203 = vector.broadcast %add3A_202 : i32 to vector<16xi32>
    %add3A_204 = arith.addi %iota3A, %add3A_203 : vector<16xi32>
    %gather3A = tpu.vector_load_idx %arg13[%add3A_204] : memref<272xf32, #tpu.memory_space<vmem>>[vector<16xi32>], vector<16xf32>,
    %add3A_205 = arith.addf %broadcast_in_dim3A_1, %gather3A : vector<16xf32>
    %add3A_206 = arith.constant 0 : i32
    %add3A_207 = vector.broadcast %add3A_206 : i32 to vector<16xi32>
    %add3A_208 = arith.addi %iota3A, %add3A_207 : vector<16xi32>
    %gather3A_209 = tpu.vector_load_idx %arg14[%add3A_208] : memref<272xf32, #tpu.memory_space<vmem>>[vector<16xi32>], vector<16xf32>,
    %add3A_210 = arith.addf %broadcast_in_dim3A_1, %gather3A_209 : vector<16xf32>
    %add3A_211 = arith.constant 17 : i32
    %add3A_212 = vector.broadcast %add3A_211 : i32 to vector<16xi32>
    %add3A_213 = arith.addi %iota3A, %add3A_212 : vector<16xi32>
    %gather3A_214 = tpu.vector_load_idx %arg13[%add3A_213] : memref<272xf32, #tpu.memory_space<vmem>>[vector<16xi32>], vector<16xf32>,
    %add3A_215 = arith.addf %add3A_205, %gather3A_214 : vector<16xf32>
    %add3A_216 = arith.constant 17 : i32
    %add3A_217 = vector.broadcast %add3A_216 : i32 to vector<16xi32>
    %add3A_218 = arith.addi %iota3A, %add3A_217 : vector<16xi32>
    %gather3A_219 = tpu.vector_load_idx %arg14[%add3A_218] : memref<272xf32, #tpu.memory_space<vmem>>[vector<16xi32>], vector<16xf32>,
    %add3A_220 = arith.addf %add3A_210, %gather3A_219 : vector<16xf32>
    %add3A_221 = arith.constant 34 : i32
    %add3A_222 = vector.broadcast %add3A_221 : i32 to vector<16xi32>
    %add3A_223 = arith.addi %iota3A, %add3A_222 : vector<16xi32>
    %gather3A_224 = tpu.vector_load_idx %arg13[%add3A_223] : memref<272xf32, #tpu.memory_space<vmem>>[vector<16xi32>], vector<16xf32>,
    %add3A_225 = arith.addf %add3A_215, %gather3A_224 : vector<16xf32>
    %add3A_226 = arith.constant 34 : i32
    %add3A_227 = vector.broadcast %add3A_226 : i32 to vector<16xi32>
    %add3A_228 = arith.addi %iota3A, %add3A_227 : vector<16xi32>
    %gather3A_229 = tpu.vector_load_idx %arg14[%add3A_228] : memref<272xf32, #tpu.memory_space<vmem>>[vector<16xi32>], vector<16xf32>,
    %add3A_230 = arith.addf %add3A_220, %gather3A_229 : vector<16xf32>
    %add3A_231 = arith.constant 51 : i32
    %add3A_232 = vector.broadcast %add3A_231 : i32 to vector<16xi32>
    %add3A_233 = arith.addi %iota3A, %add3A_232 : vector<16xi32>
    %gather3A_234 = tpu.vector_load_idx %arg13[%add3A_233] : memref<272xf32, #tpu.memory_space<vmem>>[vector<16xi32>], vector<16xf32>,
    %add3A_235 = arith.addf %add3A_225, %gather3A_234 : vector<16xf32>
    %add3A_236 = arith.constant 51 : i32
    %add3A_237 = vector.broadcast %add3A_236 : i32 to vector<16xi32>
    %add3A_238 = arith.addi %iota3A, %add3A_237 : vector<16xi32>
    %gather3A_239 = tpu.vector_load_idx %arg14[%add3A_238] : memref<272xf32, #tpu.memory_space<vmem>>[vector<16xi32>], vector<16xf32>,
    %add3A_240 = arith.addf %add3A_230, %gather3A_239 : vector<16xf32>
    %add3A_241 = arith.constant 68 : i32
    %add3A_242 = vector.broadcast %add3A_241 : i32 to vector<16xi32>
    %add3A_243 = arith.addi %iota3A, %add3A_242 : vector<16xi32>
    %gather3A_244 = tpu.vector_load_idx %arg13[%add3A_243] : memref<272xf32, #tpu.memory_space<vmem>>[vector<16xi32>], vector<16xf32>,
    %add3A_245 = arith.addf %add3A_235, %gather3A_244 : vector<16xf32>
    %add3A_246 = arith.constant 68 : i32
    %add3A_247 = vector.broadcast %add3A_246 : i32 to vector<16xi32>
    %add3A_248 = arith.addi %iota3A, %add3A_247 : vector<16xi32>
    %gather3A_249 = tpu.vector_load_idx %arg14[%add3A_248] : memref<272xf32, #tpu.memory_space<vmem>>[vector<16xi32>], vector<16xf32>,
    %add3A_250 = arith.addf %add3A_240, %gather3A_249 : vector<16xf32>
    %add3A_251 = arith.constant 85 : i32
    %add3A_252 = vector.broadcast %add3A_251 : i32 to vector<16xi32>
    %add3A_253 = arith.addi %iota3A, %add3A_252 : vector<16xi32>
    %gather3A_254 = tpu.vector_load_idx %arg13[%add3A_253] : memref<272xf32, #tpu.memory_space<vmem>>[vector<16xi32>], vector<16xf32>,
    %add3A_255 = arith.addf %add3A_245, %gather3A_254 : vector<16xf32>
    %add3A_256 = arith.constant 85 : i32
    %add3A_257 = vector.broadcast %add3A_256 : i32 to vector<16xi32>
    %add3A_258 = arith.addi %iota3A, %add3A_257 : vector<16xi32>
    %gather3A_259 = tpu.vector_load_idx %arg14[%add3A_258] : memref<272xf32, #tpu.memory_space<vmem>>[vector<16xi32>], vector<16xf32>,
    %add3A_260 = arith.addf %add3A_250, %gather3A_259 : vector<16xf32>
    %add3A_261 = arith.constant 102 : i32
    %add3A_262 = vector.broadcast %add3A_261 : i32 to vector<16xi32>
    %add3A_263 = arith.addi %iota3A, %add3A_262 : vector<16xi32>
    %gather3A_264 = tpu.vector_load_idx %arg13[%add3A_263] : memref<272xf32, #tpu.memory_space<vmem>>[vector<16xi32>], vector<16xf32>,
    %add3A_265 = arith.addf %add3A_255, %gather3A_264 : vector<16xf32>
    %add3A_266 = arith.constant 102 : i32
    %add3A_267 = vector.broadcast %add3A_266 : i32 to vector<16xi32>
    %add3A_268 = arith.addi %iota3A, %add3A_267 : vector<16xi32>
    %gather3A_269 = tpu.vector_load_idx %arg14[%add3A_268] : memref<272xf32, #tpu.memory_space<vmem>>[vector<16xi32>], vector<16xf32>,
    %add3A_270 = arith.addf %add3A_260, %gather3A_269 : vector<16xf32>
    %add3A_271 = arith.constant 119 : i32
    %add3A_272 = vector.broadcast %add3A_271 : i32 to vector<16xi32>
    %add3A_273 = arith.addi %iota3A, %add3A_272 : vector<16xi32>
    %gather3A_274 = tpu.vector_load_idx %arg13[%add3A_273] : memref<272xf32, #tpu.memory_space<vmem>>[vector<16xi32>], vector<16xf32>,
    %add3A_275 = arith.addf %add3A_265, %gather3A_274 : vector<16xf32>
    %add3A_276 = arith.constant 119 : i32
    %add3A_277 = vector.broadcast %add3A_276 : i32 to vector<16xi32>
    %add3A_278 = arith.addi %iota3A, %add3A_277 : vector<16xi32>
    %gather3A_279 = tpu.vector_load_idx %arg14[%add3A_278] : memref<272xf32, #tpu.memory_space<vmem>>[vector<16xi32>], vector<16xf32>,
    %add3A_280 = arith.addf %add3A_270, %gather3A_279 : vector<16xf32>
    %add3A_281 = arith.constant 136 : i32
    %add3A_282 = vector.broadcast %add3A_281 : i32 to vector<16xi32>
    %add3A_283 = arith.addi %iota3A, %add3A_282 : vector<16xi32>
    %gather3A_284 = tpu.vector_load_idx %arg13[%add3A_283] : memref<272xf32, #tpu.memory_space<vmem>>[vector<16xi32>], vector<16xf32>,
    %add3A_285 = arith.addf %add3A_275, %gather3A_284 : vector<16xf32>
    %add3A_286 = arith.constant 136 : i32
    %add3A_287 = vector.broadcast %add3A_286 : i32 to vector<16xi32>
    %add3A_288 = arith.addi %iota3A, %add3A_287 : vector<16xi32>
    %gather3A_289 = tpu.vector_load_idx %arg14[%add3A_288] : memref<272xf32, #tpu.memory_space<vmem>>[vector<16xi32>], vector<16xf32>,
    %add3A_290 = arith.addf %add3A_280, %gather3A_289 : vector<16xf32>
    %add3A_291 = arith.constant 153 : i32
    %add3A_292 = vector.broadcast %add3A_291 : i32 to vector<16xi32>
    %add3A_293 = arith.addi %iota3A, %add3A_292 : vector<16xi32>
    %gather3A_294 = tpu.vector_load_idx %arg13[%add3A_293] : memref<272xf32, #tpu.memory_space<vmem>>[vector<16xi32>], vector<16xf32>,
    %add3A_295 = arith.addf %add3A_285, %gather3A_294 : vector<16xf32>
    %add3A_296 = arith.constant 153 : i32
    %add3A_297 = vector.broadcast %add3A_296 : i32 to vector<16xi32>
    %add3A_298 = arith.addi %iota3A, %add3A_297 : vector<16xi32>
    %gather3A_299 = tpu.vector_load_idx %arg14[%add3A_298] : memref<272xf32, #tpu.memory_space<vmem>>[vector<16xi32>], vector<16xf32>,
    %add3A_300 = arith.addf %add3A_290, %gather3A_299 : vector<16xf32>
    %add3A_301 = arith.constant 170 : i32
    %add3A_302 = vector.broadcast %add3A_301 : i32 to vector<16xi32>
    %add3A_303 = arith.addi %iota3A, %add3A_302 : vector<16xi32>
    %gather3A_304 = tpu.vector_load_idx %arg13[%add3A_303] : memref<272xf32, #tpu.memory_space<vmem>>[vector<16xi32>], vector<16xf32>,
    %add3A_305 = arith.addf %add3A_295, %gather3A_304 : vector<16xf32>
    %add3A_306 = arith.constant 170 : i32
    %add3A_307 = vector.broadcast %add3A_306 : i32 to vector<16xi32>
    %add3A_308 = arith.addi %iota3A, %add3A_307 : vector<16xi32>
    %gather3A_309 = tpu.vector_load_idx %arg14[%add3A_308] : memref<272xf32, #tpu.memory_space<vmem>>[vector<16xi32>], vector<16xf32>,
    %add3A_310 = arith.addf %add3A_300, %gather3A_309 : vector<16xf32>
    %add3A_311 = arith.constant 187 : i32
    %add3A_312 = vector.broadcast %add3A_311 : i32 to vector<16xi32>
    %add3A_313 = arith.addi %iota3A, %add3A_312 : vector<16xi32>
    %gather3A_314 = tpu.vector_load_idx %arg13[%add3A_313] : memref<272xf32, #tpu.memory_space<vmem>>[vector<16xi32>], vector<16xf32>,
    %add3A_315 = arith.addf %add3A_305, %gather3A_314 : vector<16xf32>
    %add3A_316 = arith.constant 187 : i32
    %add3A_317 = vector.broadcast %add3A_316 : i32 to vector<16xi32>
    %add3A_318 = arith.addi %iota3A, %add3A_317 : vector<16xi32>
    %gather3A_319 = tpu.vector_load_idx %arg14[%add3A_318] : memref<272xf32, #tpu.memory_space<vmem>>[vector<16xi32>], vector<16xf32>,
    %add3A_320 = arith.addf %add3A_310, %gather3A_319 : vector<16xf32>
    %add3A_321 = arith.constant 204 : i32
    %add3A_322 = vector.broadcast %add3A_321 : i32 to vector<16xi32>
    %add3A_323 = arith.addi %iota3A, %add3A_322 : vector<16xi32>
    %gather3A_324 = tpu.vector_load_idx %arg13[%add3A_323] : memref<272xf32, #tpu.memory_space<vmem>>[vector<16xi32>], vector<16xf32>,
    %add3A_325 = arith.addf %add3A_315, %gather3A_324 : vector<16xf32>
    %add3A_326 = arith.constant 204 : i32
    %add3A_327 = vector.broadcast %add3A_326 : i32 to vector<16xi32>
    %add3A_328 = arith.addi %iota3A, %add3A_327 : vector<16xi32>
    %gather3A_329 = tpu.vector_load_idx %arg14[%add3A_328] : memref<272xf32, #tpu.memory_space<vmem>>[vector<16xi32>], vector<16xf32>,
    %add3A_330 = arith.addf %add3A_320, %gather3A_329 : vector<16xf32>
    %add3A_331 = arith.constant 221 : i32
    %add3A_332 = vector.broadcast %add3A_331 : i32 to vector<16xi32>
    %add3A_333 = arith.addi %iota3A, %add3A_332 : vector<16xi32>
    %gather3A_334 = tpu.vector_load_idx %arg13[%add3A_333] : memref<272xf32, #tpu.memory_space<vmem>>[vector<16xi32>], vector<16xf32>,
    %add3A_335 = arith.addf %add3A_325, %gather3A_334 : vector<16xf32>
    %add3A_336 = arith.constant 221 : i32
    %add3A_337 = vector.broadcast %add3A_336 : i32 to vector<16xi32>
    %add3A_338 = arith.addi %iota3A, %add3A_337 : vector<16xi32>
    %gather3A_339 = tpu.vector_load_idx %arg14[%add3A_338] : memref<272xf32, #tpu.memory_space<vmem>>[vector<16xi32>], vector<16xf32>,
    %add3A_340 = arith.addf %add3A_330, %gather3A_339 : vector<16xf32>
    %add3A_341 = arith.constant 238 : i32
    %add3A_342 = vector.broadcast %add3A_341 : i32 to vector<16xi32>
    %add3A_343 = arith.addi %iota3A, %add3A_342 : vector<16xi32>
    %gather3A_344 = tpu.vector_load_idx %arg13[%add3A_343] : memref<272xf32, #tpu.memory_space<vmem>>[vector<16xi32>], vector<16xf32>,
    %add3A_345 = arith.addf %add3A_335, %gather3A_344 : vector<16xf32>
    %add3A_346 = arith.constant 238 : i32
    %add3A_347 = vector.broadcast %add3A_346 : i32 to vector<16xi32>
    %add3A_348 = arith.addi %iota3A, %add3A_347 : vector<16xi32>
    %gather3A_349 = tpu.vector_load_idx %arg14[%add3A_348] : memref<272xf32, #tpu.memory_space<vmem>>[vector<16xi32>], vector<16xf32>,
    %add3A_350 = arith.addf %add3A_340, %gather3A_349 : vector<16xf32>
    %add3A_351 = arith.constant 255 : i32
    %add3A_352 = vector.broadcast %add3A_351 : i32 to vector<16xi32>
    %add3A_353 = arith.addi %iota3A, %add3A_352 : vector<16xi32>
    %gather3A_354 = tpu.vector_load_idx %arg13[%add3A_353] : memref<272xf32, #tpu.memory_space<vmem>>[vector<16xi32>], vector<16xf32>,
    %add3A_355 = arith.addf %add3A_345, %gather3A_354 : vector<16xf32>
    %add3A_356 = arith.constant 255 : i32
    %add3A_357 = vector.broadcast %add3A_356 : i32 to vector<16xi32>
    %add3A_358 = arith.addi %iota3A, %add3A_357 : vector<16xi32>
    %gather3A_359 = tpu.vector_load_idx %arg14[%add3A_358] : memref<272xf32, #tpu.memory_space<vmem>>[vector<16xi32>], vector<16xf32>,
    %add3A_360 = arith.addf %add3A_350, %gather3A_359 : vector<16xf32>
    %swap3A_361 = arith.constant 0 : index
    %swap3A_362 = tpu.vector_load %arg12[%swap3A_361] {strides = array<i32>} : memref<32xf32, #tpu.memory_space<vmem>>, vector<16xf32>,
    tpu.vector_store %arg12[%swap3A_361], %add3A_355 {strides = array<i32>} : memref<32xf32, #tpu.memory_space<vmem>>, vector<16xf32>,
    %swap3A_363 = arith.constant 16 : index
    %swap3A_364 = tpu.vector_load %arg12[%swap3A_363] {strides = array<i32>} : memref<32xf32, #tpu.memory_space<vmem>>, vector<16xf32>,
    tpu.vector_store %arg12[%swap3A_363], %add3A_360 {strides = array<i32>} : memref<32xf32, #tpu.memory_space<vmem>>, vector<16xf32>,
    %mul3A_365 = arith.constant 16 : i32
    %mul3A_366 = arith.muli %mul3A_365, %add3A : i32
    "tpu.region"() ({
      %run_scoped3A = tpu.sem_alloc : memref<!tpu.dma_semaphore, #tpu.memory_space<semaphore_mem>>
      %dma_start3A_371 = arith.constant 0 : i32
      %dma_start3A_372 = tpu.memref_slice %arg12[%dma_start3A_371] : memref<32xf32, #tpu.memory_space<vmem>> -> memref<16xf32, #tpu.memory_space<vmem>>
      %dma_start3A_373 = tpu.memref_slice %arg5[%mul3A_366] : memref<1024xf32, #tpu.memory_space<hbm>> -> memref<16xf32, #tpu.memory_space<hbm>>
      %dma_start3A_374 = tpu.memref_slice %arg5[%mul3A_366] : memref<1024xf32, #tpu.memory_space<hbm>> -> memref<16xf32, #tpu.memory_space<hbm>>
      %dma_start3A_375 = arith.constant 0 : i32
      %dma_start3A_376 = tpu.memref_slice %arg12[%dma_start3A_375] : memref<32xf32, #tpu.memory_space<vmem>> -> memref<16xf32, #tpu.memory_space<vmem>>
      tpu.enqueue_dma source(%dma_start3A_376 : memref<16xf32, #tpu.memory_space<vmem>>) target(%dma_start3A_374 : memref<16xf32, #tpu.memory_space<hbm>>) target_semaphore(%run_scoped3A : memref<!tpu.dma_semaphore, #tpu.memory_space<semaphore_mem>>)
      %dma_wait3A_377 = arith.constant 0 : i32
      %dma_wait3A_378 = tpu.memref_slice %arg12[%dma_wait3A_377] : memref<32xf32, #tpu.memory_space<vmem>> -> memref<16xf32, #tpu.memory_space<vmem>>
      %dma_wait3A_379 = tpu.memref_slice %arg5[%mul3A_366] : memref<1024xf32, #tpu.memory_space<hbm>> -> memref<16xf32, #tpu.memory_space<hbm>>
      %dma_wait3A_380 = tpu.memref_slice %arg5[%mul3A_366] : memref<1024xf32, #tpu.memory_space<hbm>> -> memref<16xf32, #tpu.memory_space<hbm>>
      %dma_wait3A_381 = arith.constant 0 : i32
      %dma_wait3A_382 = tpu.memref_slice %arg12[%dma_wait3A_381] : memref<32xf32, #tpu.memory_space<vmem>> -> memref<16xf32, #tpu.memory_space<vmem>>
      tpu.wait_dma2 semaphore(%run_scoped3A : memref<!tpu.dma_semaphore, #tpu.memory_space<semaphore_mem>>) src(%dma_wait3A_382 : memref<16xf32, #tpu.memory_space<vmem>>) dst(%dma_wait3A_380 : memref<16xf32, #tpu.memory_space<hbm>>)
      tpu.yield
    }) : () -> ()
    %mul3A_367 = arith.constant 16 : i32
    %mul3A_368 = arith.muli %mul3A_367, %add3A : i32
    %add3A_369 = arith.constant 512 : i32
    %add3A_370 = arith.addi %add3A_369, %mul3A_368 : i32
    "tpu.region"() ({
      %run_scoped3A = tpu.sem_alloc : memref<!tpu.dma_semaphore, #tpu.memory_space<semaphore_mem>>
      %dma_start3A_371 = arith.constant 16 : i32
      %dma_start3A_372 = tpu.memref_slice %arg12[%dma_start3A_371] : memref<32xf32, #tpu.memory_space<vmem>> -> memref<16xf32, #tpu.memory_space<vmem>>
      %dma_start3A_373 = tpu.memref_slice %arg5[%add3A_370] : memref<1024xf32, #tpu.memory_space<hbm>> -> memref<16xf32, #tpu.memory_space<hbm>>
      %dma_start3A_374 = tpu.memref_slice %arg5[%add3A_370] : memref<1024xf32, #tpu.memory_space<hbm>> -> memref<16xf32, #tpu.memory_space<hbm>>
      %dma_start3A_375 = arith.constant 16 : i32
      %dma_start3A_376 = tpu.memref_slice %arg12[%dma_start3A_375] : memref<32xf32, #tpu.memory_space<vmem>> -> memref<16xf32, #tpu.memory_space<vmem>>
      tpu.enqueue_dma source(%dma_start3A_376 : memref<16xf32, #tpu.memory_space<vmem>>) target(%dma_start3A_374 : memref<16xf32, #tpu.memory_space<hbm>>) target_semaphore(%run_scoped3A : memref<!tpu.dma_semaphore, #tpu.memory_space<semaphore_mem>>)
      %dma_wait3A_377 = arith.constant 16 : i32
      %dma_wait3A_378 = tpu.memref_slice %arg12[%dma_wait3A_377] : memref<32xf32, #tpu.memory_space<vmem>> -> memref<16xf32, #tpu.memory_space<vmem>>
      %dma_wait3A_379 = tpu.memref_slice %arg5[%add3A_370] : memref<1024xf32, #tpu.memory_space<hbm>> -> memref<16xf32, #tpu.memory_space<hbm>>
      %dma_wait3A_380 = tpu.memref_slice %arg5[%add3A_370] : memref<1024xf32, #tpu.memory_space<hbm>> -> memref<16xf32, #tpu.memory_space<hbm>>
      %dma_wait3A_381 = arith.constant 16 : i32
      %dma_wait3A_382 = tpu.memref_slice %arg12[%dma_wait3A_381] : memref<32xf32, #tpu.memory_space<vmem>> -> memref<16xf32, #tpu.memory_space<vmem>>
      tpu.wait_dma2 semaphore(%run_scoped3A : memref<!tpu.dma_semaphore, #tpu.memory_space<semaphore_mem>>) src(%dma_wait3A_382 : memref<16xf32, #tpu.memory_space<vmem>>) dst(%dma_wait3A_380 : memref<16xf32, #tpu.memory_space<hbm>>)
      tpu.yield
    }) : () -> ()
    return
  }
}

module attributes {stable_mosaic.version = 14 : i64} {
  func.func @_combine_kernel(%arg0: memref<8x128xf32, #tpu.memory_space<vmem>>, %arg1: memref<1x1xf32, #tpu.memory_space<smem>>, %arg2: memref<1x1xf32, #tpu.memory_space<vmem>>) attributes {dimension_semantics = [], scalar_prefetch = 0 : i64, scratch_operands = 0 : i64, tpu.core_type = #tpu.core_type<tc>} {
    %get3A = arith.constant 0 : index
    %get3A_0 = arith.constant 0 : index
    %get3A_1 = vector.load %arg0[%get3A, %get3A_0] : memref<8x128xf32, #tpu.memory_space<vmem>>, vector<8x128xf32>
    %iota3A = tpu.iota {dimensions = array<i32: 0>} : vector<8x128xi32>
    %iota3A_2 = tpu.iota {dimensions = array<i32: 1>} : vector<8x128xi32>
    %jit3A = arith.constant 16 : i32
    %eq3A = arith.constant 0 : i32
    %eq3A_3 = arith.cmpi eq, %jit3A, %eq3A : i32
    %jit3A_4 = arith.constant 1 : i32
    %select_n3A = arith.select %eq3A_3, %jit3A_4, %jit3A : i32
    %rem3A = vector.broadcast %select_n3A : i32 to vector<8x128xi32>
    %rem3A_5 = arith.remsi %iota3A_2, %rem3A : vector<8x128xi32>
    %ne3A = arith.constant 0 : i32
    %ne3A_6 = vector.broadcast %ne3A : i32 to vector<8x128xi32>
    %ne3A_7 = arith.cmpi ne, %rem3A_5, %ne3A_6 : vector<8x128xi32>
    %lt3A = arith.constant 0 : i32
    %lt3A_8 = vector.broadcast %lt3A : i32 to vector<8x128xi32>
    %lt3A_9 = arith.cmpi slt, %rem3A_5, %lt3A_8 : vector<8x128xi32>
    %lt3A_10 = arith.constant 0 : i32
    %lt3A_11 = arith.cmpi slt, %select_n3A, %lt3A_10 : i32
    %ne3A_12 = vector.broadcast %lt3A_11 : i1 to vector<8x128xi1>
    %ne3A_13 = vector.broadcast %ne3A_12 : vector<8x128xi1> to vector<8x128xi1>
    %ne3A_14 = arith.xori %lt3A_9, %ne3A_13 : vector<8x128xi1>
    %and3A = arith.andi %ne3A_14, %ne3A_7 : vector<8x128xi1>
    %add3A = vector.broadcast %select_n3A : i32 to vector<8x128xi32>
    %add3A_15 = arith.addi %rem3A_5, %add3A : vector<8x128xi32>
    %select_n3A_16 = arith.select %and3A, %add3A_15, %rem3A_5 : vector<8x128xi1>, vector<8x128xi32>
    %lt3A_17 = arith.constant 4 : i32
    %lt3A_18 = vector.broadcast %lt3A_17 : i32 to vector<8x128xi32>
    %lt3A_19 = arith.cmpi slt, %iota3A, %lt3A_18 : vector<8x128xi32>
    %jit3A_20 = arith.constant 0.000000e+00 : f32
    %broadcast_in_dim3A = vector.broadcast %jit3A_20 : f32 to vector<8x128xf32>
    %select_n3A_21 = arith.select %lt3A_19, %get3A_1, %broadcast_in_dim3A : vector<8x128xi1>, vector<8x128xf32>
    %jit3A_22 = arith.constant 0.000000e+00 : f32
    %broadcast_in_dim3A_23 = vector.broadcast %jit3A_22 : f32 to vector<8x128xf32>
    %select_n3A_24 = arith.select %lt3A_19, %broadcast_in_dim3A_23, %get3A_1 : vector<8x128xi1>, vector<8x128xf32>
    %eq3A_25 = arith.constant 0 : i32
    %eq3A_26 = vector.broadcast %eq3A_25 : i32 to vector<8x128xi32>
    %eq3A_27 = arith.cmpi eq, %select_n3A_16, %eq3A_26 : vector<8x128xi32>
    %jit3A_28 = arith.constant 0.000000e+00 : f32
    %broadcast_in_dim3A_29 = vector.broadcast %jit3A_28 : f32 to vector<8x128xf32>
    %select_n3A_30 = arith.select %eq3A_27, %select_n3A_21, %broadcast_in_dim3A_29 : vector<8x128xi1>, vector<8x128xf32>
    %reduce_sum3A = vector.shape_cast %select_n3A_30 : vector<8x128xf32> to vector<1x8x128xf32>
    %reduce_sum3A_31 = arith.constant dense<0.000000e+00> : vector<1xf32>
    %reduce_sum3A_32 = vector.multi_reduction <add>, %reduce_sum3A, %reduce_sum3A_31 [1, 2] : vector<1x8x128xf32> to vector<1xf32>
    %reduce_sum3A_33 = vector.shape_cast %reduce_sum3A_32 : vector<1xf32> to vector<1x1x1xf32>
    %reduce_sum3A_34 = vector.extract %reduce_sum3A_33[0, 0, 0] : f32 from vector<1x1x1xf32>
    %jit3A_35 = arith.constant 0.000000e+00 : f32
    %broadcast_in_dim3A_36 = vector.broadcast %jit3A_35 : f32 to vector<8x128xf32>
    %select_n3A_37 = arith.select %eq3A_27, %select_n3A_24, %broadcast_in_dim3A_36 : vector<8x128xi1>, vector<8x128xf32>
    %reduce_sum3A_38 = vector.shape_cast %select_n3A_37 : vector<8x128xf32> to vector<1x8x128xf32>
    %reduce_sum3A_39 = arith.constant dense<0.000000e+00> : vector<1xf32>
    %reduce_sum3A_40 = vector.multi_reduction <add>, %reduce_sum3A_38, %reduce_sum3A_39 [1, 2] : vector<1x8x128xf32> to vector<1xf32>
    %reduce_sum3A_41 = vector.shape_cast %reduce_sum3A_40 : vector<1xf32> to vector<1x1x1xf32>
    %reduce_sum3A_42 = vector.extract %reduce_sum3A_41[0, 0, 0] : f32 from vector<1x1x1xf32>
    %gt3A = arith.constant 0.000000e+00 : f32
    %gt3A_43 = arith.cmpf ogt, %reduce_sum3A_42, %gt3A : f32
    %max3A = arith.constant 1.000000e+00 : f32
    %max3A_44 = arith.maximumf %reduce_sum3A_42, %max3A : f32
    %div3A = arith.divf %reduce_sum3A_34, %max3A_44 : f32
    %jit3A_45 = arith.constant 0.000000e+00 : f32
    %select_n3A_46 = arith.select %gt3A_43, %div3A, %jit3A_45 : f32
    %add3A_47 = arith.constant 0.000000e+00 : f32
    %add3A_48 = arith.addf %add3A_47, %select_n3A_46 : f32
    %eq3A_49 = arith.constant 1 : i32
    %eq3A_50 = vector.broadcast %eq3A_49 : i32 to vector<8x128xi32>
    %eq3A_51 = arith.cmpi eq, %select_n3A_16, %eq3A_50 : vector<8x128xi32>
    %jit3A_52 = arith.constant 0.000000e+00 : f32
    %broadcast_in_dim3A_53 = vector.broadcast %jit3A_52 : f32 to vector<8x128xf32>
    %select_n3A_54 = arith.select %eq3A_51, %select_n3A_21, %broadcast_in_dim3A_53 : vector<8x128xi1>, vector<8x128xf32>
    %reduce_sum3A_55 = vector.shape_cast %select_n3A_54 : vector<8x128xf32> to vector<1x8x128xf32>
    %reduce_sum3A_56 = arith.constant dense<0.000000e+00> : vector<1xf32>
    %reduce_sum3A_57 = vector.multi_reduction <add>, %reduce_sum3A_55, %reduce_sum3A_56 [1, 2] : vector<1x8x128xf32> to vector<1xf32>
    %reduce_sum3A_58 = vector.shape_cast %reduce_sum3A_57 : vector<1xf32> to vector<1x1x1xf32>
    %reduce_sum3A_59 = vector.extract %reduce_sum3A_58[0, 0, 0] : f32 from vector<1x1x1xf32>
    %jit3A_60 = arith.constant 0.000000e+00 : f32
    %broadcast_in_dim3A_61 = vector.broadcast %jit3A_60 : f32 to vector<8x128xf32>
    %select_n3A_62 = arith.select %eq3A_51, %select_n3A_24, %broadcast_in_dim3A_61 : vector<8x128xi1>, vector<8x128xf32>
    %reduce_sum3A_63 = vector.shape_cast %select_n3A_62 : vector<8x128xf32> to vector<1x8x128xf32>
    %reduce_sum3A_64 = arith.constant dense<0.000000e+00> : vector<1xf32>
    %reduce_sum3A_65 = vector.multi_reduction <add>, %reduce_sum3A_63, %reduce_sum3A_64 [1, 2] : vector<1x8x128xf32> to vector<1xf32>
    %reduce_sum3A_66 = vector.shape_cast %reduce_sum3A_65 : vector<1xf32> to vector<1x1x1xf32>
    %reduce_sum3A_67 = vector.extract %reduce_sum3A_66[0, 0, 0] : f32 from vector<1x1x1xf32>
    %gt3A_68 = arith.constant 0.000000e+00 : f32
    %gt3A_69 = arith.cmpf ogt, %reduce_sum3A_67, %gt3A_68 : f32
    %max3A_70 = arith.constant 1.000000e+00 : f32
    %max3A_71 = arith.maximumf %reduce_sum3A_67, %max3A_70 : f32
    %div3A_72 = arith.divf %reduce_sum3A_59, %max3A_71 : f32
    %jit3A_73 = arith.constant 0.000000e+00 : f32
    %select_n3A_74 = arith.select %gt3A_69, %div3A_72, %jit3A_73 : f32
    %add3A_75 = arith.addf %add3A_48, %select_n3A_74 : f32
    %eq3A_76 = arith.constant 2 : i32
    %eq3A_77 = vector.broadcast %eq3A_76 : i32 to vector<8x128xi32>
    %eq3A_78 = arith.cmpi eq, %select_n3A_16, %eq3A_77 : vector<8x128xi32>
    %jit3A_79 = arith.constant 0.000000e+00 : f32
    %broadcast_in_dim3A_80 = vector.broadcast %jit3A_79 : f32 to vector<8x128xf32>
    %select_n3A_81 = arith.select %eq3A_78, %select_n3A_21, %broadcast_in_dim3A_80 : vector<8x128xi1>, vector<8x128xf32>
    %reduce_sum3A_82 = vector.shape_cast %select_n3A_81 : vector<8x128xf32> to vector<1x8x128xf32>
    %reduce_sum3A_83 = arith.constant dense<0.000000e+00> : vector<1xf32>
    %reduce_sum3A_84 = vector.multi_reduction <add>, %reduce_sum3A_82, %reduce_sum3A_83 [1, 2] : vector<1x8x128xf32> to vector<1xf32>
    %reduce_sum3A_85 = vector.shape_cast %reduce_sum3A_84 : vector<1xf32> to vector<1x1x1xf32>
    %reduce_sum3A_86 = vector.extract %reduce_sum3A_85[0, 0, 0] : f32 from vector<1x1x1xf32>
    %jit3A_87 = arith.constant 0.000000e+00 : f32
    %broadcast_in_dim3A_88 = vector.broadcast %jit3A_87 : f32 to vector<8x128xf32>
    %select_n3A_89 = arith.select %eq3A_78, %select_n3A_24, %broadcast_in_dim3A_88 : vector<8x128xi1>, vector<8x128xf32>
    %reduce_sum3A_90 = vector.shape_cast %select_n3A_89 : vector<8x128xf32> to vector<1x8x128xf32>
    %reduce_sum3A_91 = arith.constant dense<0.000000e+00> : vector<1xf32>
    %reduce_sum3A_92 = vector.multi_reduction <add>, %reduce_sum3A_90, %reduce_sum3A_91 [1, 2] : vector<1x8x128xf32> to vector<1xf32>
    %reduce_sum3A_93 = vector.shape_cast %reduce_sum3A_92 : vector<1xf32> to vector<1x1x1xf32>
    %reduce_sum3A_94 = vector.extract %reduce_sum3A_93[0, 0, 0] : f32 from vector<1x1x1xf32>
    %gt3A_95 = arith.constant 0.000000e+00 : f32
    %gt3A_96 = arith.cmpf ogt, %reduce_sum3A_94, %gt3A_95 : f32
    %max3A_97 = arith.constant 1.000000e+00 : f32
    %max3A_98 = arith.maximumf %reduce_sum3A_94, %max3A_97 : f32
    %div3A_99 = arith.divf %reduce_sum3A_86, %max3A_98 : f32
    %jit3A_100 = arith.constant 0.000000e+00 : f32
    %select_n3A_101 = arith.select %gt3A_96, %div3A_99, %jit3A_100 : f32
    %add3A_102 = arith.addf %add3A_75, %select_n3A_101 : f32
    %eq3A_103 = arith.constant 3 : i32
    %eq3A_104 = vector.broadcast %eq3A_103 : i32 to vector<8x128xi32>
    %eq3A_105 = arith.cmpi eq, %select_n3A_16, %eq3A_104 : vector<8x128xi32>
    %jit3A_106 = arith.constant 0.000000e+00 : f32
    %broadcast_in_dim3A_107 = vector.broadcast %jit3A_106 : f32 to vector<8x128xf32>
    %select_n3A_108 = arith.select %eq3A_105, %select_n3A_21, %broadcast_in_dim3A_107 : vector<8x128xi1>, vector<8x128xf32>
    %reduce_sum3A_109 = vector.shape_cast %select_n3A_108 : vector<8x128xf32> to vector<1x8x128xf32>
    %reduce_sum3A_110 = arith.constant dense<0.000000e+00> : vector<1xf32>
    %reduce_sum3A_111 = vector.multi_reduction <add>, %reduce_sum3A_109, %reduce_sum3A_110 [1, 2] : vector<1x8x128xf32> to vector<1xf32>
    %reduce_sum3A_112 = vector.shape_cast %reduce_sum3A_111 : vector<1xf32> to vector<1x1x1xf32>
    %reduce_sum3A_113 = vector.extract %reduce_sum3A_112[0, 0, 0] : f32 from vector<1x1x1xf32>
    %jit3A_114 = arith.constant 0.000000e+00 : f32
    %broadcast_in_dim3A_115 = vector.broadcast %jit3A_114 : f32 to vector<8x128xf32>
    %select_n3A_116 = arith.select %eq3A_105, %select_n3A_24, %broadcast_in_dim3A_115 : vector<8x128xi1>, vector<8x128xf32>
    %reduce_sum3A_117 = vector.shape_cast %select_n3A_116 : vector<8x128xf32> to vector<1x8x128xf32>
    %reduce_sum3A_118 = arith.constant dense<0.000000e+00> : vector<1xf32>
    %reduce_sum3A_119 = vector.multi_reduction <add>, %reduce_sum3A_117, %reduce_sum3A_118 [1, 2] : vector<1x8x128xf32> to vector<1xf32>
    %reduce_sum3A_120 = vector.shape_cast %reduce_sum3A_119 : vector<1xf32> to vector<1x1x1xf32>
    %reduce_sum3A_121 = vector.extract %reduce_sum3A_120[0, 0, 0] : f32 from vector<1x1x1xf32>
    %gt3A_122 = arith.constant 0.000000e+00 : f32
    %gt3A_123 = arith.cmpf ogt, %reduce_sum3A_121, %gt3A_122 : f32
    %max3A_124 = arith.constant 1.000000e+00 : f32
    %max3A_125 = arith.maximumf %reduce_sum3A_121, %max3A_124 : f32
    %div3A_126 = arith.divf %reduce_sum3A_113, %max3A_125 : f32
    %jit3A_127 = arith.constant 0.000000e+00 : f32
    %select_n3A_128 = arith.select %gt3A_123, %div3A_126, %jit3A_127 : f32
    %add3A_129 = arith.addf %add3A_102, %select_n3A_128 : f32
    %eq3A_130 = arith.constant 4 : i32
    %eq3A_131 = vector.broadcast %eq3A_130 : i32 to vector<8x128xi32>
    %eq3A_132 = arith.cmpi eq, %select_n3A_16, %eq3A_131 : vector<8x128xi32>
    %jit3A_133 = arith.constant 0.000000e+00 : f32
    %broadcast_in_dim3A_134 = vector.broadcast %jit3A_133 : f32 to vector<8x128xf32>
    %select_n3A_135 = arith.select %eq3A_132, %select_n3A_21, %broadcast_in_dim3A_134 : vector<8x128xi1>, vector<8x128xf32>
    %reduce_sum3A_136 = vector.shape_cast %select_n3A_135 : vector<8x128xf32> to vector<1x8x128xf32>
    %reduce_sum3A_137 = arith.constant dense<0.000000e+00> : vector<1xf32>
    %reduce_sum3A_138 = vector.multi_reduction <add>, %reduce_sum3A_136, %reduce_sum3A_137 [1, 2] : vector<1x8x128xf32> to vector<1xf32>
    %reduce_sum3A_139 = vector.shape_cast %reduce_sum3A_138 : vector<1xf32> to vector<1x1x1xf32>
    %reduce_sum3A_140 = vector.extract %reduce_sum3A_139[0, 0, 0] : f32 from vector<1x1x1xf32>
    %jit3A_141 = arith.constant 0.000000e+00 : f32
    %broadcast_in_dim3A_142 = vector.broadcast %jit3A_141 : f32 to vector<8x128xf32>
    %select_n3A_143 = arith.select %eq3A_132, %select_n3A_24, %broadcast_in_dim3A_142 : vector<8x128xi1>, vector<8x128xf32>
    %reduce_sum3A_144 = vector.shape_cast %select_n3A_143 : vector<8x128xf32> to vector<1x8x128xf32>
    %reduce_sum3A_145 = arith.constant dense<0.000000e+00> : vector<1xf32>
    %reduce_sum3A_146 = vector.multi_reduction <add>, %reduce_sum3A_144, %reduce_sum3A_145 [1, 2] : vector<1x8x128xf32> to vector<1xf32>
    %reduce_sum3A_147 = vector.shape_cast %reduce_sum3A_146 : vector<1xf32> to vector<1x1x1xf32>
    %reduce_sum3A_148 = vector.extract %reduce_sum3A_147[0, 0, 0] : f32 from vector<1x1x1xf32>
    %gt3A_149 = arith.constant 0.000000e+00 : f32
    %gt3A_150 = arith.cmpf ogt, %reduce_sum3A_148, %gt3A_149 : f32
    %max3A_151 = arith.constant 1.000000e+00 : f32
    %max3A_152 = arith.maximumf %reduce_sum3A_148, %max3A_151 : f32
    %div3A_153 = arith.divf %reduce_sum3A_140, %max3A_152 : f32
    %jit3A_154 = arith.constant 0.000000e+00 : f32
    %select_n3A_155 = arith.select %gt3A_150, %div3A_153, %jit3A_154 : f32
    %add3A_156 = arith.addf %add3A_129, %select_n3A_155 : f32
    %eq3A_157 = arith.constant 5 : i32
    %eq3A_158 = vector.broadcast %eq3A_157 : i32 to vector<8x128xi32>
    %eq3A_159 = arith.cmpi eq, %select_n3A_16, %eq3A_158 : vector<8x128xi32>
    %jit3A_160 = arith.constant 0.000000e+00 : f32
    %broadcast_in_dim3A_161 = vector.broadcast %jit3A_160 : f32 to vector<8x128xf32>
    %select_n3A_162 = arith.select %eq3A_159, %select_n3A_21, %broadcast_in_dim3A_161 : vector<8x128xi1>, vector<8x128xf32>
    %reduce_sum3A_163 = vector.shape_cast %select_n3A_162 : vector<8x128xf32> to vector<1x8x128xf32>
    %reduce_sum3A_164 = arith.constant dense<0.000000e+00> : vector<1xf32>
    %reduce_sum3A_165 = vector.multi_reduction <add>, %reduce_sum3A_163, %reduce_sum3A_164 [1, 2] : vector<1x8x128xf32> to vector<1xf32>
    %reduce_sum3A_166 = vector.shape_cast %reduce_sum3A_165 : vector<1xf32> to vector<1x1x1xf32>
    %reduce_sum3A_167 = vector.extract %reduce_sum3A_166[0, 0, 0] : f32 from vector<1x1x1xf32>
    %jit3A_168 = arith.constant 0.000000e+00 : f32
    %broadcast_in_dim3A_169 = vector.broadcast %jit3A_168 : f32 to vector<8x128xf32>
    %select_n3A_170 = arith.select %eq3A_159, %select_n3A_24, %broadcast_in_dim3A_169 : vector<8x128xi1>, vector<8x128xf32>
    %reduce_sum3A_171 = vector.shape_cast %select_n3A_170 : vector<8x128xf32> to vector<1x8x128xf32>
    %reduce_sum3A_172 = arith.constant dense<0.000000e+00> : vector<1xf32>
    %reduce_sum3A_173 = vector.multi_reduction <add>, %reduce_sum3A_171, %reduce_sum3A_172 [1, 2] : vector<1x8x128xf32> to vector<1xf32>
    %reduce_sum3A_174 = vector.shape_cast %reduce_sum3A_173 : vector<1xf32> to vector<1x1x1xf32>
    %reduce_sum3A_175 = vector.extract %reduce_sum3A_174[0, 0, 0] : f32 from vector<1x1x1xf32>
    %gt3A_176 = arith.constant 0.000000e+00 : f32
    %gt3A_177 = arith.cmpf ogt, %reduce_sum3A_175, %gt3A_176 : f32
    %max3A_178 = arith.constant 1.000000e+00 : f32
    %max3A_179 = arith.maximumf %reduce_sum3A_175, %max3A_178 : f32
    %div3A_180 = arith.divf %reduce_sum3A_167, %max3A_179 : f32
    %jit3A_181 = arith.constant 0.000000e+00 : f32
    %select_n3A_182 = arith.select %gt3A_177, %div3A_180, %jit3A_181 : f32
    %add3A_183 = arith.addf %add3A_156, %select_n3A_182 : f32
    %eq3A_184 = arith.constant 6 : i32
    %eq3A_185 = vector.broadcast %eq3A_184 : i32 to vector<8x128xi32>
    %eq3A_186 = arith.cmpi eq, %select_n3A_16, %eq3A_185 : vector<8x128xi32>
    %jit3A_187 = arith.constant 0.000000e+00 : f32
    %broadcast_in_dim3A_188 = vector.broadcast %jit3A_187 : f32 to vector<8x128xf32>
    %select_n3A_189 = arith.select %eq3A_186, %select_n3A_21, %broadcast_in_dim3A_188 : vector<8x128xi1>, vector<8x128xf32>
    %reduce_sum3A_190 = vector.shape_cast %select_n3A_189 : vector<8x128xf32> to vector<1x8x128xf32>
    %reduce_sum3A_191 = arith.constant dense<0.000000e+00> : vector<1xf32>
    %reduce_sum3A_192 = vector.multi_reduction <add>, %reduce_sum3A_190, %reduce_sum3A_191 [1, 2] : vector<1x8x128xf32> to vector<1xf32>
    %reduce_sum3A_193 = vector.shape_cast %reduce_sum3A_192 : vector<1xf32> to vector<1x1x1xf32>
    %reduce_sum3A_194 = vector.extract %reduce_sum3A_193[0, 0, 0] : f32 from vector<1x1x1xf32>
    %jit3A_195 = arith.constant 0.000000e+00 : f32
    %broadcast_in_dim3A_196 = vector.broadcast %jit3A_195 : f32 to vector<8x128xf32>
    %select_n3A_197 = arith.select %eq3A_186, %select_n3A_24, %broadcast_in_dim3A_196 : vector<8x128xi1>, vector<8x128xf32>
    %reduce_sum3A_198 = vector.shape_cast %select_n3A_197 : vector<8x128xf32> to vector<1x8x128xf32>
    %reduce_sum3A_199 = arith.constant dense<0.000000e+00> : vector<1xf32>
    %reduce_sum3A_200 = vector.multi_reduction <add>, %reduce_sum3A_198, %reduce_sum3A_199 [1, 2] : vector<1x8x128xf32> to vector<1xf32>
    %reduce_sum3A_201 = vector.shape_cast %reduce_sum3A_200 : vector<1xf32> to vector<1x1x1xf32>
    %reduce_sum3A_202 = vector.extract %reduce_sum3A_201[0, 0, 0] : f32 from vector<1x1x1xf32>
    %gt3A_203 = arith.constant 0.000000e+00 : f32
    %gt3A_204 = arith.cmpf ogt, %reduce_sum3A_202, %gt3A_203 : f32
    %max3A_205 = arith.constant 1.000000e+00 : f32
    %max3A_206 = arith.maximumf %reduce_sum3A_202, %max3A_205 : f32
    %div3A_207 = arith.divf %reduce_sum3A_194, %max3A_206 : f32
    %jit3A_208 = arith.constant 0.000000e+00 : f32
    %select_n3A_209 = arith.select %gt3A_204, %div3A_207, %jit3A_208 : f32
    %add3A_210 = arith.addf %add3A_183, %select_n3A_209 : f32
    %eq3A_211 = arith.constant 7 : i32
    %eq3A_212 = vector.broadcast %eq3A_211 : i32 to vector<8x128xi32>
    %eq3A_213 = arith.cmpi eq, %select_n3A_16, %eq3A_212 : vector<8x128xi32>
    %jit3A_214 = arith.constant 0.000000e+00 : f32
    %broadcast_in_dim3A_215 = vector.broadcast %jit3A_214 : f32 to vector<8x128xf32>
    %select_n3A_216 = arith.select %eq3A_213, %select_n3A_21, %broadcast_in_dim3A_215 : vector<8x128xi1>, vector<8x128xf32>
    %reduce_sum3A_217 = vector.shape_cast %select_n3A_216 : vector<8x128xf32> to vector<1x8x128xf32>
    %reduce_sum3A_218 = arith.constant dense<0.000000e+00> : vector<1xf32>
    %reduce_sum3A_219 = vector.multi_reduction <add>, %reduce_sum3A_217, %reduce_sum3A_218 [1, 2] : vector<1x8x128xf32> to vector<1xf32>
    %reduce_sum3A_220 = vector.shape_cast %reduce_sum3A_219 : vector<1xf32> to vector<1x1x1xf32>
    %reduce_sum3A_221 = vector.extract %reduce_sum3A_220[0, 0, 0] : f32 from vector<1x1x1xf32>
    %jit3A_222 = arith.constant 0.000000e+00 : f32
    %broadcast_in_dim3A_223 = vector.broadcast %jit3A_222 : f32 to vector<8x128xf32>
    %select_n3A_224 = arith.select %eq3A_213, %select_n3A_24, %broadcast_in_dim3A_223 : vector<8x128xi1>, vector<8x128xf32>
    %reduce_sum3A_225 = vector.shape_cast %select_n3A_224 : vector<8x128xf32> to vector<1x8x128xf32>
    %reduce_sum3A_226 = arith.constant dense<0.000000e+00> : vector<1xf32>
    %reduce_sum3A_227 = vector.multi_reduction <add>, %reduce_sum3A_225, %reduce_sum3A_226 [1, 2] : vector<1x8x128xf32> to vector<1xf32>
    %reduce_sum3A_228 = vector.shape_cast %reduce_sum3A_227 : vector<1xf32> to vector<1x1x1xf32>
    %reduce_sum3A_229 = vector.extract %reduce_sum3A_228[0, 0, 0] : f32 from vector<1x1x1xf32>
    %gt3A_230 = arith.constant 0.000000e+00 : f32
    %gt3A_231 = arith.cmpf ogt, %reduce_sum3A_229, %gt3A_230 : f32
    %max3A_232 = arith.constant 1.000000e+00 : f32
    %max3A_233 = arith.maximumf %reduce_sum3A_229, %max3A_232 : f32
    %div3A_234 = arith.divf %reduce_sum3A_221, %max3A_233 : f32
    %jit3A_235 = arith.constant 0.000000e+00 : f32
    %select_n3A_236 = arith.select %gt3A_231, %div3A_234, %jit3A_235 : f32
    %add3A_237 = arith.addf %add3A_210, %select_n3A_236 : f32
    %eq3A_238 = arith.constant 8 : i32
    %eq3A_239 = vector.broadcast %eq3A_238 : i32 to vector<8x128xi32>
    %eq3A_240 = arith.cmpi eq, %select_n3A_16, %eq3A_239 : vector<8x128xi32>
    %jit3A_241 = arith.constant 0.000000e+00 : f32
    %broadcast_in_dim3A_242 = vector.broadcast %jit3A_241 : f32 to vector<8x128xf32>
    %select_n3A_243 = arith.select %eq3A_240, %select_n3A_21, %broadcast_in_dim3A_242 : vector<8x128xi1>, vector<8x128xf32>
    %reduce_sum3A_244 = vector.shape_cast %select_n3A_243 : vector<8x128xf32> to vector<1x8x128xf32>
    %reduce_sum3A_245 = arith.constant dense<0.000000e+00> : vector<1xf32>
    %reduce_sum3A_246 = vector.multi_reduction <add>, %reduce_sum3A_244, %reduce_sum3A_245 [1, 2] : vector<1x8x128xf32> to vector<1xf32>
    %reduce_sum3A_247 = vector.shape_cast %reduce_sum3A_246 : vector<1xf32> to vector<1x1x1xf32>
    %reduce_sum3A_248 = vector.extract %reduce_sum3A_247[0, 0, 0] : f32 from vector<1x1x1xf32>
    %jit3A_249 = arith.constant 0.000000e+00 : f32
    %broadcast_in_dim3A_250 = vector.broadcast %jit3A_249 : f32 to vector<8x128xf32>
    %select_n3A_251 = arith.select %eq3A_240, %select_n3A_24, %broadcast_in_dim3A_250 : vector<8x128xi1>, vector<8x128xf32>
    %reduce_sum3A_252 = vector.shape_cast %select_n3A_251 : vector<8x128xf32> to vector<1x8x128xf32>
    %reduce_sum3A_253 = arith.constant dense<0.000000e+00> : vector<1xf32>
    %reduce_sum3A_254 = vector.multi_reduction <add>, %reduce_sum3A_252, %reduce_sum3A_253 [1, 2] : vector<1x8x128xf32> to vector<1xf32>
    %reduce_sum3A_255 = vector.shape_cast %reduce_sum3A_254 : vector<1xf32> to vector<1x1x1xf32>
    %reduce_sum3A_256 = vector.extract %reduce_sum3A_255[0, 0, 0] : f32 from vector<1x1x1xf32>
    %gt3A_257 = arith.constant 0.000000e+00 : f32
    %gt3A_258 = arith.cmpf ogt, %reduce_sum3A_256, %gt3A_257 : f32
    %max3A_259 = arith.constant 1.000000e+00 : f32
    %max3A_260 = arith.maximumf %reduce_sum3A_256, %max3A_259 : f32
    %div3A_261 = arith.divf %reduce_sum3A_248, %max3A_260 : f32
    %jit3A_262 = arith.constant 0.000000e+00 : f32
    %select_n3A_263 = arith.select %gt3A_258, %div3A_261, %jit3A_262 : f32
    %add3A_264 = arith.addf %add3A_237, %select_n3A_263 : f32
    %eq3A_265 = arith.constant 9 : i32
    %eq3A_266 = vector.broadcast %eq3A_265 : i32 to vector<8x128xi32>
    %eq3A_267 = arith.cmpi eq, %select_n3A_16, %eq3A_266 : vector<8x128xi32>
    %jit3A_268 = arith.constant 0.000000e+00 : f32
    %broadcast_in_dim3A_269 = vector.broadcast %jit3A_268 : f32 to vector<8x128xf32>
    %select_n3A_270 = arith.select %eq3A_267, %select_n3A_21, %broadcast_in_dim3A_269 : vector<8x128xi1>, vector<8x128xf32>
    %reduce_sum3A_271 = vector.shape_cast %select_n3A_270 : vector<8x128xf32> to vector<1x8x128xf32>
    %reduce_sum3A_272 = arith.constant dense<0.000000e+00> : vector<1xf32>
    %reduce_sum3A_273 = vector.multi_reduction <add>, %reduce_sum3A_271, %reduce_sum3A_272 [1, 2] : vector<1x8x128xf32> to vector<1xf32>
    %reduce_sum3A_274 = vector.shape_cast %reduce_sum3A_273 : vector<1xf32> to vector<1x1x1xf32>
    %reduce_sum3A_275 = vector.extract %reduce_sum3A_274[0, 0, 0] : f32 from vector<1x1x1xf32>
    %jit3A_276 = arith.constant 0.000000e+00 : f32
    %broadcast_in_dim3A_277 = vector.broadcast %jit3A_276 : f32 to vector<8x128xf32>
    %select_n3A_278 = arith.select %eq3A_267, %select_n3A_24, %broadcast_in_dim3A_277 : vector<8x128xi1>, vector<8x128xf32>
    %reduce_sum3A_279 = vector.shape_cast %select_n3A_278 : vector<8x128xf32> to vector<1x8x128xf32>
    %reduce_sum3A_280 = arith.constant dense<0.000000e+00> : vector<1xf32>
    %reduce_sum3A_281 = vector.multi_reduction <add>, %reduce_sum3A_279, %reduce_sum3A_280 [1, 2] : vector<1x8x128xf32> to vector<1xf32>
    %reduce_sum3A_282 = vector.shape_cast %reduce_sum3A_281 : vector<1xf32> to vector<1x1x1xf32>
    %reduce_sum3A_283 = vector.extract %reduce_sum3A_282[0, 0, 0] : f32 from vector<1x1x1xf32>
    %gt3A_284 = arith.constant 0.000000e+00 : f32
    %gt3A_285 = arith.cmpf ogt, %reduce_sum3A_283, %gt3A_284 : f32
    %max3A_286 = arith.constant 1.000000e+00 : f32
    %max3A_287 = arith.maximumf %reduce_sum3A_283, %max3A_286 : f32
    %div3A_288 = arith.divf %reduce_sum3A_275, %max3A_287 : f32
    %jit3A_289 = arith.constant 0.000000e+00 : f32
    %select_n3A_290 = arith.select %gt3A_285, %div3A_288, %jit3A_289 : f32
    %add3A_291 = arith.addf %add3A_264, %select_n3A_290 : f32
    %eq3A_292 = arith.constant 10 : i32
    %eq3A_293 = vector.broadcast %eq3A_292 : i32 to vector<8x128xi32>
    %eq3A_294 = arith.cmpi eq, %select_n3A_16, %eq3A_293 : vector<8x128xi32>
    %jit3A_295 = arith.constant 0.000000e+00 : f32
    %broadcast_in_dim3A_296 = vector.broadcast %jit3A_295 : f32 to vector<8x128xf32>
    %select_n3A_297 = arith.select %eq3A_294, %select_n3A_21, %broadcast_in_dim3A_296 : vector<8x128xi1>, vector<8x128xf32>
    %reduce_sum3A_298 = vector.shape_cast %select_n3A_297 : vector<8x128xf32> to vector<1x8x128xf32>
    %reduce_sum3A_299 = arith.constant dense<0.000000e+00> : vector<1xf32>
    %reduce_sum3A_300 = vector.multi_reduction <add>, %reduce_sum3A_298, %reduce_sum3A_299 [1, 2] : vector<1x8x128xf32> to vector<1xf32>
    %reduce_sum3A_301 = vector.shape_cast %reduce_sum3A_300 : vector<1xf32> to vector<1x1x1xf32>
    %reduce_sum3A_302 = vector.extract %reduce_sum3A_301[0, 0, 0] : f32 from vector<1x1x1xf32>
    %jit3A_303 = arith.constant 0.000000e+00 : f32
    %broadcast_in_dim3A_304 = vector.broadcast %jit3A_303 : f32 to vector<8x128xf32>
    %select_n3A_305 = arith.select %eq3A_294, %select_n3A_24, %broadcast_in_dim3A_304 : vector<8x128xi1>, vector<8x128xf32>
    %reduce_sum3A_306 = vector.shape_cast %select_n3A_305 : vector<8x128xf32> to vector<1x8x128xf32>
    %reduce_sum3A_307 = arith.constant dense<0.000000e+00> : vector<1xf32>
    %reduce_sum3A_308 = vector.multi_reduction <add>, %reduce_sum3A_306, %reduce_sum3A_307 [1, 2] : vector<1x8x128xf32> to vector<1xf32>
    %reduce_sum3A_309 = vector.shape_cast %reduce_sum3A_308 : vector<1xf32> to vector<1x1x1xf32>
    %reduce_sum3A_310 = vector.extract %reduce_sum3A_309[0, 0, 0] : f32 from vector<1x1x1xf32>
    %gt3A_311 = arith.constant 0.000000e+00 : f32
    %gt3A_312 = arith.cmpf ogt, %reduce_sum3A_310, %gt3A_311 : f32
    %max3A_313 = arith.constant 1.000000e+00 : f32
    %max3A_314 = arith.maximumf %reduce_sum3A_310, %max3A_313 : f32
    %div3A_315 = arith.divf %reduce_sum3A_302, %max3A_314 : f32
    %jit3A_316 = arith.constant 0.000000e+00 : f32
    %select_n3A_317 = arith.select %gt3A_312, %div3A_315, %jit3A_316 : f32
    %add3A_318 = arith.addf %add3A_291, %select_n3A_317 : f32
    %eq3A_319 = arith.constant 11 : i32
    %eq3A_320 = vector.broadcast %eq3A_319 : i32 to vector<8x128xi32>
    %eq3A_321 = arith.cmpi eq, %select_n3A_16, %eq3A_320 : vector<8x128xi32>
    %jit3A_322 = arith.constant 0.000000e+00 : f32
    %broadcast_in_dim3A_323 = vector.broadcast %jit3A_322 : f32 to vector<8x128xf32>
    %select_n3A_324 = arith.select %eq3A_321, %select_n3A_21, %broadcast_in_dim3A_323 : vector<8x128xi1>, vector<8x128xf32>
    %reduce_sum3A_325 = vector.shape_cast %select_n3A_324 : vector<8x128xf32> to vector<1x8x128xf32>
    %reduce_sum3A_326 = arith.constant dense<0.000000e+00> : vector<1xf32>
    %reduce_sum3A_327 = vector.multi_reduction <add>, %reduce_sum3A_325, %reduce_sum3A_326 [1, 2] : vector<1x8x128xf32> to vector<1xf32>
    %reduce_sum3A_328 = vector.shape_cast %reduce_sum3A_327 : vector<1xf32> to vector<1x1x1xf32>
    %reduce_sum3A_329 = vector.extract %reduce_sum3A_328[0, 0, 0] : f32 from vector<1x1x1xf32>
    %jit3A_330 = arith.constant 0.000000e+00 : f32
    %broadcast_in_dim3A_331 = vector.broadcast %jit3A_330 : f32 to vector<8x128xf32>
    %select_n3A_332 = arith.select %eq3A_321, %select_n3A_24, %broadcast_in_dim3A_331 : vector<8x128xi1>, vector<8x128xf32>
    %reduce_sum3A_333 = vector.shape_cast %select_n3A_332 : vector<8x128xf32> to vector<1x8x128xf32>
    %reduce_sum3A_334 = arith.constant dense<0.000000e+00> : vector<1xf32>
    %reduce_sum3A_335 = vector.multi_reduction <add>, %reduce_sum3A_333, %reduce_sum3A_334 [1, 2] : vector<1x8x128xf32> to vector<1xf32>
    %reduce_sum3A_336 = vector.shape_cast %reduce_sum3A_335 : vector<1xf32> to vector<1x1x1xf32>
    %reduce_sum3A_337 = vector.extract %reduce_sum3A_336[0, 0, 0] : f32 from vector<1x1x1xf32>
    %gt3A_338 = arith.constant 0.000000e+00 : f32
    %gt3A_339 = arith.cmpf ogt, %reduce_sum3A_337, %gt3A_338 : f32
    %max3A_340 = arith.constant 1.000000e+00 : f32
    %max3A_341 = arith.maximumf %reduce_sum3A_337, %max3A_340 : f32
    %div3A_342 = arith.divf %reduce_sum3A_329, %max3A_341 : f32
    %jit3A_343 = arith.constant 0.000000e+00 : f32
    %select_n3A_344 = arith.select %gt3A_339, %div3A_342, %jit3A_343 : f32
    %add3A_345 = arith.addf %add3A_318, %select_n3A_344 : f32
    %eq3A_346 = arith.constant 12 : i32
    %eq3A_347 = vector.broadcast %eq3A_346 : i32 to vector<8x128xi32>
    %eq3A_348 = arith.cmpi eq, %select_n3A_16, %eq3A_347 : vector<8x128xi32>
    %jit3A_349 = arith.constant 0.000000e+00 : f32
    %broadcast_in_dim3A_350 = vector.broadcast %jit3A_349 : f32 to vector<8x128xf32>
    %select_n3A_351 = arith.select %eq3A_348, %select_n3A_21, %broadcast_in_dim3A_350 : vector<8x128xi1>, vector<8x128xf32>
    %reduce_sum3A_352 = vector.shape_cast %select_n3A_351 : vector<8x128xf32> to vector<1x8x128xf32>
    %reduce_sum3A_353 = arith.constant dense<0.000000e+00> : vector<1xf32>
    %reduce_sum3A_354 = vector.multi_reduction <add>, %reduce_sum3A_352, %reduce_sum3A_353 [1, 2] : vector<1x8x128xf32> to vector<1xf32>
    %reduce_sum3A_355 = vector.shape_cast %reduce_sum3A_354 : vector<1xf32> to vector<1x1x1xf32>
    %reduce_sum3A_356 = vector.extract %reduce_sum3A_355[0, 0, 0] : f32 from vector<1x1x1xf32>
    %jit3A_357 = arith.constant 0.000000e+00 : f32
    %broadcast_in_dim3A_358 = vector.broadcast %jit3A_357 : f32 to vector<8x128xf32>
    %select_n3A_359 = arith.select %eq3A_348, %select_n3A_24, %broadcast_in_dim3A_358 : vector<8x128xi1>, vector<8x128xf32>
    %reduce_sum3A_360 = vector.shape_cast %select_n3A_359 : vector<8x128xf32> to vector<1x8x128xf32>
    %reduce_sum3A_361 = arith.constant dense<0.000000e+00> : vector<1xf32>
    %reduce_sum3A_362 = vector.multi_reduction <add>, %reduce_sum3A_360, %reduce_sum3A_361 [1, 2] : vector<1x8x128xf32> to vector<1xf32>
    %reduce_sum3A_363 = vector.shape_cast %reduce_sum3A_362 : vector<1xf32> to vector<1x1x1xf32>
    %reduce_sum3A_364 = vector.extract %reduce_sum3A_363[0, 0, 0] : f32 from vector<1x1x1xf32>
    %gt3A_365 = arith.constant 0.000000e+00 : f32
    %gt3A_366 = arith.cmpf ogt, %reduce_sum3A_364, %gt3A_365 : f32
    %max3A_367 = arith.constant 1.000000e+00 : f32
    %max3A_368 = arith.maximumf %reduce_sum3A_364, %max3A_367 : f32
    %div3A_369 = arith.divf %reduce_sum3A_356, %max3A_368 : f32
    %jit3A_370 = arith.constant 0.000000e+00 : f32
    %select_n3A_371 = arith.select %gt3A_366, %div3A_369, %jit3A_370 : f32
    %add3A_372 = arith.addf %add3A_345, %select_n3A_371 : f32
    %eq3A_373 = arith.constant 13 : i32
    %eq3A_374 = vector.broadcast %eq3A_373 : i32 to vector<8x128xi32>
    %eq3A_375 = arith.cmpi eq, %select_n3A_16, %eq3A_374 : vector<8x128xi32>
    %jit3A_376 = arith.constant 0.000000e+00 : f32
    %broadcast_in_dim3A_377 = vector.broadcast %jit3A_376 : f32 to vector<8x128xf32>
    %select_n3A_378 = arith.select %eq3A_375, %select_n3A_21, %broadcast_in_dim3A_377 : vector<8x128xi1>, vector<8x128xf32>
    %reduce_sum3A_379 = vector.shape_cast %select_n3A_378 : vector<8x128xf32> to vector<1x8x128xf32>
    %reduce_sum3A_380 = arith.constant dense<0.000000e+00> : vector<1xf32>
    %reduce_sum3A_381 = vector.multi_reduction <add>, %reduce_sum3A_379, %reduce_sum3A_380 [1, 2] : vector<1x8x128xf32> to vector<1xf32>
    %reduce_sum3A_382 = vector.shape_cast %reduce_sum3A_381 : vector<1xf32> to vector<1x1x1xf32>
    %reduce_sum3A_383 = vector.extract %reduce_sum3A_382[0, 0, 0] : f32 from vector<1x1x1xf32>
    %jit3A_384 = arith.constant 0.000000e+00 : f32
    %broadcast_in_dim3A_385 = vector.broadcast %jit3A_384 : f32 to vector<8x128xf32>
    %select_n3A_386 = arith.select %eq3A_375, %select_n3A_24, %broadcast_in_dim3A_385 : vector<8x128xi1>, vector<8x128xf32>
    %reduce_sum3A_387 = vector.shape_cast %select_n3A_386 : vector<8x128xf32> to vector<1x8x128xf32>
    %reduce_sum3A_388 = arith.constant dense<0.000000e+00> : vector<1xf32>
    %reduce_sum3A_389 = vector.multi_reduction <add>, %reduce_sum3A_387, %reduce_sum3A_388 [1, 2] : vector<1x8x128xf32> to vector<1xf32>
    %reduce_sum3A_390 = vector.shape_cast %reduce_sum3A_389 : vector<1xf32> to vector<1x1x1xf32>
    %reduce_sum3A_391 = vector.extract %reduce_sum3A_390[0, 0, 0] : f32 from vector<1x1x1xf32>
    %gt3A_392 = arith.constant 0.000000e+00 : f32
    %gt3A_393 = arith.cmpf ogt, %reduce_sum3A_391, %gt3A_392 : f32
    %max3A_394 = arith.constant 1.000000e+00 : f32
    %max3A_395 = arith.maximumf %reduce_sum3A_391, %max3A_394 : f32
    %div3A_396 = arith.divf %reduce_sum3A_383, %max3A_395 : f32
    %jit3A_397 = arith.constant 0.000000e+00 : f32
    %select_n3A_398 = arith.select %gt3A_393, %div3A_396, %jit3A_397 : f32
    %add3A_399 = arith.addf %add3A_372, %select_n3A_398 : f32
    %eq3A_400 = arith.constant 14 : i32
    %eq3A_401 = vector.broadcast %eq3A_400 : i32 to vector<8x128xi32>
    %eq3A_402 = arith.cmpi eq, %select_n3A_16, %eq3A_401 : vector<8x128xi32>
    %jit3A_403 = arith.constant 0.000000e+00 : f32
    %broadcast_in_dim3A_404 = vector.broadcast %jit3A_403 : f32 to vector<8x128xf32>
    %select_n3A_405 = arith.select %eq3A_402, %select_n3A_21, %broadcast_in_dim3A_404 : vector<8x128xi1>, vector<8x128xf32>
    %reduce_sum3A_406 = vector.shape_cast %select_n3A_405 : vector<8x128xf32> to vector<1x8x128xf32>
    %reduce_sum3A_407 = arith.constant dense<0.000000e+00> : vector<1xf32>
    %reduce_sum3A_408 = vector.multi_reduction <add>, %reduce_sum3A_406, %reduce_sum3A_407 [1, 2] : vector<1x8x128xf32> to vector<1xf32>
    %reduce_sum3A_409 = vector.shape_cast %reduce_sum3A_408 : vector<1xf32> to vector<1x1x1xf32>
    %reduce_sum3A_410 = vector.extract %reduce_sum3A_409[0, 0, 0] : f32 from vector<1x1x1xf32>
    %jit3A_411 = arith.constant 0.000000e+00 : f32
    %broadcast_in_dim3A_412 = vector.broadcast %jit3A_411 : f32 to vector<8x128xf32>
    %select_n3A_413 = arith.select %eq3A_402, %select_n3A_24, %broadcast_in_dim3A_412 : vector<8x128xi1>, vector<8x128xf32>
    %reduce_sum3A_414 = vector.shape_cast %select_n3A_413 : vector<8x128xf32> to vector<1x8x128xf32>
    %reduce_sum3A_415 = arith.constant dense<0.000000e+00> : vector<1xf32>
    %reduce_sum3A_416 = vector.multi_reduction <add>, %reduce_sum3A_414, %reduce_sum3A_415 [1, 2] : vector<1x8x128xf32> to vector<1xf32>
    %reduce_sum3A_417 = vector.shape_cast %reduce_sum3A_416 : vector<1xf32> to vector<1x1x1xf32>
    %reduce_sum3A_418 = vector.extract %reduce_sum3A_417[0, 0, 0] : f32 from vector<1x1x1xf32>
    %gt3A_419 = arith.constant 0.000000e+00 : f32
    %gt3A_420 = arith.cmpf ogt, %reduce_sum3A_418, %gt3A_419 : f32
    %max3A_421 = arith.constant 1.000000e+00 : f32
    %max3A_422 = arith.maximumf %reduce_sum3A_418, %max3A_421 : f32
    %div3A_423 = arith.divf %reduce_sum3A_410, %max3A_422 : f32
    %jit3A_424 = arith.constant 0.000000e+00 : f32
    %select_n3A_425 = arith.select %gt3A_420, %div3A_423, %jit3A_424 : f32
    %add3A_426 = arith.addf %add3A_399, %select_n3A_425 : f32
    %eq3A_427 = arith.constant 15 : i32
    %eq3A_428 = vector.broadcast %eq3A_427 : i32 to vector<8x128xi32>
    %eq3A_429 = arith.cmpi eq, %select_n3A_16, %eq3A_428 : vector<8x128xi32>
    %jit3A_430 = arith.constant 0.000000e+00 : f32
    %broadcast_in_dim3A_431 = vector.broadcast %jit3A_430 : f32 to vector<8x128xf32>
    %select_n3A_432 = arith.select %eq3A_429, %select_n3A_21, %broadcast_in_dim3A_431 : vector<8x128xi1>, vector<8x128xf32>
    %reduce_sum3A_433 = vector.shape_cast %select_n3A_432 : vector<8x128xf32> to vector<1x8x128xf32>
    %reduce_sum3A_434 = arith.constant dense<0.000000e+00> : vector<1xf32>
    %reduce_sum3A_435 = vector.multi_reduction <add>, %reduce_sum3A_433, %reduce_sum3A_434 [1, 2] : vector<1x8x128xf32> to vector<1xf32>
    %reduce_sum3A_436 = vector.shape_cast %reduce_sum3A_435 : vector<1xf32> to vector<1x1x1xf32>
    %reduce_sum3A_437 = vector.extract %reduce_sum3A_436[0, 0, 0] : f32 from vector<1x1x1xf32>
    %jit3A_438 = arith.constant 0.000000e+00 : f32
    %broadcast_in_dim3A_439 = vector.broadcast %jit3A_438 : f32 to vector<8x128xf32>
    %select_n3A_440 = arith.select %eq3A_429, %select_n3A_24, %broadcast_in_dim3A_439 : vector<8x128xi1>, vector<8x128xf32>
    %reduce_sum3A_441 = vector.shape_cast %select_n3A_440 : vector<8x128xf32> to vector<1x8x128xf32>
    %reduce_sum3A_442 = arith.constant dense<0.000000e+00> : vector<1xf32>
    %reduce_sum3A_443 = vector.multi_reduction <add>, %reduce_sum3A_441, %reduce_sum3A_442 [1, 2] : vector<1x8x128xf32> to vector<1xf32>
    %reduce_sum3A_444 = vector.shape_cast %reduce_sum3A_443 : vector<1xf32> to vector<1x1x1xf32>
    %reduce_sum3A_445 = vector.extract %reduce_sum3A_444[0, 0, 0] : f32 from vector<1x1x1xf32>
    %gt3A_446 = arith.constant 0.000000e+00 : f32
    %gt3A_447 = arith.cmpf ogt, %reduce_sum3A_445, %gt3A_446 : f32
    %max3A_448 = arith.constant 1.000000e+00 : f32
    %max3A_449 = arith.maximumf %reduce_sum3A_445, %max3A_448 : f32
    %div3A_450 = arith.divf %reduce_sum3A_437, %max3A_449 : f32
    %jit3A_451 = arith.constant 0.000000e+00 : f32
    %select_n3A_452 = arith.select %gt3A_447, %div3A_450, %jit3A_451 : f32
    %add3A_453 = arith.addf %add3A_426, %select_n3A_452 : f32
    %get3A_454 = arith.constant 0 : index
    %get3A_455 = arith.constant 0 : index
    %get3A_456 = memref.load %arg1[%get3A_454, %get3A_455] : memref<1x1xf32, #tpu.memory_space<smem>>
    %mul3A = arith.constant 2.500000e-07 : f32
    %mul3A_457 = arith.mulf %get3A_456, %mul3A : f32
    %mul3A_458 = arith.mulf %mul3A_457, %add3A_453 : f32
    %broadcast_in_dim3A_459 = vector.broadcast %mul3A_458 : f32 to vector<1x1xf32>
    %swap3A = arith.constant 0 : index
    %swap3A_460 = arith.constant 0 : index
    %swap3A_461 = vector.load %arg2[%swap3A, %swap3A_460] : memref<1x1xf32, #tpu.memory_space<vmem>>, vector<1x1xf32>
    tpu.vector_store %arg2[%swap3A, %swap3A_460], %broadcast_in_dim3A_459 {strides = array<i32>} : memref<1x1xf32, #tpu.memory_space<vmem>>, vector<1x1xf32>,
    return
  }
}

</mosaic_0001>

<sc_bundles>
// kernel: kernel.4.cloned.1.call-start
scs
__scs_entry_jumppad:
0x0: {  	(pc) =	sbr.rel $0x88, $3  }
0x1: {  	(tag) =	ssettag $0x0;
	lr =	simm.s32 $0x1  }
0x2: {  	[smem:$0x3F9D] =	sst lr;
	_ =	strace $0xD0000000  }
0x3: {  	_ = 	snop  }
0x4: {  	_ = 	snop  }
0x5: {  	_ = 	snop  }
0x6: {  	_ = 	snop  }
0x7: {  	_ = 	snop  }
__scs_overlays_trampoline_lowered:
0x8: {  	[smem:$0x3FAC] =	sst s0  }
0x9: {  	[smem:$0x3FAD] =	sst s1  }
0xa: {  	[smem:$0x3FAE] =	sst s2  }
0xb: {  	[smem:$0x3FAF] =	sst s3  }
0xc: {  	[smem:$0x3FB0] =	sst s4  }
0xd: {  	[smem:$0x3FB1] =	sst s5  }
0xe: {  	[smem:$0x3FB2] =	sst s6  }
0xf: {  	[smem:$0x3FB3] =	sst s7  }
0x10: {  	[smem:$0x3FB4] =	sst s8  }
0x11: {  	[smem:$0x3FB5] =	sst s9;
	s0 =	simm.s32 @!p0 $0x0  }
0x12: {  	s1 =	sld [smem:$0x3F9B];
	s0 =	simm.s32 @p0 $0x1  }
0x13: {  	[smem:$0x3FB6] =	sst s0;
	s0 =	simm.s32 @!p1 $0x0  }
0x14: {  	s2 =	sld [smem:$0x3F9A];
	s0 =	simm.s32 @p1 $0x1  }
0x15: {  	[smem:$0x3FB7] =	sst s0;
	s0 =	simm.s32 @!p2 $0x0  }
0x16: {  	s3 =	sld [smem:$0x3FDB];
	s0 =	simm.s32 @p2 $0x1  }
0x17: {  	s4 =	simm.s32 $0x1BF5;
	[smem:$0x3FB9] =	sst s0  }
0x18: {  	s0 =	sld [smem:$0x3F9C];
	_ =	swait.ge [sflag:s4], $0x0  }
0x19: {  	s7 =	sld [smem:$0x3F9D]  }
0x1a: {  	s8 =	sadd.s32 $0xFFFFE003, lr  }
0x1b: {  	s9 =	sadd.s32 $0xFFFFFEF7, lr;
	s5 =	simm.s32 $0xFFFFFFFF;
	p2 =	slt.u32 s8, $0xFFFFF086  }
0x1c: {  	p1 =	slt.u32 s9, $0xF7A;
	s5 =	simm.s32 @!p2 $0x0  }
0x1d: {  	s5 =	simm.s32 @p1 $0x1;
	p0 =	seq.s32 s7, s2  }
0x1e: {  	s7 =	smul.u32 @!p0 $0xF7A, s2;
	p2 =	seq.s32 @!p0 s5, $0x0  }
0x1f: {  	s9 =	smul.u32 $0xF7A, s1;
	s8 =	simm.s32 @!p0 $0x1BF5;
	p2 =	por !p2, p0  }
0x20: {  	[sflag:s8] =	ssyncset.s32 @!p0 $0xFFFFF086;
	s6 =	sadd.s32 @!p0 s3, s7;
	s7 =	simm.s32 @!p0 $0x108  }
0x21: {  	s3 =	sadd.s32 s3, s9;
	s6 =	sadd.s32 @!p0 $0x88, s6;
	s7 =	simm.s32 @p2 $0x1082  }
0x22: {  	[simem:s7], [sflag:s8] =	dma.local @!p0 [hbm:s6], $0xF7A  }
0x23: {  	s9 =	sor.u32 $0xD0000000, s2;
	s6 =	simm.s32 $0x108;
	_ =	swait.ge @!p0 [sflag:s8], $0x0  }
0x24: {  	s3 =	sadd.s32 $0x88, s3;
	s6 =	simm.s32 @!p1 $0x1082;
	[sflag:s4] =	ssyncset.s32 $0xFFFFF086  }
0x25: {  	[simem:s6], [sflag:s4] =	dma.local [hbm:s3], $0xF7A  }
0x26: {  	[smem:$0x3F9D] =	sst s1;
	(tag) =	ssettag s2;
	_ =	strace s9  }
0x27: {  	s1 =	sld [smem:$0x3FAD]  }
0x28: {  	s2 =	sld [smem:$0x3FAE]  }
0x29: {  	s4 =	sld [smem:$0x3FB0]  }
0x2a: {  	p0 =	seq.s32 s5, $0x0;
	s5 =	sld [smem:$0x3FB1]  }
0x2b: {  	s6 =	sld [smem:$0x3FB2]  }
0x2c: {  	s7 =	sld [smem:$0x3FB3]  }
0x2d: {  	s3 =	simm.s32 $0x108;
	s8 =	sld [smem:$0x3FB4]  }
0x2e: {  	s3 =	simm.s32 @!p0 $0x1082;
	s9 =	sld [smem:$0x3FB5]  }
0x2f: {  	lr =	sadd.s32 s0, s3;
	s0 =	sld [smem:$0x3FAC]  }
0x30: {  	s3 =	sld [smem:$0x3FAF]  }
0x31: {  	[smem:$0x3FB8] =	sst s10  }
0x32: {  	s10 =	sld [smem:$0x3FB6];
	_ =	sdelay $0x3  }
0x33: {  	p0 =	seq.s32 s10, $0x1;
	s10 =	sld [smem:$0x3FB8];
	_ =	sdelay $0x3  }
0x34: {  	[smem:$0x3FB8] =	sst s10  }
0x35: {  	s10 =	sld [smem:$0x3FB7];
	_ =	sdelay $0x3  }
0x36: {  	p1 =	seq.s32 s10, $0x1;
	s10 =	sld [smem:$0x3FB8];
	_ =	sdelay $0x3  }
0x37: {  	[smem:$0x3FB8] =	sst s10  }
0x38: {  	s10 =	sld [smem:$0x3FB9]  }
0x39: {  	_ = 	snop;
	(pc) =	sbr.ind lr, $3  }
0x3a: {  	_ = 	snop  }
0x3b: {  	_ = 	snop  }
0x3c: {  	p2 =	seq.s32 s10, $0x1;
	s10 =	sld [smem:$0x3FB8]  }
0x3d: {  	_ =	shalt  }
0x3e: {  	_ =	shalt  }
0x3f: {  	_ =	shalt  }
0x40: {  	_ =	shalt  }
0x41: {  	_ =	shalt  }
0x42: {  	_ =	shalt  }
0x43: {  	_ =	shalt  }
0x44: {  	_ =	shalt  }
0x45: {  	_ =	shalt  }
0x46: {  	_ =	shalt  }
0x47: {  	_ =	shalt  }
0x48: {  	_ =	shalt  }
0x49: {  	_ =	shalt  }
0x4a: {  	_ =	shalt  }
0x4b: {  	_ =	shalt  }
0x4c: {  	_ =	shalt  }
0x4d: {  	_ =	shalt  }
0x4e: {  	_ =	shalt  }
0x4f: {  	_ =	shalt  }
0x50: {  	_ =	shalt  }
0x51: {  	_ =	shalt  }
0x52: {  	_ =	shalt  }
0x53: {  	_ =	shalt  }
0x54: {  	_ =	shalt  }
0x55: {  	_ =	shalt  }
0x56: {  	_ =	shalt  }
0x57: {  	_ =	shalt  }
0x58: {  	_ =	shalt  }
0x59: {  	_ =	shalt  }
0x5a: {  	_ =	shalt  }
0x5b: {  	_ =	shalt  }
0x5c: {  	_ =	shalt  }
0x5d: {  	_ =	shalt  }
0x5e: {  	_ =	shalt  }
0x5f: {  	_ =	shalt  }
0x60: {  	_ =	shalt  }
0x61: {  	_ =	shalt  }
0x62: {  	_ =	shalt  }
0x63: {  	_ =	shalt  }
0x64: {  	_ =	shalt  }
0x65: {  	_ =	shalt  }
0x66: {  	_ =	shalt  }
0x67: {  	_ =	shalt  }
0x68: {  	_ =	shalt  }
0x69: {  	_ =	shalt  }
0x6a: {  	_ =	shalt  }
0x6b: {  	_ =	shalt  }
0x6c: {  	_ =	shalt  }
0x6d: {  	_ =	shalt  }
0x6e: {  	_ =	shalt  }
0x6f: {  	_ =	shalt  }
0x70: {  	_ =	shalt  }
0x71: {  	_ =	shalt  }
0x72: {  	_ =	shalt  }
0x73: {  	_ =	shalt  }
0x74: {  	_ =	shalt  }
0x75: {  	_ =	shalt  }
0x76: {  	_ =	shalt  }
0x77: {  	_ =	shalt  }
0x78: {  	_ =	shalt  }
0x79: {  	_ =	shalt  }
0x7a: {  	_ =	shalt  }
0x7b: {  	_ =	shalt  }
0x7c: {  	_ =	shalt  }
0x7d: {  	_ =	shalt  }
0x7e: {  	_ =	shalt  }
0x7f: {  	_ =	shalt  }
0x80: {  	_ =	shalt  }
0x81: {  	_ =	shalt  }
0x82: {  	_ =	shalt  }
0x83: {  	_ =	shalt  }
0x84: {  	_ =	shalt  }
0x85: {  	_ =	shalt  }
0x86: {  	_ =	shalt  }
0x87: {  	_ =	shalt  }
.Lfunc_end0:
.L_simem_size_0:
called_computation_lowered:
.L_overlay_start_0:
0x88: {  	s2 =	sld [smem:$0x3FD9]  }
0x89: {  	s3 =	sld [smem:$0x3FFE];
	_ =	sdelay $0x1  }
0x8a: {  	s1 =	srdreg.scid  }
0x8b: {  	s0 =	sand.u32 $0x1, s1  }
0x8c: {  	s17 =	sshll.u32 s0, $0xA;
	s2 =	sadd.s32 s3, s2  }
0x8d: {  	s2 =	sadd.s32 s2, s17  }
0x8e: {  	[smem:$0x3FC4] =	sst s2  }
0x8f: {  	_ = 	snop  }
0x90: {  	s2 =	sld [smem:$0x3FC8]  }
0x91: {  	s18 =	sld [smem:$0x3FD0];
	(tm) =	ssettm $0x1  }
0x92: {  	s4 =	sld [smem:$0x3FFB];
	_ =	sdelay $0x3  }
0x93: {  	_ =	strace s4  }
0x94: {  	s4 =	sld [smem:$0x3FFC];
	_ =	sdelay $0x3  }
0x95: {  	_ =	strace s4  }
0x96: {  	s4 =	sld [smem:$0x3FFD];
	_ =	sdelay $0x3  }
0x97: {  	_ =	strace s4  }
0x98: {  	_ =	strace $0x8FFFFFFF  }
0x99: {  	s19 =	sld [smem:$0x3FDB];
	_ =	sdelay $0x1  }
0x9a: {  	s5 =	simm.s32 $_scs_section_size  }
0x9b: {  	s6 =	simm.s32 $_size__tile_overlayer_lowered;
	s7 =	simm.s32 $_tile_overlayer_lowered  }
0x9c: {  	s22 =	simm.s32 $0x1BFF;
	s21 =	sshll.u32 s7, $0x1;
	s4 =	sadd.s32 s5, s19  }
0x9d: {  	s8 =	simm.s32 $0x0;
	s20 =	sshll.u32 s6, $0x1;
	s6 =	sadd.s32 s21, s4  }
0x9e: {  	[timem:s8], [sflag:s22] =	dma.local [hbm:s6], s20  }
0x9f: {  	_ =	swait.ge [sflag:s22], s20  }
0xa0: {  	s5 =	ssub.s32 $0x0, s20;
	[sflag:s22] =	ssyncset.done $0x0  }
0xa1: {  	[sflag:s22] =	ssyncadd.s32 s5;
	_ =	sdelay $0x1  }
0xa2: {  	s23 =	simm.s32 $0x1B8B  }
0xa3: {  	_ =	swait.ge [sflag:s23], $0x1  }
0xa4: {  	[sflag:s23] =	ssyncset.done $0x0  }
0xa5: {  	s25 =	simm.s32 $0x1B8E;
	s24 =	sld [smem:$0x3FFE];
	[sflag:s23] =	ssyncadd.s32 $0xFFFFFFFF  }
0xa6: {  	s26 =	simm.s32 $execute0_lowered;
	[smem:$0x3FD2] =	sst s25  }
0xa7: {  	s6 =	sshll.u32 s26, $0x1;
	_ =	strace $0x80000046;
	[dreg:$0x1] =	wrdreg $0xFFFFFFFF  }
0xa8: {  	s28 =	simm.s32 $_size_execute0_lowered;
	s4 =	sadd.s32 s4, s6;
	[dreg:$0x0] =	wrdreg $0x0  }
0xa9: {  	s6 =	sshll.u32 s28, $0x1;
	[dreg:$0x2] =	wrdreg s4  }
0xaa: {  	[dreg:$0x3] =	wrdreg s6  }
0xab: {  	[dreg:$0x4] =	wrdreg $0xC0  }
0xac: {  	_ =	task [dreg:s8], $0x5FFFF  }
0xad: {  	[dreg:$0x1] =	wrdreg $0xFFFFFFFF  }
0xae: {  	[dreg:$0x0] =	wrdreg $0x60  }
0xaf: {  	[dreg:$0x2] =	wrdreg s24  }
0xb0: {  	[dreg:$0x3] =	wrdreg s2  }
0xb1: {  	[dreg:$0x4] =	wrdreg s18  }
0xb2: {  	[dreg:$0x5] =	wrdreg $0x9  }
0xb3: {  	_ =	task.clear_ibuf [dreg:s8], $0x6FFFF;
	_ =	strace $0x90000046  }
0xb4: {  	s29 =	simm.s32 $0x9;
	_ =	strace $0x80000048  }
0xb5: {  	_ =	swait.ge [sflag:s29], $0x1  }
0xb6: {  	[sflag:s29] =	ssyncadd.s32 $0xFFFFFFFF  }
0xb7: {  	_ =	strace $0x90000048  }
0xb8: {  	_ =	sfence  }
0xb9: {  	s30 =	sld [smem:$0x0];
	_ =	sdelay $0x2  }
0xba: {  	s31 =	sshll.u32 s1, $0xD;
	s1 =	sshrl.u32 s1, $0x2  }
0xbb: {  	s3 =	sand.u32 $0x4000, s31;
	s1 =	sadd.s32 s1, s30  }
0xbc: {  	s0 =	sor.u32 s3, s0;
	s1 =	sshll.u32 s1, $0x11  }
0xbd: {  	s0 =	sor.u32 s1, s0  }
0xbe: {  	s0 =	sadd.s32 $0x8F2B, s0  }
0xbf: {  	[sflag:s0] =	ssyncadd.remote.s32 $0x1  }
0xc0: {  	_ =	sfence.sel $0xFFFF  }
0xc1: {  	[dreg:$0x0] =	wrdreg $0xFFFFFFFF;
	(pc) =	sbr.abs _section_cstart, $3  }
0xc2: {  	[dreg:$0x1] =	wrdreg $0xFFFFFFFF  }
0xc3: {  	_ =	task.clear_ibuf [dreg:s8], $0x2FFFF;
	_ =	strace $0x9FFFFFFF  }
0xc4: {  	(tm) =	ssettm $0x7FFFFFFF  }
0xc5: {  	_ =	shalt  }
tec
execute0_lowered:
.L_overlay_start_1:
0x0: {  	(tag) =	ssettag $0x1  }
0x1: {  	s0 =	rddreg [dreg:$0x0]  }
0x2: {  	s1 =	rddreg [dreg:$0x1]  }
0x3: {  	s2 =	srdreg.scid;
	s3 =	stileid.u32;
	s30 =	simm.s32 $0x3  }
0x4: {  	s31 =	simm.s32 $0xA400;
	s29 =	simm.s32 $0xF800;
	s2 =	sand.u32 $0x1, s2  }
0x5: {  	s4 =	sshll.u32 s3, $0x1;
	s3 =	simm.s32 $0x0;
	s6 =	sadd.s32 $0x400, s0  }
0x6: {  	s26 =	sadd.s32 $0x3D480, s0;
	s5 =	sor.u32 s2, s4;
	[smem:$0x7FF] =	sst s3  }
0x7: {  	s2 =	ssub.s32 $0x2, s2;
	s4 =	smul.u32 $0xF420, s5;
	_ =	strace $0x80000047  }
0x8: {  	s7 =	sshll.u32 s5, $0x1;
	s8 =	sshrl.u32 s2, $0x1;
	[dreg:$0xc] =	wrdreg s26  }
0x9: {  	p0 =	sne.s32 s5, $0x0;
	s5 =	simm.s32 $0x2;
	s7 =	sadd.s32 s7, s0  }
0xa: {  	s2 =	ssub.s32 s2, s8;
	s0 =	sadd.s32 $0x7A510, s0;
	s9 =	sshrl.u32 s4, $0x3  }
0xb: {  	[dreg:$0xd] =	wrdreg s0;
	s0 =	simm.s32 $0xCD00;
	s4 =	sadd.s32 s6, s9  }
0xc: {  	s17 =	sadd.s32 s1, s9;
	s19 =	sadd.s32 $0x516, s9;
	s20 =	sadd.s32 $0xA2C, s9  }
0xd: {  	s23 =	sadd.s32 $0xF42, s9;
	s24 =	sadd.s32 $0x1458, s9;
	s25 =	sadd.s32 $0x196E, s9  }
0xe: {  	[dreg:$0x4] =	wrdreg s17;
	s18 =	sadd.s32 $0x3D090, s4;
	s10 =	sadd.s32 s1, s19  }
0xf: {  	s8 =	sadd.s32 s6, s19;
	s21 =	sadd.s32 $0x3D5A6, s4;
	s22 =	sadd.s32 s1, s20  }
0x10: {  	s12 =	sadd.s32 $0x3DABC, s4;
	s13 =	sadd.s32 s1, s23;
	s14 =	sadd.s32 s6, s23  }
0x11: {  	s15 =	sadd.s32 $0x3DFD2, s4;
	s16 =	sadd.s32 s1, s24;
	[dreg:$0x5] =	wrdreg s18  }
0x12: {  	s17 =	sadd.s32 s6, s24;
	s19 =	sadd.s32 s6, s25;
	[dreg:$0x6] =	wrdreg s10  }
0x13: {  	s23 =	sadd.s32 $0x7A600, s7;
	s24 =	sadd.s32 $0x7A640, s7;
	[dreg:$0x7] =	wrdreg s8  }
0x14: {  	s26 =	sadd.s32 $0x3E4E8, s4;
	s28 =	sadd.s32 $0x3E9FE, s4;
	[dreg:$0x8] =	wrdreg s21  }
.Ltmp0:
0x15: {  	[dreg:$0x9] =	wrdreg s22;
	s8 =	sadd.s32 s6, s20;
	(pc) =	sbr.rel .LBB2_1-.Ltmp0, $4  }
0x16: {  	s18 =	sadd.s32 s1, s25;
	s1 =	sadd.s32 $0x3D080, s1;
	s25 =	smax.u32 s2, $0x1  }
0x17: {  	s20 =	simm.s32 $0x2900;
	s21 =	simm.s32 $0x7B00;
	s22 =	simm.s32 $0x1  }
0x18: {  	v0 =	vlaneseq.u32;
	s2 =	simm.s32 $0xF680;
	s6 =	simm.s32 $0x0;
	[dreg:$0xa] =	wrdreg s8  }
0x19: {  	v1 =	vimm.f32 $0.0e+00;
	v3 =	vimm.f32 $1.000000000e+00;
	v2 =	vmul.u32 $0x11, v0;
	[dreg:$0xb] =	wrdreg s1;
	s8 =	simm.s32 $0xF600;
	s1 =	simm.s32 $0x5200  }
.LBB2_27:
0x1a: {  	_ = 	snop  }
0x1b: {  	v4 =	vadd.s32 $0x11, v0;
	_ =	sdelay $0x1  }
0x1c: {  	v5 =	vadd.s32 $0x22, v0  }
0x1d: {  	v6 =	vld.idx.msk [tilespmem:v0+s2+$0x0], $0xffff  }
0x1e: {  	v7 =	vld.idx.msk [tilespmem:v0+s29+$0x0], $0xffff;
	v8 =	vadd.s32 $0x33, v0  }
0x1f: {  	v9 =	vld.idx.msk [tilespmem:v4+s2+$0x0], $0xffff  }
0x20: {  	v10 =	vadd.s32 $0x44, v0;
	v4 =	vld.idx.msk [tilespmem:v4+s29+$0x0], $0xffff  }
0x21: {  	v11 =	vld.idx.msk [tilespmem:v5+s2+$0x0], $0xffff  }
0x22: {  	v12 =	vadd.s32 $0x55, v0;
	v6 =	vadd.f32 $0.0e+00, v6;
	v5 =	vld.idx.msk [tilespmem:v5+s29+$0x0], $0xffff  }
0x23: {  	v7 =	vadd.f32 $0.0e+00, v7;
	v13 =	vld.idx.msk [tilespmem:v8+s2+$0x0], $0xffff  }
0x24: {  	v36 =	vadd.s32 $0x66, v0;
	v8 =	vld.idx.msk [tilespmem:v8+s29+$0x0], $0xffff;
	v6 =	vadd.f32 v9, v6  }
0x25: {  	v37 =	vld.idx.msk [tilespmem:v10+s2+$0x0], $0xffff;
	v4 =	vadd.f32 v4, v7  }
0x26: {  	v38 =	vadd.s32 $0x77, v0;
	v10 =	vld.idx.msk [tilespmem:v10+s29+$0x0], $0xffff;
	v6 =	vadd.f32 v11, v6  }
0x27: {  	v4 =	vadd.f32 v5, v4;
	v5 =	vld.idx.msk [tilespmem:v12+s2+$0x0], $0xffff  }
0x28: {  	v39 =	vadd.s32 $0x88, v0;
	v12 =	vld.idx.msk [tilespmem:v12+s29+$0x0], $0xffff;
	v6 =	vadd.f32 v13, v6  }
0x29: {  	v40 =	vld.idx.msk [tilespmem:v36+s2+$0x0], $0xffff;
	v4 =	vadd.f32 v8, v4  }
0x2a: {  	v42 =	vadd.s32 $0x99, v0;
	v41 =	vld.idx.msk [tilespmem:v36+s29+$0x0], $0xffff;
	v6 =	vadd.f32 v37, v6  }
0x2b: {  	v43 =	vld.idx.msk [tilespmem:v38+s2+$0x0], $0xffff;
	v4 =	vadd.f32 v10, v4  }
0x2c: {  	v45 =	vadd.s32 $0xAA, v0;
	v44 =	vld.idx.msk [tilespmem:v38+s29+$0x0], $0xffff;
	v5 =	vadd.f32 v5, v6  }
0x2d: {  	v46 =	vld.idx.msk [tilespmem:v39+s2+$0x0], $0xffff;
	v4 =	vadd.f32 v12, v4  }
0x2e: {  	v48 =	vadd.s32 $0xBB, v0;
	v47 =	vld.idx.msk [tilespmem:v39+s29+$0x0], $0xffff;
	v5 =	vadd.f32 v40, v5  }
0x2f: {  	v49 =	vld.idx.msk [tilespmem:v42+s2+$0x0], $0xffff;
	v4 =	vadd.f32 v41, v4  }
0x30: {  	v50 =	vadd.s32 $0xCC, v0;
	v9 =	vld.idx.msk [tilespmem:v42+s29+$0x0], $0xffff;
	v5 =	vadd.f32 v43, v5  }
0x31: {  	v51 =	vld.idx.msk [tilespmem:v45+s2+$0x0], $0xffff;
	v4 =	vadd.f32 v44, v4  }
0x32: {  	v52 =	vadd.s32 $0xDD, v0;
	v11 =	vld.idx.msk [tilespmem:v45+s29+$0x0], $0xffff;
	v5 =	vadd.f32 v46, v5  }
0x33: {  	v53 =	vld.idx.msk [tilespmem:v48+s2+$0x0], $0xffff;
	v4 =	vadd.f32 v47, v4  }
0x34: {  	v55 =	vadd.s32 $0xEE, v0;
	v54 =	vld.idx.msk [tilespmem:v48+s29+$0x0], $0xffff;
	v5 =	vadd.f32 v49, v5  }
0x35: {  	v56 =	vld.idx.msk [tilespmem:v50+s2+$0x0], $0xffff;
	v4 =	vadd.f32 v9, v4  }
0x36: {  	v58 =	vadd.s32 $0xFF, v0;
	v57 =	vld.idx.msk [tilespmem:v50+s29+$0x0], $0xffff;
	v5 =	vadd.f32 v51, v5  }
0x37: {  	v59 =	vld.idx.msk [tilespmem:v52+s2+$0x0], $0xffff;
	v4 =	vadd.f32 v11, v4  }
0x38: {  	v60 =	vld.idx.msk [tilespmem:v52+s29+$0x0], $0xffff;
	v5 =	vadd.f32 v53, v5  }
0x39: {  	v61 =	vld.idx.msk [tilespmem:v55+s2+$0x0], $0xffff;
	v4 =	vadd.f32 v54, v4  }
0x3a: {  	v62 =	vld.idx.msk [tilespmem:v55+s29+$0x0], $0xffff;
	v5 =	vadd.f32 v56, v5  }
0x3b: {  	v63 =	vld.idx.msk [tilespmem:v58+s2+$0x0], $0xffff;
	v4 =	vadd.f32 v57, v4  }
0x3c: {  	v10 =	vld.idx.msk [tilespmem:v58+s29+$0x0], $0xffff;
	v5 =	vadd.f32 v59, v5  }
0x3d: {  	v4 =	vadd.f32 v60, v4  }
0x3e: {  	v5 =	vadd.f32 v61, v5  }
0x3f: {  	v4 =	vadd.f32 v62, v4  }
0x40: {  	v5 =	vadd.f32 v63, v5  }
0x41: {  	v4 =	vadd.f32 v10, v4  }
0x42: {  	[tilespmem:$0xF600] =	vst v5  }
0x43: {  	[tilespmem:$0xF610] =	vst v4  }
0x44: {  	[hbm4b:s23+s3] =	stream.linear.scatter [tilespmem:s8], [sflag:$0x3], $0x10, $0x38;
	[tilespmem:$0xF980] =	vst v63  }
0x45: {  	s6 =	sadd.s32 $0x1, s6;
	_ =	swait.ge [sflag:s30], $0x10  }
0x46: {  	p1 =	sne.s32 s6, s25;
	[sflag:s30] =	ssyncset.done $0x0  }
.Ltmp1:
0x47: {  	s7 =	simm.s32 $0xF610;
	[sflag:s30] =	ssyncadd.s32 $0xFFFFFFF0;
	(pc) =	sbr.rel @!p1 .LBB2_28-.Ltmp1, $4  }
0x48: {  	[hbm4b:s24+s3] =	stream.linear.scatter [tilespmem:s7], [sflag:$0x3], $0x10, $0x38;
	[tilespmem:$0xF980] =	vst v63  }
0x49: {  	_ =	swait.ge [sflag:s30], $0x10  }
0x4a: {  	[sflag:s30] =	ssyncset.done $0x0  }
0x4b: {  	[sflag:s30] =	ssyncadd.s32 $0xFFFFFFF0  }
.LBB2_1:
0x4c: {  	s7 =	rddreg [dreg:$0x2]  }
0x4d: {  	[tilespmem:s8], [sflag:$0x3] =	stream.linear.gather [hbm4b:s7+s3], $0x80, $0x38;
	[tilespmem:$0xF980] =	vst v63  }
0x4e: {  	_ =	swait.ge [sflag:s30], $0x80  }
0x4f: {  	[sflag:s30] =	ssyncset.done $0x0  }
0x50: {  	[sflag:s30] =	ssyncadd.s32 $0xFFFFFF80  }
0x51: {  	[tilespmem:$0xF680] =	vst v1  }
0x52: {  	[tilespmem:$0xF800] =	vst v1  }
0x53: {  	[tilespmem:$0xF690] =	vst v1  }
0x54: {  	[tilespmem:$0xF810] =	vst v1  }
0x55: {  	[tilespmem:$0xF6A0] =	vst v1  }
0x56: {  	[tilespmem:$0xF820] =	vst v1  }
0x57: {  	[tilespmem:$0xF6B0] =	vst v1  }
0x58: {  	[tilespmem:$0xF830] =	vst v1  }
0x59: {  	[tilespmem:$0xF6C0] =	vst v1  }
0x5a: {  	[tilespmem:$0xF840] =	vst v1  }
0x5b: {  	[tilespmem:$0xF6D0] =	vst v1  }
0x5c: {  	[tilespmem:$0xF850] =	vst v1  }
0x5d: {  	[tilespmem:$0xF6E0] =	vst v1  }
0x5e: {  	[tilespmem:$0xF860] =	vst v1  }
0x5f: {  	[tilespmem:$0xF6F0] =	vst v1  }
0x60: {  	[tilespmem:$0xF870] =	vst v1  }
0x61: {  	[tilespmem:$0xF700] =	vst v1  }
0x62: {  	[tilespmem:$0xF880] =	vst v1  }
0x63: {  	[tilespmem:$0xF710] =	vst v1  }
0x64: {  	[tilespmem:$0xF890] =	vst v1  }
0x65: {  	[tilespmem:$0xF720] =	vst v1  }
0x66: {  	[tilespmem:$0xF8A0] =	vst v1  }
0x67: {  	[tilespmem:$0xF730] =	vst v1  }
0x68: {  	[tilespmem:$0xF8B0] =	vst v1  }
0x69: {  	[tilespmem:$0xF740] =	vst v1  }
0x6a: {  	[tilespmem:$0xF8C0] =	vst v1  }
0x6b: {  	[tilespmem:$0xF750] =	vst v1  }
0x6c: {  	[tilespmem:$0xF8D0] =	vst v1  }
0x6d: {  	[tilespmem:$0xF760] =	vst v1  }
0x6e: {  	[tilespmem:$0xF8E0] =	vst v1  }
0x6f: {  	[tilespmem:$0xF770] =	vst v1  }
0x70: {  	[tilespmem:$0xF8F0] =	vst v1  }
0x71: {  	[tilespmem:$0xF780] =	vst v1  }
0x72: {  	s11 =	rddreg [dreg:$0x4];
	v4 =	vld [tilespmem:$0xF600];
	[tilespmem:$0xF900] =	vst v1  }
0x73: {  	v5 =	vld [tilespmem:$0xF610];
	[tilespmem:s31], [sflag:$0x1] =	stream.linear.gather [hbm4b:s11+s3], $0x28B0, $0x38  }
0x74: {  	_ = 	snop  }
0x75: {  	[tilespmem:s3], [sflag:$0x1] =	stream.linear.gather [hbm4b:s4+s3], $0x28B0, $0x38;
	[tilespmem:$0xF980] =	vst v63  }
0x76: {  	s8 =	rddreg [dreg:$0x5]  }
0x77: {  	[tilespmem:s1], [sflag:$0x1] =	stream.linear.gather [hbm4b:s8+s3], $0x28B0, $0x38;
	[tilespmem:$0xF980] =	vst v63  }
0x78: {  	s9 =	rddreg [dreg:$0x6]  }
0x79: {  	[tilespmem:s0], [sflag:$0x2] =	stream.linear.gather [hbm4b:s9+s3], $0x28B0, $0x38;
	[tilespmem:$0xF980] =	vst v63  }
0x7a: {  	s10 =	rddreg [dreg:$0x7]  }
0x7b: {  	[tilespmem:s20], [sflag:$0x2] =	stream.linear.gather [hbm4b:s10+s3], $0x28B0, $0x38;
	[tilespmem:$0xF980] =	vst v63  }
0x7c: {  	s11 =	rddreg [dreg:$0x8]  }
0x7d: {  	[tilespmem:s21], [sflag:$0x2] =	stream.linear.gather [hbm4b:s11+s3], $0x28B0, $0x38;
	[tilespmem:$0xF980] =	vst v63  }
0x7e: {  	_ =	swait.ge [sflag:s22], $0x28B0  }
0x7f: {  	[sflag:s22] =	ssyncset.done $0x0  }
0x80: {  	[sflag:s22] =	ssyncadd.s32 $0xFFFFD750  }
0x81: {  	_ =	swait.ge [sflag:s22], $0x28B0  }
0x82: {  	[sflag:s22] =	ssyncset.done $0x0  }
0x83: {  	[sflag:s22] =	ssyncadd.s32 $0xFFFFD750  }
0x84: {  	_ =	swait.ge [sflag:s22], $0x28B0  }
0x85: {  	[sflag:s22] =	ssyncset.done $0x0  }
0x86: {  	s7 =	simm.s32 $0xA440;
	[sflag:s22] =	ssyncadd.s32 $0xFFFFD750  }
0x87: {  	v11 =	vld [tilespmem:s7+$0xFFFFFFE0]  }
0x88: {  	v6 =	vld [tilespmem:s7+$0xFFFFFFC0]  }
0x89: {  	v7 =	vld [tilespmem:s7+$0x20]  }
0x8a: {  	v9 =	vld [tilespmem:s7+$0x10]  }
0x8b: {  	v12 =	vld [tilespmem:s7+$0x0]  }
0x8c: {  	v10 =	vld [tilespmem:s7+$0xFFFFFFF0]  }
0x8d: {  	v8 =	vld [tilespmem:s7+$0x30];
	_ =	sdelay $0x1  }
0x8e: {  	s8 =	simm.s32 $0x40;
	v6 =	vtrunc.f32 v6;
	v7 =	vtrunc.f32 v7  }
0x8f: {  	s10 =	simm.s32 $0x5240;
	v13 =	vld [tilespmem:s8+$0x20];
	v9 =	vtrunc.f32 v9;
	v19 =	vtrunc.f32 v12  }
0x90: {  	v15 =	vld [tilespmem:s10+$0xFFFFFFC0];
	v10 =	vtrunc.f32 v10;
	v11 =	vtrunc.f32 v11  }
0x91: {  	v16 =	vld [tilespmem:s7+$0xFFFFFFD0];
	v14 =	vcvt.f32.s32 v6;
	v6 =	vtrunc.f32 v8  }
0x92: {  	v18 =	vld [tilespmem:s8+$0xFFFFFFC0];
	v9 =	vcvt.f32.s32 v9;
	v8 =	vcvt.f32.s32 v6  }
0x93: {  	v17 =	vld [tilespmem:s10+$0x30];
	v6 =	vcvt.f32.s32 v7;
	v7 =	vperm.xlane v5, v14  }
0x94: {  	v28 =	vld [tilespmem:s8+$0x30];
	v21 =	vperm.xlane v4, v14;
	v26 =	vperm.xlane v4, v9  }
0x95: {  	v22 =	vld [tilespmem:s8+$0xFFFFFFF0];
	v12 =	vperm.xlane v4, v6;
	v20 =	vperm.xlane v5, v8  }
0x96: {  	v23 =	vld [tilespmem:s8+$0xFFFFFFD0];
	v29 =	vperm.xlane v4, v8;
	v32 =	vperm.xlane v5, v6;
	v15 =	vsub.f32 v15, v7  }
0x97: {  	v30 =	vld [tilespmem:s10+$0x20];
	v7 =	vcvt.f32.s32 v10;
	v10 =	vtrunc.f32 v16;
	v18 =	vsub.f32 v18, v21  }
0x98: {  	v21 =	vld [tilespmem:s10+$0xFFFFFFD0];
	v16 =	vsub.f32 v13, v12;
	v13 =	vsub.f32 v17, v20;
	v10 =	vcvt.f32.s32 v10  }
0x99: {  	v20 =	vld [tilespmem:s10+$0xFFFFFFF0];
	v29 =	vsub.f32 v28, v29;
	v28 =	vperm.xlane v5, v9;
	v17 =	vperm.xlane v4, v7  }
0x9a: {  	v12 =	vadd.s32 v2, v14;
	v24 =	vmul.f32 v15, v15;
	v15 =	vcvt.f32.s32 v19  }
0x9b: {  	v14 =	vld [tilespmem:s10+$0x10];
	v25 =	vperm.xlane v4, v10;
	v27 =	vsub.f32 v22, v17;
	v22 =	vperm.xlane v5, v10  }
0x9c: {  	v19 =	vperm.xlane v5, v7;
	v17 =	vmul.f32 v13, v13;
	v13 =	vld [tilespmem:s10+$0xFFFFFFE0]  }
0x9d: {  	v31 =	vmul.f32 v18, v18;
	v23 =	vsub.f32 v23, v25;
	v25 =	vld [tilespmem:s8+$0x10];
	v21 =	vsub.f32 v21, v22  }
0x9e: {  	v30 =	vsub.f32 v30, v32;
	v18 =	vcvt.f32.s32 v11;
	v19 =	vsub.f32 v20, v19;
	v22 =	vld [tilespmem:s8+$0x0]  }
0x9f: {  	v31 =	vadd.f32 v24, v31;
	v20 =	vmul.f32 v23, v23;
	v24 =	vmul.f32 v21, v21;
	v21 =	vld [tilespmem:s8+$0xFFFFFFE0]  }
0xa0: {  	s9 =	simm.s32 $0x0;
	v11 =	vadd.s32 v2, v15;
	v23 =	vmul.f32 v27, v27;
	v27 =	vld [tilespmem:s10+$0x0];
	s10 =	simm.s32 $0x52C0;
	v19 =	vmul.f32 v19, v19  }
.LBB2_2:
0xa1: {  	s9 =	sadd.s32 $0x8, s9;
	[tilespmem:v12+s2+$0x0] =	vst.idx.add.f32.msk $0xffff, v31;
	v20 =	vadd.f32 v24, v20;
	v16 =	vmul.f32 v16, v16;
	s7 =	sadd.s32 $0x80, s7;
	s8 =	sadd.s32 $0x80, s8  }
0xa2: {  	v31 =	vperm.xlane v4, v18;
	v24 =	vld [tilespmem:s7+$0xFFFFFFE0];
	p1 =	slt.u32 s9, $0x280;
	v25 =	vsub.f32 v25, v26;
	v26 =	vmul.f32 v29, v29  }
0xa3: {  	v32 =	vperm.xlane v5, v15;
	v30 =	vmul.f32 v30, v30;
	v29 =	vld [tilespmem:s8+$0xFFFFFFC0]  }
0xa4: {  	v34 =	vperm.xlane v5, v18;
	v18 =	vadd.s32 v2, v18;
	v33 =	vld [tilespmem:s8+$0x20];
	v21 =	vsub.f32 v21, v31  }
0xa5: {  	v15 =	vperm.xlane v4, v15;
	v19 =	vadd.f32 v19, v23;
	v31 =	vld [tilespmem:s7+$0xFFFFFFD0];
	v23 =	vsub.f32 v27, v32  }
0xa6: {  	v14 =	vsub.f32 v14, v28;
	v16 =	vadd.f32 v30, v16;
	v27 =	vld [tilespmem:s10+$0x30]  }
0xa7: {  	v15 =	vsub.f32 v22, v15;
	v17 =	vadd.f32 v17, v26;
	v28 =	vld [tilespmem:s7+$0xFFFFFFF0]  }
0xa8: {  	v13 =	vsub.f32 v13, v34;
	v25 =	vmul.f32 v25, v25;
	v14 =	vmul.f32 v14, v14;
	v22 =	vld [tilespmem:s7+$0xFFFFFFC0]  }
0xa9: {  	v8 =	vadd.s32 v2, v8;
	v15 =	vmul.f32 v15, v15;
	v26 =	vld [tilespmem:s7+$0x20]  }
0xaa: {  	v13 =	vmul.f32 v13, v13;
	v14 =	vadd.f32 v14, v25;
	v30 =	vld [tilespmem:s7+$0x10]  }
0xab: {  	v6 =	vadd.s32 v2, v6;
	v25 =	vld [tilespmem:s7+$0x0]  }
0xac: {  	v9 =	vadd.s32 v2, v9;
	v32 =	vld [tilespmem:s7+$0x30]  }
0xad: {  	v34 =	vld [tilespmem:s10+$0xFFFFFFC0]  }
0xae: {  	[tilespmem:v8+s2+$0x0] =	vst.idx.add.f32.msk $0xffff, v17  }
0xaf: {  	[tilespmem:v12+s29+$0x0] =	vst.idx.add.f32.msk $0xffff, v3;
	v12 =	vmul.f32 v23, v23  }
0xb0: {  	v7 =	vadd.s32 v2, v7;
	[tilespmem:v6+s2+$0x0] =	vst.idx.add.f32.msk $0xffff, v16  }
0xb1: {  	v12 =	vadd.f32 v12, v15;
	[tilespmem:v9+s2+$0x0] =	vst.idx.add.f32.msk $0xffff, v14  }
0xb2: {  	v10 =	vadd.s32 v2, v10;
	[tilespmem:v6+s29+$0x0] =	vst.idx.add.f32.msk $0xffff, v3  }
0xb3: {  	[tilespmem:v11+s2+$0x0] =	vst.idx.add.f32.msk $0xffff, v12  }
0xb4: {  	[tilespmem:v8+s29+$0x0] =	vst.idx.add.f32.msk $0xffff, v3  }
0xb5: {  	[tilespmem:v7+s2+$0x0] =	vst.idx.add.f32.msk $0xffff, v19  }
0xb6: {  	v6 =	vtrunc.f32 v22;
	v12 =	vmul.f32 v21, v21;
	[tilespmem:v7+s29+$0x0] =	vst.idx.add.f32.msk $0xffff, v3  }
0xb7: {  	v14 =	vcvt.f32.s32 v6;
	v6 =	vtrunc.f32 v32;
	[tilespmem:v10+s2+$0x0] =	vst.idx.add.f32.msk $0xffff, v20  }
0xb8: {  	v8 =	vcvt.f32.s32 v6;
	v12 =	vadd.f32 v13, v12;
	v7 =	vtrunc.f32 v26;
	[tilespmem:v9+s29+$0x0] =	vst.idx.add.f32.msk $0xffff, v3  }
0xb9: {  	v6 =	vcvt.f32.s32 v7;
	v9 =	vtrunc.f32 v30;
	[tilespmem:v11+s29+$0x0] =	vst.idx.add.f32.msk $0xffff, v3  }
0xba: {  	v7 =	vperm.xlane v5, v14;
	v11 =	vtrunc.f32 v25;
	[tilespmem:v18+s2+$0x0] =	vst.idx.add.f32.msk $0xffff, v12  }
0xbb: {  	v9 =	vcvt.f32.s32 v9;
	v12 =	vtrunc.f32 v28;
	[tilespmem:v18+s29+$0x0] =	vst.idx.add.f32.msk $0xffff, v3  }
0xbc: {  	v15 =	vperm.xlane v5, v8;
	v13 =	vperm.xlane v4, v6;
	[tilespmem:v10+s29+$0x0] =	vst.idx.add.f32.msk $0xffff, v3  }
0xbd: {  	v17 =	vsub.f32 v34, v7;
	v7 =	vcvt.f32.s32 v12;
	v10 =	vperm.xlane v4, v14;
	v18 =	vld [tilespmem:s8+$0xFFFFFFF0]  }
0xbe: {  	v12 =	vtrunc.f32 v31;
	v16 =	vsub.f32 v33, v13;
	v13 =	vsub.f32 v27, v15;
	v19 =	vld [tilespmem:s8+$0xFFFFFFD0]  }
0xbf: {  	v21 =	vmul.f32 v17, v17;
	v20 =	vsub.f32 v29, v10;
	v10 =	vcvt.f32.s32 v12;
	v22 =	vld [tilespmem:s10+$0xFFFFFFF0]  }
0xc0: {  	v24 =	vtrunc.f32 v24;
	v17 =	vperm.xlane v4, v7;
	v23 =	vld [tilespmem:s10+$0xFFFFFFD0]  }
0xc1: {  	v15 =	vcvt.f32.s32 v11;
	v12 =	vadd.s32 v2, v14;
	v25 =	vperm.xlane v4, v10;
	v14 =	vld [tilespmem:s10+$0x10]  }
0xc2: {  	v11 =	vperm.xlane v5, v7;
	v29 =	vperm.xlane v4, v8;
	v27 =	vsub.f32 v18, v17;
	v28 =	vld [tilespmem:s8+$0x30]  }
0xc3: {  	v18 =	vperm.xlane v5, v10;
	v17 =	vmul.f32 v13, v13;
	v19 =	vsub.f32 v19, v25;
	v30 =	vld [tilespmem:s10+$0x20]  }
.Ltmp2:
0xc4: {  	v32 =	vperm.xlane v5, v6;
	v31 =	vmul.f32 v20, v20;
	v13 =	vld [tilespmem:s10+$0xFFFFFFE0];
	v11 =	vsub.f32 v22, v11;
	(pc) =	sbr.rel @p1 .LBB2_2-.Ltmp2, $4  }
0xc5: {  	v26 =	vperm.xlane v4, v9;
	v23 =	vsub.f32 v23, v18;
	v20 =	vmul.f32 v19, v19;
	v25 =	vld [tilespmem:s8+$0x10]  }
0xc6: {  	v18 =	vcvt.f32.s32 v24;
	v19 =	vmul.f32 v11, v11;
	v22 =	vld [tilespmem:s8+$0x0];
	v11 =	vadd.s32 v2, v15  }
0xc7: {  	v31 =	vadd.f32 v21, v31;
	v24 =	vmul.f32 v23, v23;
	v21 =	vld [tilespmem:s8+$0xFFFFFFE0];
	v29 =	vsub.f32 v28, v29  }
0xc8: {  	s11 =	simm.s32 $0x0;
	v23 =	vmul.f32 v27, v27;
	v28 =	vperm.xlane v5, v9;
	v27 =	vld [tilespmem:s10+$0x0];
	v30 =	vsub.f32 v30, v32;
	s10 =	sadd.s32 $0x80, s10  }
0xc9: {  	_ =	sdelay $0x3  }
0xca: {  	[tilespmem:v12+s2+$0x0] =	vst.idx.add.f32.msk $0xffff, v31  }
0xcb: {  	v16 =	vmul.f32 v16, v16;
	v29 =	vmul.f32 v29, v29;
	v8 =	vadd.s32 v2, v8  }
0xcc: {  	v55 =	vperm.xlane v5, v15;
	v56 =	vperm.xlane v4, v15;
	v6 =	vadd.s32 v2, v6  }
0xcd: {  	v9 =	vadd.s32 v2, v9;
	v10 =	vadd.s32 v2, v10;
	v30 =	vmul.f32 v30, v30  }
0xce: {  	v7 =	vadd.s32 v2, v7;
	v59 =	vperm.xlane v4, v18;
	v17 =	vadd.f32 v17, v29  }
0xcf: {  	v25 =	vsub.f32 v25, v26;
	[tilespmem:v12+s29+$0x0] =	vst.idx.add.f32.msk $0xffff, v3;
	v16 =	vadd.f32 v30, v16  }
0xd0: {  	v62 =	vadd.f32 v24, v20;
	v14 =	vsub.f32 v14, v28;
	[tilespmem:v8+s2+$0x0] =	vst.idx.add.f32.msk $0xffff, v17  }
0xd1: {  	v15 =	vsub.f32 v22, v56;
	v25 =	vmul.f32 v25, v25;
	[tilespmem:v6+s2+$0x0] =	vst.idx.add.f32.msk $0xffff, v16  }
0xd2: {  	v14 =	vmul.f32 v14, v14;
	v57 =	vsub.f32 v27, v55;
	[tilespmem:v10+s2+$0x0] =	vst.idx.add.f32.msk $0xffff, v62  }
0xd3: {  	v60 =	vperm.xlane v5, v18;
	v15 =	vmul.f32 v15, v15;
	[tilespmem:v6+s29+$0x0] =	vst.idx.add.f32.msk $0xffff, v3  }
0xd4: {  	v14 =	vadd.f32 v14, v25;
	v58 =	vmul.f32 v57, v57;
	[tilespmem:v8+s29+$0x0] =	vst.idx.add.f32.msk $0xffff, v3  }
0xd5: {  	v13 =	vsub.f32 v13, v60;
	v6 =	vadd.f32 v19, v23;
	[tilespmem:v10+s29+$0x0] =	vst.idx.add.f32.msk $0xffff, v3  }
0xd6: {  	v61 =	vsub.f32 v21, v59;
	[tilespmem:v9+s2+$0x0] =	vst.idx.add.f32.msk $0xffff, v14;
	v12 =	vadd.f32 v58, v15  }
0xd7: {  	v63 =	vadd.s32 v2, v18;
	[tilespmem:v7+s2+$0x0] =	vst.idx.add.f32.msk $0xffff, v6  }
0xd8: {  	v6 =	vmul.f32 v13, v13;
	[tilespmem:v11+s2+$0x0] =	vst.idx.add.f32.msk $0xffff, v12;
	v12 =	vmul.f32 v61, v61  }
0xd9: {  	[tilespmem:v9+s29+$0x0] =	vst.idx.add.f32.msk $0xffff, v3  }
0xda: {  	[tilespmem:v7+s29+$0x0] =	vst.idx.add.f32.msk $0xffff, v3;
	v6 =	vadd.f32 v6, v12  }
0xdb: {  	[tilespmem:v11+s29+$0x0] =	vst.idx.add.f32.msk $0xffff, v3  }
0xdc: {  	[tilespmem:v63+s2+$0x0] =	vst.idx.add.f32.msk $0xffff, v6  }
0xdd: {  	[tilespmem:v63+s29+$0x0] =	vst.idx.add.f32.msk $0xffff, v3  }
.LBB2_4:
0xde: {  	s7 =	sshra.s32 s11, $0x2  }
0xdf: {  	v6 =	vld [tilespmem:s7+$0xCC80];
	_ =	sdelay $0x3  }
0xe0: {  	v7 =	vld [tilespmem:s7+$0x2880]  }
0xe1: {  	v8 =	vld [tilespmem:s7+$0x7A80];
	v6 =	vtrunc.f32 v6  }
0xe2: {  	v6 =	vcvt.f32.s32 v6;
	_ =	sdelay $0x1  }
0xe3: {  	v9 =	vperm.xlane v4, v6;
	v10 =	vperm.xlane v5, v6;
	_ =	sdelay $0x1  }
0xe4: {  	v7 =	vsub.f32 v7, v9;
	v8 =	vsub.f32 v8, v10  }
0xe5: {  	v6 =	vadd.s32 v2, v6  }
0xe6: {  	p1 =	sne.s32 s11, $0x80;
	v7 =	vmul.f32 v7, v7;
	v8 =	vmul.f32 v8, v8  }
.Ltmp3:
0xe7: {  	_ = 	snop;
	(pc) =	sbr.rel @p1 .LBB2_4-.Ltmp3, $3  }
0xe8: {  	v7 =	vadd.f32 v8, v7;
	_ =	sdelay $0x1  }
0xe9: {  	[tilespmem:v6+s2+$0x0] =	vst.idx.add.f32.msk $0xffff, v7  }
0xea: {  	s11 =	sadd.s32 $0x40, s11;
	[tilespmem:v6+s29+$0x0] =	vst.idx.add.f32.msk $0xffff, v3  }
0xeb: {  	s7 =	rddreg [dreg:$0x9]  }
0xec: {  	[tilespmem:s31], [sflag:$0x1] =	stream.linear.gather [hbm4b:s7+s3], $0x28B0, $0x38;
	[tilespmem:$0xF980] =	vst v63  }
0xed: {  	s11 =	rddreg [dreg:$0xa]  }
0xee: {  	[tilespmem:s3], [sflag:$0x1] =	stream.linear.gather [hbm4b:s11+s3], $0x28B0, $0x38;
	[tilespmem:$0xF980] =	vst v63  }
0xef: {  	_ = 	snop  }
0xf0: {  	[tilespmem:s1], [sflag:$0x1] =	stream.linear.gather [hbm4b:s12+s3], $0x28B0, $0x38;
	[tilespmem:$0xF980] =	vst v63  }
0xf1: {  	_ =	swait.ge [sflag:s5], $0x28B0  }
0xf2: {  	[sflag:s5] =	ssyncset.done $0x0  }
0xf3: {  	[sflag:s5] =	ssyncadd.s32 $0xFFFFD750  }
0xf4: {  	_ =	swait.ge [sflag:s5], $0x28B0  }
0xf5: {  	[sflag:s5] =	ssyncset.done $0x0  }
0xf6: {  	[sflag:s5] =	ssyncadd.s32 $0xFFFFD750  }
0xf7: {  	_ =	swait.ge [sflag:s5], $0x28B0  }
0xf8: {  	[sflag:s5] =	ssyncset.done $0x0  }
0xf9: {  	s7 =	simm.s32 $0xCD40;
	[sflag:s5] =	ssyncadd.s32 $0xFFFFD750  }
0xfa: {  	v11 =	vld [tilespmem:s7+$0xFFFFFFE0]  }
0xfb: {  	v6 =	vld [tilespmem:s7+$0xFFFFFFC0]  }
0xfc: {  	v7 =	vld [tilespmem:s7+$0x20]  }
0xfd: {  	v9 =	vld [tilespmem:s7+$0x10]  }
0xfe: {  	v12 =	vld [tilespmem:s7+$0x0]  }
0xff: {  	v10 =	vld [tilespmem:s7+$0xFFFFFFF0]  }
0x100: {  	v8 =	vld [tilespmem:s7+$0x30];
	_ =	sdelay $0x1  }
0x101: {  	s8 =	simm.s32 $0x2940;
	v6 =	vtrunc.f32 v6;
	v7 =	vtrunc.f32 v7  }
0x102: {  	s10 =	simm.s32 $0x7B40;
	v13 =	vld [tilespmem:s8+$0x20];
	v9 =	vtrunc.f32 v9;
	v19 =	vtrunc.f32 v12  }
0x103: {  	v15 =	vld [tilespmem:s10+$0xFFFFFFC0];
	v10 =	vtrunc.f32 v10;
	v11 =	vtrunc.f32 v11  }
0x104: {  	v16 =	vld [tilespmem:s7+$0xFFFFFFD0];
	v14 =	vcvt.f32.s32 v6;
	v6 =	vtrunc.f32 v8  }
0x105: {  	v18 =	vld [tilespmem:s8+$0xFFFFFFC0];
	v9 =	vcvt.f32.s32 v9;
	v8 =	vcvt.f32.s32 v6  }
0x106: {  	v17 =	vld [tilespmem:s10+$0x30];
	v6 =	vcvt.f32.s32 v7;
	v7 =	vperm.xlane v5, v14  }
0x107: {  	v28 =	vld [tilespmem:s8+$0x30];
	v21 =	vperm.xlane v4, v14;
	v26 =	vperm.xlane v4, v9  }
0x108: {  	v22 =	vld [tilespmem:s8+$0xFFFFFFF0];
	v12 =	vperm.xlane v4, v6;
	v20 =	vperm.xlane v5, v8  }
0x109: {  	v23 =	vld [tilespmem:s8+$0xFFFFFFD0];
	v29 =	vperm.xlane v4, v8;
	v32 =	vperm.xlane v5, v6;
	v15 =	vsub.f32 v15, v7  }
0x10a: {  	v30 =	vld [tilespmem:s10+$0x20];
	v7 =	vcvt.f32.s32 v10;
	v10 =	vtrunc.f32 v16;
	v18 =	vsub.f32 v18, v21  }
0x10b: {  	v21 =	vld [tilespmem:s10+$0xFFFFFFD0];
	v16 =	vsub.f32 v13, v12;
	v13 =	vsub.f32 v17, v20;
	v10 =	vcvt.f32.s32 v10  }
0x10c: {  	v20 =	vld [tilespmem:s10+$0xFFFFFFF0];
	v29 =	vsub.f32 v28, v29;
	v28 =	vperm.xlane v5, v9;
	v17 =	vperm.xlane v4, v7  }
0x10d: {  	v12 =	vadd.s32 v2, v14;
	v24 =	vmul.f32 v15, v15;
	v15 =	vcvt.f32.s32 v19  }
0x10e: {  	v14 =	vld [tilespmem:s10+$0x10];
	v25 =	vperm.xlane v4, v10;
	v27 =	vsub.f32 v22, v17;
	v22 =	vperm.xlane v5, v10  }
0x10f: {  	v19 =	vperm.xlane v5, v7;
	v17 =	vmul.f32 v13, v13;
	v13 =	vld [tilespmem:s10+$0xFFFFFFE0]  }
0x110: {  	v31 =	vmul.f32 v18, v18;
	v23 =	vsub.f32 v23, v25;
	v25 =	vld [tilespmem:s8+$0x10];
	v21 =	vsub.f32 v21, v22  }
0x111: {  	v30 =	vsub.f32 v30, v32;
	v18 =	vcvt.f32.s32 v11;
	v19 =	vsub.f32 v20, v19;
	v22 =	vld [tilespmem:s8+$0x0]  }
0x112: {  	v31 =	vadd.f32 v24, v31;
	v20 =	vmul.f32 v23, v23;
	v24 =	vmul.f32 v21, v21;
	v21 =	vld [tilespmem:s8+$0xFFFFFFE0]  }
0x113: {  	s9 =	simm.s32 $0x0;
	v11 =	vadd.s32 v2, v15;
	v23 =	vmul.f32 v27, v27;
	v27 =	vld [tilespmem:s10+$0x0];
	s10 =	simm.s32 $0x7BC0;
	v19 =	vmul.f32 v19, v19  }
.LBB2_6:
0x114: {  	s9 =	sadd.s32 $0x8, s9;
	[tilespmem:v12+s2+$0x0] =	vst.idx.add.f32.msk $0xffff, v31;
	v20 =	vadd.f32 v24, v20;
	v16 =	vmul.f32 v16, v16;
	s7 =	sadd.s32 $0x80, s7;
	s8 =	sadd.s32 $0x80, s8  }
0x115: {  	v31 =	vperm.xlane v4, v18;
	v24 =	vld [tilespmem:s7+$0xFFFFFFE0];
	p1 =	slt.u32 s9, $0x280;
	v25 =	vsub.f32 v25, v26;
	v26 =	vmul.f32 v29, v29  }
0x116: {  	v32 =	vperm.xlane v5, v15;
	v30 =	vmul.f32 v30, v30;
	v29 =	vld [tilespmem:s8+$0xFFFFFFC0]  }
0x117: {  	v34 =	vperm.xlane v5, v18;
	v18 =	vadd.s32 v2, v18;
	v33 =	vld [tilespmem:s8+$0x20];
	v21 =	vsub.f32 v21, v31  }
0x118: {  	v15 =	vperm.xlane v4, v15;
	v19 =	vadd.f32 v19, v23;
	v31 =	vld [tilespmem:s7+$0xFFFFFFD0];
	v23 =	vsub.f32 v27, v32  }
0x119: {  	v14 =	vsub.f32 v14, v28;
	v16 =	vadd.f32 v30, v16;
	v27 =	vld [tilespmem:s10+$0x30]  }
0x11a: {  	v15 =	vsub.f32 v22, v15;
	v17 =	vadd.f32 v17, v26;
	v28 =	vld [tilespmem:s7+$0xFFFFFFF0]  }
0x11b: {  	v13 =	vsub.f32 v13, v34;
	v25 =	vmul.f32 v25, v25;
	v14 =	vmul.f32 v14, v14;
	v22 =	vld [tilespmem:s7+$0xFFFFFFC0]  }
0x11c: {  	v8 =	vadd.s32 v2, v8;
	v15 =	vmul.f32 v15, v15;
	v26 =	vld [tilespmem:s7+$0x20]  }
0x11d: {  	v13 =	vmul.f32 v13, v13;
	v14 =	vadd.f32 v14, v25;
	v30 =	vld [tilespmem:s7+$0x10]  }
0x11e: {  	v6 =	vadd.s32 v2, v6;
	v25 =	vld [tilespmem:s7+$0x0]  }
0x11f: {  	v9 =	vadd.s32 v2, v9;
	v32 =	vld [tilespmem:s7+$0x30]  }
0x120: {  	v34 =	vld [tilespmem:s10+$0xFFFFFFC0]  }
0x121: {  	[tilespmem:v8+s2+$0x0] =	vst.idx.add.f32.msk $0xffff, v17  }
0x122: {  	[tilespmem:v12+s29+$0x0] =	vst.idx.add.f32.msk $0xffff, v3;
	v12 =	vmul.f32 v23, v23  }
0x123: {  	v7 =	vadd.s32 v2, v7;
	[tilespmem:v6+s2+$0x0] =	vst.idx.add.f32.msk $0xffff, v16  }
0x124: {  	v12 =	vadd.f32 v12, v15;
	[tilespmem:v9+s2+$0x0] =	vst.idx.add.f32.msk $0xffff, v14  }
0x125: {  	v10 =	vadd.s32 v2, v10;
	[tilespmem:v6+s29+$0x0] =	vst.idx.add.f32.msk $0xffff, v3  }
0x126: {  	[tilespmem:v11+s2+$0x0] =	vst.idx.add.f32.msk $0xffff, v12  }
0x127: {  	[tilespmem:v8+s29+$0x0] =	vst.idx.add.f32.msk $0xffff, v3  }
0x128: {  	[tilespmem:v7+s2+$0x0] =	vst.idx.add.f32.msk $0xffff, v19  }
0x129: {  	v6 =	vtrunc.f32 v22;
	v12 =	vmul.f32 v21, v21;
	[tilespmem:v7+s29+$0x0] =	vst.idx.add.f32.msk $0xffff, v3  }
0x12a: {  	v14 =	vcvt.f32.s32 v6;
	v6 =	vtrunc.f32 v32;
	[tilespmem:v10+s2+$0x0] =	vst.idx.add.f32.msk $0xffff, v20  }
0x12b: {  	v8 =	vcvt.f32.s32 v6;
	v12 =	vadd.f32 v13, v12;
	v7 =	vtrunc.f32 v26;
	[tilespmem:v9+s29+$0x0] =	vst.idx.add.f32.msk $0xffff, v3  }
0x12c: {  	v6 =	vcvt.f32.s32 v7;
	v9 =	vtrunc.f32 v30;
	[tilespmem:v11+s29+$0x0] =	vst.idx.add.f32.msk $0xffff, v3  }
0x12d: {  	v7 =	vperm.xlane v5, v14;
	v11 =	vtrunc.f32 v25;
	[tilespmem:v18+s2+$0x0] =	vst.idx.add.f32.msk $0xffff, v12  }
0x12e: {  	v9 =	vcvt.f32.s32 v9;
	v12 =	vtrunc.f32 v28;
	[tilespmem:v18+s29+$0x0] =	vst.idx.add.f32.msk $0xffff, v3  }
0x12f: {  	v15 =	vperm.xlane v5, v8;
	v13 =	vperm.xlane v4, v6;
	[tilespmem:v10+s29+$0x0] =	vst.idx.add.f32.msk $0xffff, v3  }
0x130: {  	v17 =	vsub.f32 v34, v7;
	v7 =	vcvt.f32.s32 v12;
	v10 =	vperm.xlane v4, v14;
	v18 =	vld [tilespmem:s8+$0xFFFFFFF0]  }
0x131: {  	v12 =	vtrunc.f32 v31;
	v16 =	vsub.f32 v33, v13;
	v13 =	vsub.f32 v27, v15;
	v19 =	vld [tilespmem:s8+$0xFFFFFFD0]  }
0x132: {  	v21 =	vmul.f32 v17, v17;
	v20 =	vsub.f32 v29, v10;
	v10 =	vcvt.f32.s32 v12;
	v22 =	vld [tilespmem:s10+$0xFFFFFFF0]  }
0x133: {  	v24 =	vtrunc.f32 v24;
	v17 =	vperm.xlane v4, v7;
	v23 =	vld [tilespmem:s10+$0xFFFFFFD0]  }
0x134: {  	v15 =	vcvt.f32.s32 v11;
	v12 =	vadd.s32 v2, v14;
	v25 =	vperm.xlane v4, v10;
	v14 =	vld [tilespmem:s10+$0x10]  }
0x135: {  	v11 =	vperm.xlane v5, v7;
	v29 =	vperm.xlane v4, v8;
	v27 =	vsub.f32 v18, v17;
	v28 =	vld [tilespmem:s8+$0x30]  }
0x136: {  	v18 =	vperm.xlane v5, v10;
	v17 =	vmul.f32 v13, v13;
	v19 =	vsub.f32 v19, v25;
	v30 =	vld [tilespmem:s10+$0x20]  }
.Ltmp4:
0x137: {  	v32 =	vperm.xlane v5, v6;
	v31 =	vmul.f32 v20, v20;
	v13 =	vld [tilespmem:s10+$0xFFFFFFE0];
	v11 =	vsub.f32 v22, v11;
	(pc) =	sbr.rel @p1 .LBB2_6-.Ltmp4, $4  }
0x138: {  	v26 =	vperm.xlane v4, v9;
	v23 =	vsub.f32 v23, v18;
	v20 =	vmul.f32 v19, v19;
	v25 =	vld [tilespmem:s8+$0x10]  }
0x139: {  	v18 =	vcvt.f32.s32 v24;
	v19 =	vmul.f32 v11, v11;
	v22 =	vld [tilespmem:s8+$0x0];
	v11 =	vadd.s32 v2, v15  }
0x13a: {  	v31 =	vadd.f32 v21, v31;
	v24 =	vmul.f32 v23, v23;
	v21 =	vld [tilespmem:s8+$0xFFFFFFE0];
	v29 =	vsub.f32 v28, v29  }
0x13b: {  	s11 =	simm.s32 $0x0;
	v23 =	vmul.f32 v27, v27;
	v28 =	vperm.xlane v5, v9;
	v27 =	vld [tilespmem:s10+$0x0];
	v30 =	vsub.f32 v30, v32;
	s10 =	sadd.s32 $0x80, s10  }
0x13c: {  	_ =	sdelay $0x3  }
0x13d: {  	[tilespmem:v12+s2+$0x0] =	vst.idx.add.f32.msk $0xffff, v31  }
0x13e: {  	v16 =	vmul.f32 v16, v16;
	v29 =	vmul.f32 v29, v29;
	v8 =	vadd.s32 v2, v8  }
0x13f: {  	v55 =	vperm.xlane v5, v15;
	v56 =	vperm.xlane v4, v15;
	v6 =	vadd.s32 v2, v6  }
0x140: {  	v9 =	vadd.s32 v2, v9;
	v10 =	vadd.s32 v2, v10;
	v30 =	vmul.f32 v30, v30  }
0x141: {  	v7 =	vadd.s32 v2, v7;
	v59 =	vperm.xlane v4, v18;
	v17 =	vadd.f32 v17, v29  }
0x142: {  	v25 =	vsub.f32 v25, v26;
	[tilespmem:v12+s29+$0x0] =	vst.idx.add.f32.msk $0xffff, v3;
	v16 =	vadd.f32 v30, v16  }
0x143: {  	v62 =	vadd.f32 v24, v20;
	v14 =	vsub.f32 v14, v28;
	[tilespmem:v8+s2+$0x0] =	vst.idx.add.f32.msk $0xffff, v17  }
0x144: {  	v15 =	vsub.f32 v22, v56;
	v25 =	vmul.f32 v25, v25;
	[tilespmem:v6+s2+$0x0] =	vst.idx.add.f32.msk $0xffff, v16  }
0x145: {  	v14 =	vmul.f32 v14, v14;
	v57 =	vsub.f32 v27, v55;
	[tilespmem:v10+s2+$0x0] =	vst.idx.add.f32.msk $0xffff, v62  }
0x146: {  	v60 =	vperm.xlane v5, v18;
	v15 =	vmul.f32 v15, v15;
	[tilespmem:v6+s29+$0x0] =	vst.idx.add.f32.msk $0xffff, v3  }
0x147: {  	v14 =	vadd.f32 v14, v25;
	v58 =	vmul.f32 v57, v57;
	[tilespmem:v8+s29+$0x0] =	vst.idx.add.f32.msk $0xffff, v3  }
0x148: {  	v13 =	vsub.f32 v13, v60;
	v6 =	vadd.f32 v19, v23;
	[tilespmem:v10+s29+$0x0] =	vst.idx.add.f32.msk $0xffff, v3  }
0x149: {  	v61 =	vsub.f32 v21, v59;
	[tilespmem:v9+s2+$0x0] =	vst.idx.add.f32.msk $0xffff, v14;
	v12 =	vadd.f32 v58, v15  }
0x14a: {  	v63 =	vadd.s32 v2, v18;
	[tilespmem:v7+s2+$0x0] =	vst.idx.add.f32.msk $0xffff, v6  }
0x14b: {  	v6 =	vmul.f32 v13, v13;
	[tilespmem:v11+s2+$0x0] =	vst.idx.add.f32.msk $0xffff, v12;
	v12 =	vmul.f32 v61, v61  }
0x14c: {  	[tilespmem:v9+s29+$0x0] =	vst.idx.add.f32.msk $0xffff, v3  }
0x14d: {  	[tilespmem:v7+s29+$0x0] =	vst.idx.add.f32.msk $0xffff, v3;
	v6 =	vadd.f32 v6, v12  }
0x14e: {  	[tilespmem:v11+s29+$0x0] =	vst.idx.add.f32.msk $0xffff, v3  }
0x14f: {  	[tilespmem:v63+s2+$0x0] =	vst.idx.add.f32.msk $0xffff, v6  }
0x150: {  	[tilespmem:v63+s29+$0x0] =	vst.idx.add.f32.msk $0xffff, v3  }
.LBB2_8:
0x151: {  	s7 =	sshra.s32 s11, $0x2  }
0x152: {  	v6 =	vld [tilespmem:s7+$0xF580];
	_ =	sdelay $0x3  }
0x153: {  	v7 =	vld [tilespmem:s7+$0x5180]  }
0x154: {  	v8 =	vld [tilespmem:s7+$0xA380];
	v6 =	vtrunc.f32 v6  }
0x155: {  	v6 =	vcvt.f32.s32 v6;
	_ =	sdelay $0x1  }
0x156: {  	v9 =	vperm.xlane v4, v6;
	v10 =	vperm.xlane v5, v6;
	_ =	sdelay $0x1  }
0x157: {  	v7 =	vsub.f32 v7, v9;
	v8 =	vsub.f32 v8, v10  }
0x158: {  	v6 =	vadd.s32 v2, v6  }
0x159: {  	p1 =	sne.s32 s11, $0x80;
	v7 =	vmul.f32 v7, v7;
	v8 =	vmul.f32 v8, v8  }
.Ltmp5:
0x15a: {  	_ = 	snop;
	(pc) =	sbr.rel @p1 .LBB2_8-.Ltmp5, $3  }
0x15b: {  	v7 =	vadd.f32 v8, v7;
	_ =	sdelay $0x1  }
0x15c: {  	[tilespmem:v6+s2+$0x0] =	vst.idx.add.f32.msk $0xffff, v7  }
0x15d: {  	s11 =	sadd.s32 $0x40, s11;
	[tilespmem:v6+s29+$0x0] =	vst.idx.add.f32.msk $0xffff, v3  }
0x15e: {  	[tilespmem:s0], [sflag:$0x2] =	stream.linear.gather [hbm4b:s13+s3], $0x28B0, $0x38;
	[tilespmem:$0xF980] =	vst v63  }
0x15f: {  	_ = 	snop  }
0x160: {  	[tilespmem:s20], [sflag:$0x2] =	stream.linear.gather [hbm4b:s14+s3], $0x28B0, $0x38;
	[tilespmem:$0xF980] =	vst v63  }
0x161: {  	_ = 	snop  }
0x162: {  	[tilespmem:s21], [sflag:$0x2] =	stream.linear.gather [hbm4b:s15+s3], $0x28B0, $0x38;
	[tilespmem:$0xF980] =	vst v63  }
0x163: {  	_ =	swait.ge [sflag:s22], $0x28B0  }
0x164: {  	[sflag:s22] =	ssyncset.done $0x0  }
0x165: {  	[sflag:s22] =	ssyncadd.s32 $0xFFFFD750  }
0x166: {  	_ =	swait.ge [sflag:s22], $0x28B0  }
0x167: {  	[sflag:s22] =	ssyncset.done $0x0  }
0x168: {  	[sflag:s22] =	ssyncadd.s32 $0xFFFFD750  }
0x169: {  	_ =	swait.ge [sflag:s22], $0x28B0  }
0x16a: {  	[sflag:s22] =	ssyncset.done $0x0  }
0x16b: {  	s7 =	simm.s32 $0xA440;
	[sflag:s22] =	ssyncadd.s32 $0xFFFFD750  }
0x16c: {  	v11 =	vld [tilespmem:s7+$0xFFFFFFE0]  }
0x16d: {  	v6 =	vld [tilespmem:s7+$0xFFFFFFC0]  }
0x16e: {  	v7 =	vld [tilespmem:s7+$0x20]  }
0x16f: {  	v9 =	vld [tilespmem:s7+$0x10]  }
0x170: {  	v12 =	vld [tilespmem:s7+$0x0]  }
0x171: {  	v10 =	vld [tilespmem:s7+$0xFFFFFFF0]  }
0x172: {  	v8 =	vld [tilespmem:s7+$0x30];
	_ =	sdelay $0x1  }
0x173: {  	s8 =	simm.s32 $0x40;
	v6 =	vtrunc.f32 v6;
	v7 =	vtrunc.f32 v7  }
0x174: {  	s10 =	simm.s32 $0x5240;
	v13 =	vld [tilespmem:s8+$0x20];
	v9 =	vtrunc.f32 v9;
	v19 =	vtrunc.f32 v12  }
0x175: {  	v15 =	vld [tilespmem:s10+$0xFFFFFFC0];
	v10 =	vtrunc.f32 v10;
	v11 =	vtrunc.f32 v11  }
0x176: {  	v16 =	vld [tilespmem:s7+$0xFFFFFFD0];
	v14 =	vcvt.f32.s32 v6;
	v6 =	vtrunc.f32 v8  }
0x177: {  	v18 =	vld [tilespmem:s8+$0xFFFFFFC0];
	v9 =	vcvt.f32.s32 v9;
	v8 =	vcvt.f32.s32 v6  }
0x178: {  	v17 =	vld [tilespmem:s10+$0x30];
	v6 =	vcvt.f32.s32 v7;
	v7 =	vperm.xlane v5, v14  }
0x179: {  	v28 =	vld [tilespmem:s8+$0x30];
	v21 =	vperm.xlane v4, v14;
	v26 =	vperm.xlane v4, v9  }
0x17a: {  	v22 =	vld [tilespmem:s8+$0xFFFFFFF0];
	v12 =	vperm.xlane v4, v6;
	v20 =	vperm.xlane v5, v8  }
0x17b: {  	v23 =	vld [tilespmem:s8+$0xFFFFFFD0];
	v29 =	vperm.xlane v4, v8;
	v32 =	vperm.xlane v5, v6;
	v15 =	vsub.f32 v15, v7  }
0x17c: {  	v30 =	vld [tilespmem:s10+$0x20];
	v7 =	vcvt.f32.s32 v10;
	v10 =	vtrunc.f32 v16;
	v18 =	vsub.f32 v18, v21  }
0x17d: {  	v21 =	vld [tilespmem:s10+$0xFFFFFFD0];
	v16 =	vsub.f32 v13, v12;
	v13 =	vsub.f32 v17, v20;
	v10 =	vcvt.f32.s32 v10  }
0x17e: {  	v20 =	vld [tilespmem:s10+$0xFFFFFFF0];
	v29 =	vsub.f32 v28, v29;
	v28 =	vperm.xlane v5, v9;
	v17 =	vperm.xlane v4, v7  }
0x17f: {  	v12 =	vadd.s32 v2, v14;
	v24 =	vmul.f32 v15, v15;
	v15 =	vcvt.f32.s32 v19  }
0x180: {  	v14 =	vld [tilespmem:s10+$0x10];
	v25 =	vperm.xlane v4, v10;
	v27 =	vsub.f32 v22, v17;
	v22 =	vperm.xlane v5, v10  }
0x181: {  	v19 =	vperm.xlane v5, v7;
	v17 =	vmul.f32 v13, v13;
	v13 =	vld [tilespmem:s10+$0xFFFFFFE0]  }
0x182: {  	v31 =	vmul.f32 v18, v18;
	v23 =	vsub.f32 v23, v25;
	v25 =	vld [tilespmem:s8+$0x10];
	v21 =	vsub.f32 v21, v22  }
0x183: {  	v30 =	vsub.f32 v30, v32;
	v18 =	vcvt.f32.s32 v11;
	v19 =	vsub.f32 v20, v19;
	v22 =	vld [tilespmem:s8+$0x0]  }
0x184: {  	v31 =	vadd.f32 v24, v31;
	v20 =	vmul.f32 v23, v23;
	v24 =	vmul.f32 v21, v21;
	v21 =	vld [tilespmem:s8+$0xFFFFFFE0]  }
0x185: {  	s9 =	simm.s32 $0x0;
	v11 =	vadd.s32 v2, v15;
	v23 =	vmul.f32 v27, v27;
	v27 =	vld [tilespmem:s10+$0x0];
	s10 =	simm.s32 $0x52C0;
	v19 =	vmul.f32 v19, v19  }
.LBB2_10:
0x186: {  	s9 =	sadd.s32 $0x8, s9;
	[tilespmem:v12+s2+$0x0] =	vst.idx.add.f32.msk $0xffff, v31;
	v20 =	vadd.f32 v24, v20;
	v16 =	vmul.f32 v16, v16;
	s7 =	sadd.s32 $0x80, s7;
	s8 =	sadd.s32 $0x80, s8  }
0x187: {  	v31 =	vperm.xlane v4, v18;
	v24 =	vld [tilespmem:s7+$0xFFFFFFE0];
	p1 =	slt.u32 s9, $0x280;
	v25 =	vsub.f32 v25, v26;
	v26 =	vmul.f32 v29, v29  }
0x188: {  	v32 =	vperm.xlane v5, v15;
	v30 =	vmul.f32 v30, v30;
	v29 =	vld [tilespmem:s8+$0xFFFFFFC0]  }
0x189: {  	v34 =	vperm.xlane v5, v18;
	v18 =	vadd.s32 v2, v18;
	v33 =	vld [tilespmem:s8+$0x20];
	v21 =	vsub.f32 v21, v31  }
0x18a: {  	v15 =	vperm.xlane v4, v15;
	v19 =	vadd.f32 v19, v23;
	v31 =	vld [tilespmem:s7+$0xFFFFFFD0];
	v23 =	vsub.f32 v27, v32  }
0x18b: {  	v14 =	vsub.f32 v14, v28;
	v16 =	vadd.f32 v30, v16;
	v27 =	vld [tilespmem:s10+$0x30]  }
0x18c: {  	v15 =	vsub.f32 v22, v15;
	v17 =	vadd.f32 v17, v26;
	v28 =	vld [tilespmem:s7+$0xFFFFFFF0]  }
0x18d: {  	v13 =	vsub.f32 v13, v34;
	v25 =	vmul.f32 v25, v25;
	v14 =	vmul.f32 v14, v14;
	v22 =	vld [tilespmem:s7+$0xFFFFFFC0]  }
0x18e: {  	v8 =	vadd.s32 v2, v8;
	v15 =	vmul.f32 v15, v15;
	v26 =	vld [tilespmem:s7+$0x20]  }
0x18f: {  	v13 =	vmul.f32 v13, v13;
	v14 =	vadd.f32 v14, v25;
	v30 =	vld [tilespmem:s7+$0x10]  }
0x190: {  	v6 =	vadd.s32 v2, v6;
	v25 =	vld [tilespmem:s7+$0x0]  }
0x191: {  	v9 =	vadd.s32 v2, v9;
	v32 =	vld [tilespmem:s7+$0x30]  }
0x192: {  	v34 =	vld [tilespmem:s10+$0xFFFFFFC0]  }
0x193: {  	[tilespmem:v8+s2+$0x0] =	vst.idx.add.f32.msk $0xffff, v17  }
0x194: {  	[tilespmem:v12+s29+$0x0] =	vst.idx.add.f32.msk $0xffff, v3;
	v12 =	vmul.f32 v23, v23  }
0x195: {  	v7 =	vadd.s32 v2, v7;
	[tilespmem:v6+s2+$0x0] =	vst.idx.add.f32.msk $0xffff, v16  }
0x196: {  	v12 =	vadd.f32 v12, v15;
	[tilespmem:v9+s2+$0x0] =	vst.idx.add.f32.msk $0xffff, v14  }
0x197: {  	v10 =	vadd.s32 v2, v10;
	[tilespmem:v6+s29+$0x0] =	vst.idx.add.f32.msk $0xffff, v3  }
0x198: {  	[tilespmem:v11+s2+$0x0] =	vst.idx.add.f32.msk $0xffff, v12  }
0x199: {  	[tilespmem:v8+s29+$0x0] =	vst.idx.add.f32.msk $0xffff, v3  }
0x19a: {  	[tilespmem:v7+s2+$0x0] =	vst.idx.add.f32.msk $0xffff, v19  }
0x19b: {  	v6 =	vtrunc.f32 v22;
	v12 =	vmul.f32 v21, v21;
	[tilespmem:v7+s29+$0x0] =	vst.idx.add.f32.msk $0xffff, v3  }
0x19c: {  	v14 =	vcvt.f32.s32 v6;
	v6 =	vtrunc.f32 v32;
	[tilespmem:v10+s2+$0x0] =	vst.idx.add.f32.msk $0xffff, v20  }
0x19d: {  	v8 =	vcvt.f32.s32 v6;
	v12 =	vadd.f32 v13, v12;
	v7 =	vtrunc.f32 v26;
	[tilespmem:v9+s29+$0x0] =	vst.idx.add.f32.msk $0xffff, v3  }
0x19e: {  	v6 =	vcvt.f32.s32 v7;
	v9 =	vtrunc.f32 v30;
	[tilespmem:v11+s29+$0x0] =	vst.idx.add.f32.msk $0xffff, v3  }
0x19f: {  	v7 =	vperm.xlane v5, v14;
	v11 =	vtrunc.f32 v25;
	[tilespmem:v18+s2+$0x0] =	vst.idx.add.f32.msk $0xffff, v12  }
0x1a0: {  	v9 =	vcvt.f32.s32 v9;
	v12 =	vtrunc.f32 v28;
	[tilespmem:v18+s29+$0x0] =	vst.idx.add.f32.msk $0xffff, v3  }
0x1a1: {  	v15 =	vperm.xlane v5, v8;
	v13 =	vperm.xlane v4, v6;
	[tilespmem:v10+s29+$0x0] =	vst.idx.add.f32.msk $0xffff, v3  }
0x1a2: {  	v17 =	vsub.f32 v34, v7;
	v7 =	vcvt.f32.s32 v12;
	v10 =	vperm.xlane v4, v14;
	v18 =	vld [tilespmem:s8+$0xFFFFFFF0]  }
0x1a3: {  	v12 =	vtrunc.f32 v31;
	v16 =	vsub.f32 v33, v13;
	v13 =	vsub.f32 v27, v15;
	v19 =	vld [tilespmem:s8+$0xFFFFFFD0]  }
0x1a4: {  	v21 =	vmul.f32 v17, v17;
	v20 =	vsub.f32 v29, v10;
	v10 =	vcvt.f32.s32 v12;
	v22 =	vld [tilespmem:s10+$0xFFFFFFF0]  }
0x1a5: {  	v24 =	vtrunc.f32 v24;
	v17 =	vperm.xlane v4, v7;
	v23 =	vld [tilespmem:s10+$0xFFFFFFD0]  }
0x1a6: {  	v15 =	vcvt.f32.s32 v11;
	v12 =	vadd.s32 v2, v14;
	v25 =	vperm.xlane v4, v10;
	v14 =	vld [tilespmem:s10+$0x10]  }
0x1a7: {  	v11 =	vperm.xlane v5, v7;
	v29 =	vperm.xlane v4, v8;
	v27 =	vsub.f32 v18, v17;
	v28 =	vld [tilespmem:s8+$0x30]  }
0x1a8: {  	v18 =	vperm.xlane v5, v10;
	v17 =	vmul.f32 v13, v13;
	v19 =	vsub.f32 v19, v25;
	v30 =	vld [tilespmem:s10+$0x20]  }
.Ltmp6:
0x1a9: {  	v32 =	vperm.xlane v5, v6;
	v31 =	vmul.f32 v20, v20;
	v13 =	vld [tilespmem:s10+$0xFFFFFFE0];
	v11 =	vsub.f32 v22, v11;
	(pc) =	sbr.rel @p1 .LBB2_10-.Ltmp6, $4  }
0x1aa: {  	v26 =	vperm.xlane v4, v9;
	v23 =	vsub.f32 v23, v18;
	v20 =	vmul.f32 v19, v19;
	v25 =	vld [tilespmem:s8+$0x10]  }
0x1ab: {  	v18 =	vcvt.f32.s32 v24;
	v19 =	vmul.f32 v11, v11;
	v22 =	vld [tilespmem:s8+$0x0];
	v11 =	vadd.s32 v2, v15  }
0x1ac: {  	v31 =	vadd.f32 v21, v31;
	v24 =	vmul.f32 v23, v23;
	v21 =	vld [tilespmem:s8+$0xFFFFFFE0];
	v29 =	vsub.f32 v28, v29  }
0x1ad: {  	s11 =	simm.s32 $0x0;
	v23 =	vmul.f32 v27, v27;
	v28 =	vperm.xlane v5, v9;
	v27 =	vld [tilespmem:s10+$0x0];
	v30 =	vsub.f32 v30, v32;
	s10 =	sadd.s32 $0x80, s10  }
0x1ae: {  	_ =	sdelay $0x3  }
0x1af: {  	[tilespmem:v12+s2+$0x0] =	vst.idx.add.f32.msk $0xffff, v31  }
0x1b0: {  	v16 =	vmul.f32 v16, v16;
	v29 =	vmul.f32 v29, v29;
	v8 =	vadd.s32 v2, v8  }
0x1b1: {  	v55 =	vperm.xlane v5, v15;
	v56 =	vperm.xlane v4, v15;
	v6 =	vadd.s32 v2, v6  }
0x1b2: {  	v9 =	vadd.s32 v2, v9;
	v10 =	vadd.s32 v2, v10;
	v30 =	vmul.f32 v30, v30  }
0x1b3: {  	v7 =	vadd.s32 v2, v7;
	v59 =	vperm.xlane v4, v18;
	v17 =	vadd.f32 v17, v29  }
0x1b4: {  	v25 =	vsub.f32 v25, v26;
	[tilespmem:v12+s29+$0x0] =	vst.idx.add.f32.msk $0xffff, v3;
	v16 =	vadd.f32 v30, v16  }
0x1b5: {  	v62 =	vadd.f32 v24, v20;
	v14 =	vsub.f32 v14, v28;
	[tilespmem:v8+s2+$0x0] =	vst.idx.add.f32.msk $0xffff, v17  }
0x1b6: {  	v15 =	vsub.f32 v22, v56;
	v25 =	vmul.f32 v25, v25;
	[tilespmem:v6+s2+$0x0] =	vst.idx.add.f32.msk $0xffff, v16  }
0x1b7: {  	v14 =	vmul.f32 v14, v14;
	v57 =	vsub.f32 v27, v55;
	[tilespmem:v10+s2+$0x0] =	vst.idx.add.f32.msk $0xffff, v62  }
0x1b8: {  	v60 =	vperm.xlane v5, v18;
	v15 =	vmul.f32 v15, v15;
	[tilespmem:v6+s29+$0x0] =	vst.idx.add.f32.msk $0xffff, v3  }
0x1b9: {  	v14 =	vadd.f32 v14, v25;
	v58 =	vmul.f32 v57, v57;
	[tilespmem:v8+s29+$0x0] =	vst.idx.add.f32.msk $0xffff, v3  }
0x1ba: {  	v13 =	vsub.f32 v13, v60;
	v6 =	vadd.f32 v19, v23;
	[tilespmem:v10+s29+$0x0] =	vst.idx.add.f32.msk $0xffff, v3  }
0x1bb: {  	v61 =	vsub.f32 v21, v59;
	[tilespmem:v9+s2+$0x0] =	vst.idx.add.f32.msk $0xffff, v14;
	v12 =	vadd.f32 v58, v15  }
0x1bc: {  	v63 =	vadd.s32 v2, v18;
	[tilespmem:v7+s2+$0x0] =	vst.idx.add.f32.msk $0xffff, v6  }
0x1bd: {  	v6 =	vmul.f32 v13, v13;
	[tilespmem:v11+s2+$0x0] =	vst.idx.add.f32.msk $0xffff, v12;
	v12 =	vmul.f32 v61, v61  }
0x1be: {  	[tilespmem:v9+s29+$0x0] =	vst.idx.add.f32.msk $0xffff, v3  }
0x1bf: {  	[tilespmem:v7+s29+$0x0] =	vst.idx.add.f32.msk $0xffff, v3;
	v6 =	vadd.f32 v6, v12  }
0x1c0: {  	[tilespmem:v11+s29+$0x0] =	vst.idx.add.f32.msk $0xffff, v3  }
0x1c1: {  	[tilespmem:v63+s2+$0x0] =	vst.idx.add.f32.msk $0xffff, v6  }
0x1c2: {  	[tilespmem:v63+s29+$0x0] =	vst.idx.add.f32.msk $0xffff, v3  }
.LBB2_12:
0x1c3: {  	s7 =	sshra.s32 s11, $0x2  }
0x1c4: {  	v6 =	vld [tilespmem:s7+$0xCC80];
	_ =	sdelay $0x3  }
0x1c5: {  	v7 =	vld [tilespmem:s7+$0x2880]  }
0x1c6: {  	v8 =	vld [tilespmem:s7+$0x7A80];
	v6 =	vtrunc.f32 v6  }
0x1c7: {  	v6 =	vcvt.f32.s32 v6;
	_ =	sdelay $0x1  }
0x1c8: {  	v9 =	vperm.xlane v4, v6;
	v10 =	vperm.xlane v5, v6;
	_ =	sdelay $0x1  }
0x1c9: {  	v7 =	vsub.f32 v7, v9;
	v8 =	vsub.f32 v8, v10  }
0x1ca: {  	v6 =	vadd.s32 v2, v6  }
0x1cb: {  	p1 =	sne.s32 s11, $0x80;
	v7 =	vmul.f32 v7, v7;
	v8 =	vmul.f32 v8, v8  }
.Ltmp7:
0x1cc: {  	_ = 	snop;
	(pc) =	sbr.rel @p1 .LBB2_12-.Ltmp7, $3  }
0x1cd: {  	v7 =	vadd.f32 v8, v7;
	_ =	sdelay $0x1  }
0x1ce: {  	[tilespmem:v6+s2+$0x0] =	vst.idx.add.f32.msk $0xffff, v7  }
0x1cf: {  	s11 =	sadd.s32 $0x40, s11;
	[tilespmem:v6+s29+$0x0] =	vst.idx.add.f32.msk $0xffff, v3  }
0x1d0: {  	[tilespmem:s31], [sflag:$0x1] =	stream.linear.gather [hbm4b:s16+s3], $0x28B0, $0x38;
	[tilespmem:$0xF980] =	vst v63  }
0x1d1: {  	_ = 	snop  }
0x1d2: {  	[tilespmem:s3], [sflag:$0x1] =	stream.linear.gather [hbm4b:s17+s3], $0x28B0, $0x38;
	[tilespmem:$0xF980] =	vst v63  }
0x1d3: {  	_ = 	snop  }
0x1d4: {  	[tilespmem:s1], [sflag:$0x1] =	stream.linear.gather [hbm4b:s26+s3], $0x28B0, $0x38;
	[tilespmem:$0xF980] =	vst v63  }
0x1d5: {  	_ =	swait.ge [sflag:s5], $0x28B0  }
0x1d6: {  	[sflag:s5] =	ssyncset.done $0x0  }
0x1d7: {  	[sflag:s5] =	ssyncadd.s32 $0xFFFFD750  }
0x1d8: {  	_ =	swait.ge [sflag:s5], $0x28B0  }
0x1d9: {  	[sflag:s5] =	ssyncset.done $0x0  }
0x1da: {  	[sflag:s5] =	ssyncadd.s32 $0xFFFFD750  }
0x1db: {  	_ =	swait.ge [sflag:s5], $0x28B0  }
0x1dc: {  	[sflag:s5] =	ssyncset.done $0x0  }
0x1dd: {  	s7 =	simm.s32 $0xCD40;
	[sflag:s5] =	ssyncadd.s32 $0xFFFFD750  }
0x1de: {  	v11 =	vld [tilespmem:s7+$0xFFFFFFE0]  }
0x1df: {  	v6 =	vld [tilespmem:s7+$0xFFFFFFC0]  }
0x1e0: {  	v7 =	vld [tilespmem:s7+$0x20]  }
0x1e1: {  	v9 =	vld [tilespmem:s7+$0x10]  }
0x1e2: {  	v12 =	vld [tilespmem:s7+$0x0]  }
0x1e3: {  	v10 =	vld [tilespmem:s7+$0xFFFFFFF0]  }
0x1e4: {  	v8 =	vld [tilespmem:s7+$0x30];
	_ =	sdelay $0x1  }
0x1e5: {  	s8 =	simm.s32 $0x2940;
	v6 =	vtrunc.f32 v6;
	v7 =	vtrunc.f32 v7  }
0x1e6: {  	s10 =	simm.s32 $0x7B40;
	v13 =	vld [tilespmem:s8+$0x20];
	v9 =	vtrunc.f32 v9;
	v19 =	vtrunc.f32 v12  }
0x1e7: {  	v15 =	vld [tilespmem:s10+$0xFFFFFFC0];
	v10 =	vtrunc.f32 v10;
	v11 =	vtrunc.f32 v11  }
0x1e8: {  	v16 =	vld [tilespmem:s7+$0xFFFFFFD0];
	v14 =	vcvt.f32.s32 v6;
	v6 =	vtrunc.f32 v8  }
0x1e9: {  	v18 =	vld [tilespmem:s8+$0xFFFFFFC0];
	v9 =	vcvt.f32.s32 v9;
	v8 =	vcvt.f32.s32 v6  }
0x1ea: {  	v17 =	vld [tilespmem:s10+$0x30];
	v6 =	vcvt.f32.s32 v7;
	v7 =	vperm.xlane v5, v14  }
0x1eb: {  	v28 =	vld [tilespmem:s8+$0x30];
	v21 =	vperm.xlane v4, v14;
	v26 =	vperm.xlane v4, v9  }
0x1ec: {  	v22 =	vld [tilespmem:s8+$0xFFFFFFF0];
	v12 =	vperm.xlane v4, v6;
	v20 =	vperm.xlane v5, v8  }
0x1ed: {  	v23 =	vld [tilespmem:s8+$0xFFFFFFD0];
	v29 =	vperm.xlane v4, v8;
	v32 =	vperm.xlane v5, v6;
	v15 =	vsub.f32 v15, v7  }
0x1ee: {  	v30 =	vld [tilespmem:s10+$0x20];
	v7 =	vcvt.f32.s32 v10;
	v10 =	vtrunc.f32 v16;
	v18 =	vsub.f32 v18, v21  }
0x1ef: {  	v21 =	vld [tilespmem:s10+$0xFFFFFFD0];
	v16 =	vsub.f32 v13, v12;
	v13 =	vsub.f32 v17, v20;
	v10 =	vcvt.f32.s32 v10  }
0x1f0: {  	v20 =	vld [tilespmem:s10+$0xFFFFFFF0];
	v29 =	vsub.f32 v28, v29;
	v28 =	vperm.xlane v5, v9;
	v17 =	vperm.xlane v4, v7  }
0x1f1: {  	v12 =	vadd.s32 v2, v14;
	v24 =	vmul.f32 v15, v15;
	v15 =	vcvt.f32.s32 v19  }
0x1f2: {  	v14 =	vld [tilespmem:s10+$0x10];
	v25 =	vperm.xlane v4, v10;
	v27 =	vsub.f32 v22, v17;
	v22 =	vperm.xlane v5, v10  }
0x1f3: {  	v19 =	vperm.xlane v5, v7;
	v17 =	vmul.f32 v13, v13;
	v13 =	vld [tilespmem:s10+$0xFFFFFFE0]  }
0x1f4: {  	v31 =	vmul.f32 v18, v18;
	v23 =	vsub.f32 v23, v25;
	v25 =	vld [tilespmem:s8+$0x10];
	v21 =	vsub.f32 v21, v22  }
0x1f5: {  	v30 =	vsub.f32 v30, v32;
	v18 =	vcvt.f32.s32 v11;
	v19 =	vsub.f32 v20, v19;
	v22 =	vld [tilespmem:s8+$0x0]  }
0x1f6: {  	v31 =	vadd.f32 v24, v31;
	v20 =	vmul.f32 v23, v23;
	v24 =	vmul.f32 v21, v21;
	v21 =	vld [tilespmem:s8+$0xFFFFFFE0]  }
0x1f7: {  	s9 =	simm.s32 $0x0;
	v11 =	vadd.s32 v2, v15;
	v23 =	vmul.f32 v27, v27;
	v27 =	vld [tilespmem:s10+$0x0];
	s10 =	simm.s32 $0x7BC0;
	v19 =	vmul.f32 v19, v19  }
.LBB2_14:
0x1f8: {  	s9 =	sadd.s32 $0x8, s9;
	[tilespmem:v12+s2+$0x0] =	vst.idx.add.f32.msk $0xffff, v31;
	v20 =	vadd.f32 v24, v20;
	v16 =	vmul.f32 v16, v16;
	s7 =	sadd.s32 $0x80, s7;
	s8 =	sadd.s32 $0x80, s8  }
0x1f9: {  	v31 =	vperm.xlane v4, v18;
	v24 =	vld [tilespmem:s7+$0xFFFFFFE0];
	p1 =	slt.u32 s9, $0x280;
	v25 =	vsub.f32 v25, v26;
	v26 =	vmul.f32 v29, v29  }
0x1fa: {  	v32 =	vperm.xlane v5, v15;
	v30 =	vmul.f32 v30, v30;
	v29 =	vld [tilespmem:s8+$0xFFFFFFC0]  }
0x1fb: {  	v34 =	vperm.xlane v5, v18;
	v18 =	vadd.s32 v2, v18;
	v33 =	vld [tilespmem:s8+$0x20];
	v21 =	vsub.f32 v21, v31  }
0x1fc: {  	v15 =	vperm.xlane v4, v15;
	v19 =	vadd.f32 v19, v23;
	v31 =	vld [tilespmem:s7+$0xFFFFFFD0];
	v23 =	vsub.f32 v27, v32  }
0x1fd: {  	v14 =	vsub.f32 v14, v28;
	v16 =	vadd.f32 v30, v16;
	v27 =	vld [tilespmem:s10+$0x30]  }
0x1fe: {  	v15 =	vsub.f32 v22, v15;
	v17 =	vadd.f32 v17, v26;
	v28 =	vld [tilespmem:s7+$0xFFFFFFF0]  }
0x1ff: {  	v13 =	vsub.f32 v13, v34;
	v25 =	vmul.f32 v25, v25;
	v14 =	vmul.f32 v14, v14;
	v22 =	vld [tilespmem:s7+$0xFFFFFFC0]  }
0x200: {  	v8 =	vadd.s32 v2, v8;
	v15 =	vmul.f32 v15, v15;
	v26 =	vld [tilespmem:s7+$0x20]  }
0x201: {  	v13 =	vmul.f32 v13, v13;
	v14 =	vadd.f32 v14, v25;
	v30 =	vld [tilespmem:s7+$0x10]  }
0x202: {  	v6 =	vadd.s32 v2, v6;
	v25 =	vld [tilespmem:s7+$0x0]  }
0x203: {  	v9 =	vadd.s32 v2, v9;
	v32 =	vld [tilespmem:s7+$0x30]  }
0x204: {  	v34 =	vld [tilespmem:s10+$0xFFFFFFC0]  }
0x205: {  	[tilespmem:v8+s2+$0x0] =	vst.idx.add.f32.msk $0xffff, v17  }
0x206: {  	[tilespmem:v12+s29+$0x0] =	vst.idx.add.f32.msk $0xffff, v3;
	v12 =	vmul.f32 v23, v23  }
0x207: {  	v7 =	vadd.s32 v2, v7;
	[tilespmem:v6+s2+$0x0] =	vst.idx.add.f32.msk $0xffff, v16  }
0x208: {  	v12 =	vadd.f32 v12, v15;
	[tilespmem:v9+s2+$0x0] =	vst.idx.add.f32.msk $0xffff, v14  }
0x209: {  	v10 =	vadd.s32 v2, v10;
	[tilespmem:v6+s29+$0x0] =	vst.idx.add.f32.msk $0xffff, v3  }
0x20a: {  	[tilespmem:v11+s2+$0x0] =	vst.idx.add.f32.msk $0xffff, v12  }
0x20b: {  	[tilespmem:v8+s29+$0x0] =	vst.idx.add.f32.msk $0xffff, v3  }
0x20c: {  	[tilespmem:v7+s2+$0x0] =	vst.idx.add.f32.msk $0xffff, v19  }
0x20d: {  	v6 =	vtrunc.f32 v22;
	v12 =	vmul.f32 v21, v21;
	[tilespmem:v7+s29+$0x0] =	vst.idx.add.f32.msk $0xffff, v3  }
0x20e: {  	v14 =	vcvt.f32.s32 v6;
	v6 =	vtrunc.f32 v32;
	[tilespmem:v10+s2+$0x0] =	vst.idx.add.f32.msk $0xffff, v20  }
0x20f: {  	v8 =	vcvt.f32.s32 v6;
	v12 =	vadd.f32 v13, v12;
	v7 =	vtrunc.f32 v26;
	[tilespmem:v9+s29+$0x0] =	vst.idx.add.f32.msk $0xffff, v3  }
0x210: {  	v6 =	vcvt.f32.s32 v7;
	v9 =	vtrunc.f32 v30;
	[tilespmem:v11+s29+$0x0] =	vst.idx.add.f32.msk $0xffff, v3  }
0x211: {  	v7 =	vperm.xlane v5, v14;
	v11 =	vtrunc.f32 v25;
	[tilespmem:v18+s2+$0x0] =	vst.idx.add.f32.msk $0xffff, v12  }
0x212: {  	v9 =	vcvt.f32.s32 v9;
	v12 =	vtrunc.f32 v28;
	[tilespmem:v18+s29+$0x0] =	vst.idx.add.f32.msk $0xffff, v3  }
0x213: {  	v15 =	vperm.xlane v5, v8;
	v13 =	vperm.xlane v4, v6;
	[tilespmem:v10+s29+$0x0] =	vst.idx.add.f32.msk $0xffff, v3  }
0x214: {  	v17 =	vsub.f32 v34, v7;
	v7 =	vcvt.f32.s32 v12;
	v10 =	vperm.xlane v4, v14;
	v18 =	vld [tilespmem:s8+$0xFFFFFFF0]  }
0x215: {  	v12 =	vtrunc.f32 v31;
	v16 =	vsub.f32 v33, v13;
	v13 =	vsub.f32 v27, v15;
	v19 =	vld [tilespmem:s8+$0xFFFFFFD0]  }
0x216: {  	v21 =	vmul.f32 v17, v17;
	v20 =	vsub.f32 v29, v10;
	v10 =	vcvt.f32.s32 v12;
	v22 =	vld [tilespmem:s10+$0xFFFFFFF0]  }
0x217: {  	v24 =	vtrunc.f32 v24;
	v17 =	vperm.xlane v4, v7;
	v23 =	vld [tilespmem:s10+$0xFFFFFFD0]  }
0x218: {  	v15 =	vcvt.f32.s32 v11;
	v12 =	vadd.s32 v2, v14;
	v25 =	vperm.xlane v4, v10;
	v14 =	vld [tilespmem:s10+$0x10]  }
0x219: {  	v11 =	vperm.xlane v5, v7;
	v29 =	vperm.xlane v4, v8;
	v27 =	vsub.f32 v18, v17;
	v28 =	vld [tilespmem:s8+$0x30]  }
0x21a: {  	v18 =	vperm.xlane v5, v10;
	v17 =	vmul.f32 v13, v13;
	v19 =	vsub.f32 v19, v25;
	v30 =	vld [tilespmem:s10+$0x20]  }
.Ltmp8:
0x21b: {  	v32 =	vperm.xlane v5, v6;
	v31 =	vmul.f32 v20, v20;
	v13 =	vld [tilespmem:s10+$0xFFFFFFE0];
	v11 =	vsub.f32 v22, v11;
	(pc) =	sbr.rel @p1 .LBB2_14-.Ltmp8, $4  }
0x21c: {  	v26 =	vperm.xlane v4, v9;
	v23 =	vsub.f32 v23, v18;
	v20 =	vmul.f32 v19, v19;
	v25 =	vld [tilespmem:s8+$0x10]  }
0x21d: {  	v18 =	vcvt.f32.s32 v24;
	v19 =	vmul.f32 v11, v11;
	v22 =	vld [tilespmem:s8+$0x0];
	v11 =	vadd.s32 v2, v15  }
0x21e: {  	v31 =	vadd.f32 v21, v31;
	v24 =	vmul.f32 v23, v23;
	v21 =	vld [tilespmem:s8+$0xFFFFFFE0];
	v29 =	vsub.f32 v28, v29  }
0x21f: {  	s11 =	simm.s32 $0x0;
	v23 =	vmul.f32 v27, v27;
	v28 =	vperm.xlane v5, v9;
	v27 =	vld [tilespmem:s10+$0x0];
	v30 =	vsub.f32 v30, v32;
	s10 =	sadd.s32 $0x80, s10  }
0x220: {  	_ =	sdelay $0x3  }
0x221: {  	[tilespmem:v12+s2+$0x0] =	vst.idx.add.f32.msk $0xffff, v31  }
0x222: {  	v16 =	vmul.f32 v16, v16;
	v29 =	vmul.f32 v29, v29;
	v8 =	vadd.s32 v2, v8  }
0x223: {  	v55 =	vperm.xlane v5, v15;
	v56 =	vperm.xlane v4, v15;
	v6 =	vadd.s32 v2, v6  }
0x224: {  	v9 =	vadd.s32 v2, v9;
	v10 =	vadd.s32 v2, v10;
	v30 =	vmul.f32 v30, v30  }
0x225: {  	v7 =	vadd.s32 v2, v7;
	v59 =	vperm.xlane v4, v18;
	v17 =	vadd.f32 v17, v29  }
0x226: {  	v25 =	vsub.f32 v25, v26;
	[tilespmem:v12+s29+$0x0] =	vst.idx.add.f32.msk $0xffff, v3;
	v16 =	vadd.f32 v30, v16  }
0x227: {  	v62 =	vadd.f32 v24, v20;
	v14 =	vsub.f32 v14, v28;
	[tilespmem:v8+s2+$0x0] =	vst.idx.add.f32.msk $0xffff, v17  }
0x228: {  	v15 =	vsub.f32 v22, v56;
	v25 =	vmul.f32 v25, v25;
	[tilespmem:v6+s2+$0x0] =	vst.idx.add.f32.msk $0xffff, v16  }
0x229: {  	v14 =	vmul.f32 v14, v14;
	v57 =	vsub.f32 v27, v55;
	[tilespmem:v10+s2+$0x0] =	vst.idx.add.f32.msk $0xffff, v62  }
0x22a: {  	v60 =	vperm.xlane v5, v18;
	v15 =	vmul.f32 v15, v15;
	[tilespmem:v6+s29+$0x0] =	vst.idx.add.f32.msk $0xffff, v3  }
0x22b: {  	v14 =	vadd.f32 v14, v25;
	v58 =	vmul.f32 v57, v57;
	[tilespmem:v8+s29+$0x0] =	vst.idx.add.f32.msk $0xffff, v3  }
0x22c: {  	v13 =	vsub.f32 v13, v60;
	v6 =	vadd.f32 v19, v23;
	[tilespmem:v10+s29+$0x0] =	vst.idx.add.f32.msk $0xffff, v3  }
0x22d: {  	v61 =	vsub.f32 v21, v59;
	[tilespmem:v9+s2+$0x0] =	vst.idx.add.f32.msk $0xffff, v14;
	v12 =	vadd.f32 v58, v15  }
0x22e: {  	v63 =	vadd.s32 v2, v18;
	[tilespmem:v7+s2+$0x0] =	vst.idx.add.f32.msk $0xffff, v6  }
0x22f: {  	v6 =	vmul.f32 v13, v13;
	[tilespmem:v11+s2+$0x0] =	vst.idx.add.f32.msk $0xffff, v12;
	v12 =	vmul.f32 v61, v61  }
0x230: {  	[tilespmem:v9+s29+$0x0] =	vst.idx.add.f32.msk $0xffff, v3  }
0x231: {  	[tilespmem:v7+s29+$0x0] =	vst.idx.add.f32.msk $0xffff, v3;
	v6 =	vadd.f32 v6, v12  }
0x232: {  	[tilespmem:v11+s29+$0x0] =	vst.idx.add.f32.msk $0xffff, v3  }
0x233: {  	[tilespmem:v63+s2+$0x0] =	vst.idx.add.f32.msk $0xffff, v6  }
0x234: {  	[tilespmem:v63+s29+$0x0] =	vst.idx.add.f32.msk $0xffff, v3  }
.LBB2_16:
0x235: {  	s7 =	sshra.s32 s11, $0x2  }
0x236: {  	v6 =	vld [tilespmem:s7+$0xF580];
	_ =	sdelay $0x3  }
0x237: {  	v7 =	vld [tilespmem:s7+$0x5180]  }
0x238: {  	v8 =	vld [tilespmem:s7+$0xA380];
	v6 =	vtrunc.f32 v6  }
0x239: {  	v6 =	vcvt.f32.s32 v6;
	_ =	sdelay $0x1  }
0x23a: {  	v9 =	vperm.xlane v4, v6;
	v10 =	vperm.xlane v5, v6;
	_ =	sdelay $0x1  }
0x23b: {  	v7 =	vsub.f32 v7, v9;
	v8 =	vsub.f32 v8, v10  }
0x23c: {  	v6 =	vadd.s32 v2, v6  }
0x23d: {  	p1 =	sne.s32 s11, $0x80;
	v7 =	vmul.f32 v7, v7;
	v8 =	vmul.f32 v8, v8  }
.Ltmp9:
0x23e: {  	_ = 	snop;
	(pc) =	sbr.rel @p1 .LBB2_16-.Ltmp9, $3  }
0x23f: {  	v7 =	vadd.f32 v8, v7;
	_ =	sdelay $0x1  }
0x240: {  	[tilespmem:v6+s2+$0x0] =	vst.idx.add.f32.msk $0xffff, v7  }
0x241: {  	s11 =	sadd.s32 $0x40, s11;
	[tilespmem:v6+s29+$0x0] =	vst.idx.add.f32.msk $0xffff, v3  }
0x242: {  	[tilespmem:s0], [sflag:$0x2] =	stream.linear.gather [hbm4b:s18+s3], $0x28B0, $0x38;
	[tilespmem:$0xF980] =	vst v63  }
0x243: {  	_ = 	snop  }
0x244: {  	[tilespmem:s20], [sflag:$0x2] =	stream.linear.gather [hbm4b:s19+s3], $0x28B0, $0x38;
	[tilespmem:$0xF980] =	vst v63  }
0x245: {  	_ = 	snop  }
0x246: {  	[tilespmem:s21], [sflag:$0x2] =	stream.linear.gather [hbm4b:s28+s3], $0x28B0, $0x38;
	[tilespmem:$0xF980] =	vst v63  }
0x247: {  	_ =	swait.ge [sflag:s22], $0x28B0  }
0x248: {  	[sflag:s22] =	ssyncset.done $0x0  }
0x249: {  	[sflag:s22] =	ssyncadd.s32 $0xFFFFD750  }
0x24a: {  	_ =	swait.ge [sflag:s22], $0x28B0  }
0x24b: {  	[sflag:s22] =	ssyncset.done $0x0  }
0x24c: {  	[sflag:s22] =	ssyncadd.s32 $0xFFFFD750  }
0x24d: {  	_ =	swait.ge [sflag:s22], $0x28B0  }
0x24e: {  	[sflag:s22] =	ssyncset.done $0x0  }
0x24f: {  	s7 =	simm.s32 $0xA440;
	[sflag:s22] =	ssyncadd.s32 $0xFFFFD750  }
0x250: {  	v11 =	vld [tilespmem:s7+$0xFFFFFFE0]  }
0x251: {  	v6 =	vld [tilespmem:s7+$0xFFFFFFC0]  }
0x252: {  	v7 =	vld [tilespmem:s7+$0x20]  }
0x253: {  	v9 =	vld [tilespmem:s7+$0x10]  }
0x254: {  	v12 =	vld [tilespmem:s7+$0x0]  }
0x255: {  	v10 =	vld [tilespmem:s7+$0xFFFFFFF0]  }
0x256: {  	v8 =	vld [tilespmem:s7+$0x30];
	_ =	sdelay $0x1  }
0x257: {  	s8 =	simm.s32 $0x40;
	v6 =	vtrunc.f32 v6;
	v7 =	vtrunc.f32 v7  }
0x258: {  	s10 =	simm.s32 $0x5240;
	v13 =	vld [tilespmem:s8+$0x20];
	v9 =	vtrunc.f32 v9;
	v19 =	vtrunc.f32 v12  }
0x259: {  	v15 =	vld [tilespmem:s10+$0xFFFFFFC0];
	v10 =	vtrunc.f32 v10;
	v11 =	vtrunc.f32 v11  }
0x25a: {  	v16 =	vld [tilespmem:s7+$0xFFFFFFD0];
	v14 =	vcvt.f32.s32 v6;
	v6 =	vtrunc.f32 v8  }
0x25b: {  	v18 =	vld [tilespmem:s8+$0xFFFFFFC0];
	v9 =	vcvt.f32.s32 v9;
	v8 =	vcvt.f32.s32 v6  }
0x25c: {  	v17 =	vld [tilespmem:s10+$0x30];
	v6 =	vcvt.f32.s32 v7;
	v7 =	vperm.xlane v5, v14  }
0x25d: {  	v28 =	vld [tilespmem:s8+$0x30];
	v21 =	vperm.xlane v4, v14;
	v26 =	vperm.xlane v4, v9  }
0x25e: {  	v22 =	vld [tilespmem:s8+$0xFFFFFFF0];
	v12 =	vperm.xlane v4, v6;
	v20 =	vperm.xlane v5, v8  }
0x25f: {  	v23 =	vld [tilespmem:s8+$0xFFFFFFD0];
	v29 =	vperm.xlane v4, v8;
	v32 =	vperm.xlane v5, v6;
	v15 =	vsub.f32 v15, v7  }
0x260: {  	v30 =	vld [tilespmem:s10+$0x20];
	v7 =	vcvt.f32.s32 v10;
	v10 =	vtrunc.f32 v16;
	v18 =	vsub.f32 v18, v21  }
0x261: {  	v21 =	vld [tilespmem:s10+$0xFFFFFFD0];
	v16 =	vsub.f32 v13, v12;
	v13 =	vsub.f32 v17, v20;
	v10 =	vcvt.f32.s32 v10  }
0x262: {  	v20 =	vld [tilespmem:s10+$0xFFFFFFF0];
	v29 =	vsub.f32 v28, v29;
	v28 =	vperm.xlane v5, v9;
	v17 =	vperm.xlane v4, v7  }
0x263: {  	v12 =	vadd.s32 v2, v14;
	v24 =	vmul.f32 v15, v15;
	v15 =	vcvt.f32.s32 v19  }
0x264: {  	v14 =	vld [tilespmem:s10+$0x10];
	v25 =	vperm.xlane v4, v10;
	v27 =	vsub.f32 v22, v17;
	v22 =	vperm.xlane v5, v10  }
0x265: {  	v19 =	vperm.xlane v5, v7;
	v17 =	vmul.f32 v13, v13;
	v13 =	vld [tilespmem:s10+$0xFFFFFFE0]  }
0x266: {  	v31 =	vmul.f32 v18, v18;
	v23 =	vsub.f32 v23, v25;
	v25 =	vld [tilespmem:s8+$0x10];
	v21 =	vsub.f32 v21, v22  }
0x267: {  	v30 =	vsub.f32 v30, v32;
	v18 =	vcvt.f32.s32 v11;
	v19 =	vsub.f32 v20, v19;
	v22 =	vld [tilespmem:s8+$0x0]  }
0x268: {  	v31 =	vadd.f32 v24, v31;
	v20 =	vmul.f32 v23, v23;
	v24 =	vmul.f32 v21, v21;
	v21 =	vld [tilespmem:s8+$0xFFFFFFE0]  }
0x269: {  	s9 =	simm.s32 $0x0;
	v11 =	vadd.s32 v2, v15;
	v23 =	vmul.f32 v27, v27;
	v27 =	vld [tilespmem:s10+$0x0];
	s10 =	simm.s32 $0x52C0;
	v19 =	vmul.f32 v19, v19  }
.LBB2_18:
0x26a: {  	s9 =	sadd.s32 $0x8, s9;
	[tilespmem:v12+s2+$0x0] =	vst.idx.add.f32.msk $0xffff, v31;
	v20 =	vadd.f32 v24, v20;
	v16 =	vmul.f32 v16, v16;
	s7 =	sadd.s32 $0x80, s7;
	s8 =	sadd.s32 $0x80, s8  }
0x26b: {  	v31 =	vperm.xlane v4, v18;
	v24 =	vld [tilespmem:s7+$0xFFFFFFE0];
	p1 =	slt.u32 s9, $0x280;
	v25 =	vsub.f32 v25, v26;
	v26 =	vmul.f32 v29, v29  }
0x26c: {  	v32 =	vperm.xlane v5, v15;
	v30 =	vmul.f32 v30, v30;
	v29 =	vld [tilespmem:s8+$0xFFFFFFC0]  }
0x26d: {  	v34 =	vperm.xlane v5, v18;
	v18 =	vadd.s32 v2, v18;
	v33 =	vld [tilespmem:s8+$0x20];
	v21 =	vsub.f32 v21, v31  }
0x26e: {  	v15 =	vperm.xlane v4, v15;
	v19 =	vadd.f32 v19, v23;
	v31 =	vld [tilespmem:s7+$0xFFFFFFD0];
	v23 =	vsub.f32 v27, v32  }
0x26f: {  	v14 =	vsub.f32 v14, v28;
	v16 =	vadd.f32 v30, v16;
	v27 =	vld [tilespmem:s10+$0x30]  }
0x270: {  	v15 =	vsub.f32 v22, v15;
	v17 =	vadd.f32 v17, v26;
	v28 =	vld [tilespmem:s7+$0xFFFFFFF0]  }
0x271: {  	v13 =	vsub.f32 v13, v34;
	v25 =	vmul.f32 v25, v25;
	v14 =	vmul.f32 v14, v14;
	v22 =	vld [tilespmem:s7+$0xFFFFFFC0]  }
0x272: {  	v8 =	vadd.s32 v2, v8;
	v15 =	vmul.f32 v15, v15;
	v26 =	vld [tilespmem:s7+$0x20]  }
0x273: {  	v13 =	vmul.f32 v13, v13;
	v14 =	vadd.f32 v14, v25;
	v30 =	vld [tilespmem:s7+$0x10]  }
0x274: {  	v6 =	vadd.s32 v2, v6;
	v25 =	vld [tilespmem:s7+$0x0]  }
0x275: {  	v9 =	vadd.s32 v2, v9;
	v32 =	vld [tilespmem:s7+$0x30]  }
0x276: {  	v34 =	vld [tilespmem:s10+$0xFFFFFFC0]  }
0x277: {  	[tilespmem:v8+s2+$0x0] =	vst.idx.add.f32.msk $0xffff, v17  }
0x278: {  	[tilespmem:v12+s29+$0x0] =	vst.idx.add.f32.msk $0xffff, v3;
	v12 =	vmul.f32 v23, v23  }
0x279: {  	v7 =	vadd.s32 v2, v7;
	[tilespmem:v6+s2+$0x0] =	vst.idx.add.f32.msk $0xffff, v16  }
0x27a: {  	v12 =	vadd.f32 v12, v15;
	[tilespmem:v9+s2+$0x0] =	vst.idx.add.f32.msk $0xffff, v14  }
0x27b: {  	v10 =	vadd.s32 v2, v10;
	[tilespmem:v6+s29+$0x0] =	vst.idx.add.f32.msk $0xffff, v3  }
0x27c: {  	[tilespmem:v11+s2+$0x0] =	vst.idx.add.f32.msk $0xffff, v12  }
0x27d: {  	[tilespmem:v8+s29+$0x0] =	vst.idx.add.f32.msk $0xffff, v3  }
0x27e: {  	[tilespmem:v7+s2+$0x0] =	vst.idx.add.f32.msk $0xffff, v19  }
0x27f: {  	v6 =	vtrunc.f32 v22;
	v12 =	vmul.f32 v21, v21;
	[tilespmem:v7+s29+$0x0] =	vst.idx.add.f32.msk $0xffff, v3  }
0x280: {  	v14 =	vcvt.f32.s32 v6;
	v6 =	vtrunc.f32 v32;
	[tilespmem:v10+s2+$0x0] =	vst.idx.add.f32.msk $0xffff, v20  }
0x281: {  	v8 =	vcvt.f32.s32 v6;
	v12 =	vadd.f32 v13, v12;
	v7 =	vtrunc.f32 v26;
	[tilespmem:v9+s29+$0x0] =	vst.idx.add.f32.msk $0xffff, v3  }
0x282: {  	v6 =	vcvt.f32.s32 v7;
	v9 =	vtrunc.f32 v30;
	[tilespmem:v11+s29+$0x0] =	vst.idx.add.f32.msk $0xffff, v3  }
0x283: {  	v7 =	vperm.xlane v5, v14;
	v11 =	vtrunc.f32 v25;
	[tilespmem:v18+s2+$0x0] =	vst.idx.add.f32.msk $0xffff, v12  }
0x284: {  	v9 =	vcvt.f32.s32 v9;
	v12 =	vtrunc.f32 v28;
	[tilespmem:v18+s29+$0x0] =	vst.idx.add.f32.msk $0xffff, v3  }
0x285: {  	v15 =	vperm.xlane v5, v8;
	v13 =	vperm.xlane v4, v6;
	[tilespmem:v10+s29+$0x0] =	vst.idx.add.f32.msk $0xffff, v3  }
0x286: {  	v17 =	vsub.f32 v34, v7;
	v7 =	vcvt.f32.s32 v12;
	v10 =	vperm.xlane v4, v14;
	v18 =	vld [tilespmem:s8+$0xFFFFFFF0]  }
0x287: {  	v12 =	vtrunc.f32 v31;
	v16 =	vsub.f32 v33, v13;
	v13 =	vsub.f32 v27, v15;
	v19 =	vld [tilespmem:s8+$0xFFFFFFD0]  }
0x288: {  	v21 =	vmul.f32 v17, v17;
	v20 =	vsub.f32 v29, v10;
	v10 =	vcvt.f32.s32 v12;
	v22 =	vld [tilespmem:s10+$0xFFFFFFF0]  }
0x289: {  	v24 =	vtrunc.f32 v24;
	v17 =	vperm.xlane v4, v7;
	v23 =	vld [tilespmem:s10+$0xFFFFFFD0]  }
0x28a: {  	v15 =	vcvt.f32.s32 v11;
	v12 =	vadd.s32 v2, v14;
	v25 =	vperm.xlane v4, v10;
	v14 =	vld [tilespmem:s10+$0x10]  }
0x28b: {  	v11 =	vperm.xlane v5, v7;
	v29 =	vperm.xlane v4, v8;
	v27 =	vsub.f32 v18, v17;
	v28 =	vld [tilespmem:s8+$0x30]  }
0x28c: {  	v18 =	vperm.xlane v5, v10;
	v17 =	vmul.f32 v13, v13;
	v19 =	vsub.f32 v19, v25;
	v30 =	vld [tilespmem:s10+$0x20]  }
.Ltmp10:
0x28d: {  	v32 =	vperm.xlane v5, v6;
	v31 =	vmul.f32 v20, v20;
	v13 =	vld [tilespmem:s10+$0xFFFFFFE0];
	v11 =	vsub.f32 v22, v11;
	(pc) =	sbr.rel @p1 .LBB2_18-.Ltmp10, $4  }
0x28e: {  	v26 =	vperm.xlane v4, v9;
	v23 =	vsub.f32 v23, v18;
	v20 =	vmul.f32 v19, v19;
	v25 =	vld [tilespmem:s8+$0x10]  }
0x28f: {  	v18 =	vcvt.f32.s32 v24;
	v19 =	vmul.f32 v11, v11;
	v22 =	vld [tilespmem:s8+$0x0];
	v11 =	vadd.s32 v2, v15  }
0x290: {  	v31 =	vadd.f32 v21, v31;
	v24 =	vmul.f32 v23, v23;
	v21 =	vld [tilespmem:s8+$0xFFFFFFE0];
	v29 =	vsub.f32 v28, v29  }
0x291: {  	s11 =	simm.s32 $0x0;
	v23 =	vmul.f32 v27, v27;
	v28 =	vperm.xlane v5, v9;
	v27 =	vld [tilespmem:s10+$0x0];
	v30 =	vsub.f32 v30, v32;
	s10 =	sadd.s32 $0x80, s10  }
0x292: {  	_ =	sdelay $0x3  }
0x293: {  	[tilespmem:v12+s2+$0x0] =	vst.idx.add.f32.msk $0xffff, v31  }
0x294: {  	v16 =	vmul.f32 v16, v16;
	v29 =	vmul.f32 v29, v29;
	v8 =	vadd.s32 v2, v8  }
0x295: {  	v55 =	vperm.xlane v5, v15;
	v56 =	vperm.xlane v4, v15;
	v6 =	vadd.s32 v2, v6  }
0x296: {  	v9 =	vadd.s32 v2, v9;
	v10 =	vadd.s32 v2, v10;
	v30 =	vmul.f32 v30, v30  }
0x297: {  	v7 =	vadd.s32 v2, v7;
	v59 =	vperm.xlane v4, v18;
	v17 =	vadd.f32 v17, v29  }
0x298: {  	v25 =	vsub.f32 v25, v26;
	[tilespmem:v12+s29+$0x0] =	vst.idx.add.f32.msk $0xffff, v3;
	v16 =	vadd.f32 v30, v16  }
0x299: {  	v62 =	vadd.f32 v24, v20;
	v14 =	vsub.f32 v14, v28;
	[tilespmem:v8+s2+$0x0] =	vst.idx.add.f32.msk $0xffff, v17  }
0x29a: {  	v15 =	vsub.f32 v22, v56;
	v25 =	vmul.f32 v25, v25;
	[tilespmem:v6+s2+$0x0] =	vst.idx.add.f32.msk $0xffff, v16  }
0x29b: {  	v14 =	vmul.f32 v14, v14;
	v57 =	vsub.f32 v27, v55;
	[tilespmem:v10+s2+$0x0] =	vst.idx.add.f32.msk $0xffff, v62  }
0x29c: {  	v60 =	vperm.xlane v5, v18;
	v15 =	vmul.f32 v15, v15;
	[tilespmem:v6+s29+$0x0] =	vst.idx.add.f32.msk $0xffff, v3  }
0x29d: {  	v14 =	vadd.f32 v14, v25;
	v58 =	vmul.f32 v57, v57;
	[tilespmem:v8+s29+$0x0] =	vst.idx.add.f32.msk $0xffff, v3  }
0x29e: {  	v13 =	vsub.f32 v13, v60;
	v6 =	vadd.f32 v19, v23;
	[tilespmem:v10+s29+$0x0] =	vst.idx.add.f32.msk $0xffff, v3  }
0x29f: {  	v61 =	vsub.f32 v21, v59;
	[tilespmem:v9+s2+$0x0] =	vst.idx.add.f32.msk $0xffff, v14;
	v12 =	vadd.f32 v58, v15  }
0x2a0: {  	v63 =	vadd.s32 v2, v18;
	[tilespmem:v7+s2+$0x0] =	vst.idx.add.f32.msk $0xffff, v6  }
0x2a1: {  	v6 =	vmul.f32 v13, v13;
	[tilespmem:v11+s2+$0x0] =	vst.idx.add.f32.msk $0xffff, v12;
	v12 =	vmul.f32 v61, v61  }
0x2a2: {  	[tilespmem:v9+s29+$0x0] =	vst.idx.add.f32.msk $0xffff, v3  }
0x2a3: {  	[tilespmem:v7+s29+$0x0] =	vst.idx.add.f32.msk $0xffff, v3;
	v6 =	vadd.f32 v6, v12  }
0x2a4: {  	[tilespmem:v11+s29+$0x0] =	vst.idx.add.f32.msk $0xffff, v3  }
0x2a5: {  	[tilespmem:v63+s2+$0x0] =	vst.idx.add.f32.msk $0xffff, v6  }
0x2a6: {  	[tilespmem:v63+s29+$0x0] =	vst.idx.add.f32.msk $0xffff, v3  }
.LBB2_20:
0x2a7: {  	s7 =	sshra.s32 s11, $0x2  }
0x2a8: {  	v6 =	vld [tilespmem:s7+$0xCC80];
	_ =	sdelay $0x3  }
0x2a9: {  	v7 =	vld [tilespmem:s7+$0x2880]  }
0x2aa: {  	v8 =	vld [tilespmem:s7+$0x7A80];
	v6 =	vtrunc.f32 v6  }
0x2ab: {  	v6 =	vcvt.f32.s32 v6;
	_ =	sdelay $0x1  }
0x2ac: {  	v9 =	vperm.xlane v4, v6;
	v10 =	vperm.xlane v5, v6;
	_ =	sdelay $0x1  }
0x2ad: {  	v7 =	vsub.f32 v7, v9;
	v8 =	vsub.f32 v8, v10  }
0x2ae: {  	v6 =	vadd.s32 v2, v6  }
0x2af: {  	p1 =	sne.s32 s11, $0x80;
	v7 =	vmul.f32 v7, v7;
	v8 =	vmul.f32 v8, v8  }
.Ltmp11:
0x2b0: {  	_ = 	snop;
	(pc) =	sbr.rel @p1 .LBB2_20-.Ltmp11, $3  }
0x2b1: {  	v7 =	vadd.f32 v8, v7;
	_ =	sdelay $0x1  }
0x2b2: {  	[tilespmem:v6+s2+$0x0] =	vst.idx.add.f32.msk $0xffff, v7  }
0x2b3: {  	s11 =	sadd.s32 $0x40, s11;
	[tilespmem:v6+s29+$0x0] =	vst.idx.add.f32.msk $0xffff, v3  }
0x2b4: {  	_ =	swait.ge [sflag:s5], $0x28B0  }
0x2b5: {  	[sflag:s5] =	ssyncset.done $0x0  }
0x2b6: {  	[sflag:s5] =	ssyncadd.s32 $0xFFFFD750  }
0x2b7: {  	_ =	swait.ge [sflag:s5], $0x28B0  }
0x2b8: {  	[sflag:s5] =	ssyncset.done $0x0  }
0x2b9: {  	[sflag:s5] =	ssyncadd.s32 $0xFFFFD750  }
0x2ba: {  	_ =	swait.ge [sflag:s5], $0x28B0  }
0x2bb: {  	[sflag:s5] =	ssyncset.done $0x0  }
0x2bc: {  	s7 =	simm.s32 $0xCD40;
	[sflag:s5] =	ssyncadd.s32 $0xFFFFD750  }
0x2bd: {  	v11 =	vld [tilespmem:s7+$0xFFFFFFE0]  }
0x2be: {  	v6 =	vld [tilespmem:s7+$0xFFFFFFC0]  }
0x2bf: {  	v7 =	vld [tilespmem:s7+$0x20]  }
0x2c0: {  	v9 =	vld [tilespmem:s7+$0x10]  }
0x2c1: {  	v12 =	vld [tilespmem:s7+$0x0]  }
0x2c2: {  	v10 =	vld [tilespmem:s7+$0xFFFFFFF0]  }
0x2c3: {  	v8 =	vld [tilespmem:s7+$0x30];
	_ =	sdelay $0x1  }
0x2c4: {  	s8 =	simm.s32 $0x2940;
	v6 =	vtrunc.f32 v6;
	v7 =	vtrunc.f32 v7  }
0x2c5: {  	s10 =	simm.s32 $0x7B40;
	v13 =	vld [tilespmem:s8+$0x20];
	v9 =	vtrunc.f32 v9;
	v19 =	vtrunc.f32 v12  }
0x2c6: {  	v15 =	vld [tilespmem:s10+$0xFFFFFFC0];
	v10 =	vtrunc.f32 v10;
	v11 =	vtrunc.f32 v11  }
0x2c7: {  	v16 =	vld [tilespmem:s7+$0xFFFFFFD0];
	v14 =	vcvt.f32.s32 v6;
	v6 =	vtrunc.f32 v8  }
0x2c8: {  	v18 =	vld [tilespmem:s8+$0xFFFFFFC0];
	v9 =	vcvt.f32.s32 v9;
	v8 =	vcvt.f32.s32 v6  }
0x2c9: {  	v17 =	vld [tilespmem:s10+$0x30];
	v6 =	vcvt.f32.s32 v7;
	v7 =	vperm.xlane v5, v14  }
0x2ca: {  	v28 =	vld [tilespmem:s8+$0x30];
	v21 =	vperm.xlane v4, v14;
	v26 =	vperm.xlane v4, v9  }
0x2cb: {  	v22 =	vld [tilespmem:s8+$0xFFFFFFF0];
	v12 =	vperm.xlane v4, v6;
	v20 =	vperm.xlane v5, v8  }
0x2cc: {  	v23 =	vld [tilespmem:s8+$0xFFFFFFD0];
	v29 =	vperm.xlane v4, v8;
	v32 =	vperm.xlane v5, v6;
	v15 =	vsub.f32 v15, v7  }
0x2cd: {  	v30 =	vld [tilespmem:s10+$0x20];
	v7 =	vcvt.f32.s32 v10;
	v10 =	vtrunc.f32 v16;
	v18 =	vsub.f32 v18, v21  }
0x2ce: {  	v21 =	vld [tilespmem:s10+$0xFFFFFFD0];
	v16 =	vsub.f32 v13, v12;
	v13 =	vsub.f32 v17, v20;
	v10 =	vcvt.f32.s32 v10  }
0x2cf: {  	v20 =	vld [tilespmem:s10+$0xFFFFFFF0];
	v29 =	vsub.f32 v28, v29;
	v28 =	vperm.xlane v5, v9;
	v17 =	vperm.xlane v4, v7  }
0x2d0: {  	v12 =	vadd.s32 v2, v14;
	v24 =	vmul.f32 v15, v15;
	v15 =	vcvt.f32.s32 v19  }
0x2d1: {  	v14 =	vld [tilespmem:s10+$0x10];
	v25 =	vperm.xlane v4, v10;
	v27 =	vsub.f32 v22, v17;
	v22 =	vperm.xlane v5, v10  }
0x2d2: {  	v19 =	vperm.xlane v5, v7;
	v17 =	vmul.f32 v13, v13;
	v13 =	vld [tilespmem:s10+$0xFFFFFFE0]  }
0x2d3: {  	v31 =	vmul.f32 v18, v18;
	v23 =	vsub.f32 v23, v25;
	v25 =	vld [tilespmem:s8+$0x10];
	v21 =	vsub.f32 v21, v22  }
0x2d4: {  	v30 =	vsub.f32 v30, v32;
	v18 =	vcvt.f32.s32 v11;
	v19 =	vsub.f32 v20, v19;
	v22 =	vld [tilespmem:s8+$0x0]  }
0x2d5: {  	v31 =	vadd.f32 v24, v31;
	v20 =	vmul.f32 v23, v23;
	v24 =	vmul.f32 v21, v21;
	v21 =	vld [tilespmem:s8+$0xFFFFFFE0]  }
0x2d6: {  	s9 =	simm.s32 $0x0;
	v11 =	vadd.s32 v2, v15;
	v23 =	vmul.f32 v27, v27;
	v27 =	vld [tilespmem:s10+$0x0];
	s10 =	simm.s32 $0x7BC0;
	v19 =	vmul.f32 v19, v19  }
.LBB2_22:
0x2d7: {  	s9 =	sadd.s32 $0x8, s9;
	[tilespmem:v12+s2+$0x0] =	vst.idx.add.f32.msk $0xffff, v31;
	v20 =	vadd.f32 v24, v20;
	v16 =	vmul.f32 v16, v16;
	s7 =	sadd.s32 $0x80, s7;
	s8 =	sadd.s32 $0x80, s8  }
0x2d8: {  	v31 =	vperm.xlane v4, v18;
	v24 =	vld [tilespmem:s7+$0xFFFFFFE0];
	p1 =	slt.u32 s9, $0x280;
	v25 =	vsub.f32 v25, v26;
	v26 =	vmul.f32 v29, v29  }
0x2d9: {  	v32 =	vperm.xlane v5, v15;
	v30 =	vmul.f32 v30, v30;
	v29 =	vld [tilespmem:s8+$0xFFFFFFC0]  }
0x2da: {  	v34 =	vperm.xlane v5, v18;
	v18 =	vadd.s32 v2, v18;
	v33 =	vld [tilespmem:s8+$0x20];
	v21 =	vsub.f32 v21, v31  }
0x2db: {  	v15 =	vperm.xlane v4, v15;
	v19 =	vadd.f32 v19, v23;
	v31 =	vld [tilespmem:s7+$0xFFFFFFD0];
	v23 =	vsub.f32 v27, v32  }
0x2dc: {  	v14 =	vsub.f32 v14, v28;
	v16 =	vadd.f32 v30, v16;
	v27 =	vld [tilespmem:s10+$0x30]  }
0x2dd: {  	v15 =	vsub.f32 v22, v15;
	v17 =	vadd.f32 v17, v26;
	v28 =	vld [tilespmem:s7+$0xFFFFFFF0]  }
0x2de: {  	v13 =	vsub.f32 v13, v34;
	v25 =	vmul.f32 v25, v25;
	v14 =	vmul.f32 v14, v14;
	v22 =	vld [tilespmem:s7+$0xFFFFFFC0]  }
0x2df: {  	v8 =	vadd.s32 v2, v8;
	v15 =	vmul.f32 v15, v15;
	v26 =	vld [tilespmem:s7+$0x20]  }
0x2e0: {  	v13 =	vmul.f32 v13, v13;
	v14 =	vadd.f32 v14, v25;
	v30 =	vld [tilespmem:s7+$0x10]  }
0x2e1: {  	v6 =	vadd.s32 v2, v6;
	v25 =	vld [tilespmem:s7+$0x0]  }
0x2e2: {  	v9 =	vadd.s32 v2, v9;
	v32 =	vld [tilespmem:s7+$0x30]  }
0x2e3: {  	v34 =	vld [tilespmem:s10+$0xFFFFFFC0]  }
0x2e4: {  	[tilespmem:v8+s2+$0x0] =	vst.idx.add.f32.msk $0xffff, v17  }
0x2e5: {  	[tilespmem:v12+s29+$0x0] =	vst.idx.add.f32.msk $0xffff, v3;
	v12 =	vmul.f32 v23, v23  }
0x2e6: {  	v7 =	vadd.s32 v2, v7;
	[tilespmem:v6+s2+$0x0] =	vst.idx.add.f32.msk $0xffff, v16  }
0x2e7: {  	v12 =	vadd.f32 v12, v15;
	[tilespmem:v9+s2+$0x0] =	vst.idx.add.f32.msk $0xffff, v14  }
0x2e8: {  	v10 =	vadd.s32 v2, v10;
	[tilespmem:v6+s29+$0x0] =	vst.idx.add.f32.msk $0xffff, v3  }
0x2e9: {  	[tilespmem:v11+s2+$0x0] =	vst.idx.add.f32.msk $0xffff, v12  }
0x2ea: {  	[tilespmem:v8+s29+$0x0] =	vst.idx.add.f32.msk $0xffff, v3  }
0x2eb: {  	[tilespmem:v7+s2+$0x0] =	vst.idx.add.f32.msk $0xffff, v19  }
0x2ec: {  	v6 =	vtrunc.f32 v22;
	v12 =	vmul.f32 v21, v21;
	[tilespmem:v7+s29+$0x0] =	vst.idx.add.f32.msk $0xffff, v3  }
0x2ed: {  	v14 =	vcvt.f32.s32 v6;
	v6 =	vtrunc.f32 v32;
	[tilespmem:v10+s2+$0x0] =	vst.idx.add.f32.msk $0xffff, v20  }
0x2ee: {  	v8 =	vcvt.f32.s32 v6;
	v12 =	vadd.f32 v13, v12;
	v7 =	vtrunc.f32 v26;
	[tilespmem:v9+s29+$0x0] =	vst.idx.add.f32.msk $0xffff, v3  }
0x2ef: {  	v6 =	vcvt.f32.s32 v7;
	v9 =	vtrunc.f32 v30;
	[tilespmem:v11+s29+$0x0] =	vst.idx.add.f32.msk $0xffff, v3  }
0x2f0: {  	v7 =	vperm.xlane v5, v14;
	v11 =	vtrunc.f32 v25;
	[tilespmem:v18+s2+$0x0] =	vst.idx.add.f32.msk $0xffff, v12  }
0x2f1: {  	v9 =	vcvt.f32.s32 v9;
	v12 =	vtrunc.f32 v28;
	[tilespmem:v18+s29+$0x0] =	vst.idx.add.f32.msk $0xffff, v3  }
0x2f2: {  	v15 =	vperm.xlane v5, v8;
	v13 =	vperm.xlane v4, v6;
	[tilespmem:v10+s29+$0x0] =	vst.idx.add.f32.msk $0xffff, v3  }
0x2f3: {  	v17 =	vsub.f32 v34, v7;
	v7 =	vcvt.f32.s32 v12;
	v10 =	vperm.xlane v4, v14;
	v18 =	vld [tilespmem:s8+$0xFFFFFFF0]  }
0x2f4: {  	v12 =	vtrunc.f32 v31;
	v16 =	vsub.f32 v33, v13;
	v13 =	vsub.f32 v27, v15;
	v19 =	vld [tilespmem:s8+$0xFFFFFFD0]  }
0x2f5: {  	v21 =	vmul.f32 v17, v17;
	v20 =	vsub.f32 v29, v10;
	v10 =	vcvt.f32.s32 v12;
	v22 =	vld [tilespmem:s10+$0xFFFFFFF0]  }
0x2f6: {  	v24 =	vtrunc.f32 v24;
	v17 =	vperm.xlane v4, v7;
	v23 =	vld [tilespmem:s10+$0xFFFFFFD0]  }
0x2f7: {  	v15 =	vcvt.f32.s32 v11;
	v12 =	vadd.s32 v2, v14;
	v25 =	vperm.xlane v4, v10;
	v14 =	vld [tilespmem:s10+$0x10]  }
0x2f8: {  	v11 =	vperm.xlane v5, v7;
	v29 =	vperm.xlane v4, v8;
	v27 =	vsub.f32 v18, v17;
	v28 =	vld [tilespmem:s8+$0x30]  }
0x2f9: {  	v18 =	vperm.xlane v5, v10;
	v17 =	vmul.f32 v13, v13;
	v19 =	vsub.f32 v19, v25;
	v30 =	vld [tilespmem:s10+$0x20]  }
.Ltmp12:
0x2fa: {  	v32 =	vperm.xlane v5, v6;
	v31 =	vmul.f32 v20, v20;
	v13 =	vld [tilespmem:s10+$0xFFFFFFE0];
	v11 =	vsub.f32 v22, v11;
	(pc) =	sbr.rel @p1 .LBB2_22-.Ltmp12, $4  }
0x2fb: {  	v26 =	vperm.xlane v4, v9;
	v23 =	vsub.f32 v23, v18;
	v20 =	vmul.f32 v19, v19;
	v25 =	vld [tilespmem:s8+$0x10]  }
0x2fc: {  	v18 =	vcvt.f32.s32 v24;
	v19 =	vmul.f32 v11, v11;
	v22 =	vld [tilespmem:s8+$0x0];
	v11 =	vadd.s32 v2, v15  }
0x2fd: {  	v31 =	vadd.f32 v21, v31;
	v24 =	vmul.f32 v23, v23;
	v21 =	vld [tilespmem:s8+$0xFFFFFFE0];
	v29 =	vsub.f32 v28, v29  }
0x2fe: {  	s11 =	simm.s32 $0x0;
	v23 =	vmul.f32 v27, v27;
	v28 =	vperm.xlane v5, v9;
	v27 =	vld [tilespmem:s10+$0x0];
	v30 =	vsub.f32 v30, v32;
	s10 =	sadd.s32 $0x80, s10  }
0x2ff: {  	_ =	sdelay $0x3  }
0x300: {  	[tilespmem:v12+s2+$0x0] =	vst.idx.add.f32.msk $0xffff, v31  }
0x301: {  	v16 =	vmul.f32 v16, v16;
	v29 =	vmul.f32 v29, v29;
	v8 =	vadd.s32 v2, v8  }
0x302: {  	v55 =	vperm.xlane v5, v15;
	v56 =	vperm.xlane v4, v15;
	v6 =	vadd.s32 v2, v6  }
0x303: {  	v9 =	vadd.s32 v2, v9;
	v10 =	vadd.s32 v2, v10;
	v30 =	vmul.f32 v30, v30  }
0x304: {  	v7 =	vadd.s32 v2, v7;
	v59 =	vperm.xlane v4, v18;
	v17 =	vadd.f32 v17, v29  }
0x305: {  	v25 =	vsub.f32 v25, v26;
	[tilespmem:v12+s29+$0x0] =	vst.idx.add.f32.msk $0xffff, v3;
	v16 =	vadd.f32 v30, v16  }
0x306: {  	v62 =	vadd.f32 v24, v20;
	v14 =	vsub.f32 v14, v28;
	[tilespmem:v8+s2+$0x0] =	vst.idx.add.f32.msk $0xffff, v17  }
0x307: {  	v15 =	vsub.f32 v22, v56;
	v25 =	vmul.f32 v25, v25;
	[tilespmem:v6+s2+$0x0] =	vst.idx.add.f32.msk $0xffff, v16  }
0x308: {  	v14 =	vmul.f32 v14, v14;
	v57 =	vsub.f32 v27, v55;
	[tilespmem:v10+s2+$0x0] =	vst.idx.add.f32.msk $0xffff, v62  }
0x309: {  	v60 =	vperm.xlane v5, v18;
	v15 =	vmul.f32 v15, v15;
	[tilespmem:v6+s29+$0x0] =	vst.idx.add.f32.msk $0xffff, v3  }
0x30a: {  	v14 =	vadd.f32 v14, v25;
	v58 =	vmul.f32 v57, v57;
	[tilespmem:v8+s29+$0x0] =	vst.idx.add.f32.msk $0xffff, v3  }
0x30b: {  	v13 =	vsub.f32 v13, v60;
	v6 =	vadd.f32 v19, v23;
	[tilespmem:v10+s29+$0x0] =	vst.idx.add.f32.msk $0xffff, v3  }
0x30c: {  	v61 =	vsub.f32 v21, v59;
	[tilespmem:v9+s2+$0x0] =	vst.idx.add.f32.msk $0xffff, v14;
	v12 =	vadd.f32 v58, v15  }
0x30d: {  	v63 =	vadd.s32 v2, v18;
	[tilespmem:v7+s2+$0x0] =	vst.idx.add.f32.msk $0xffff, v6  }
0x30e: {  	v6 =	vmul.f32 v13, v13;
	[tilespmem:v11+s2+$0x0] =	vst.idx.add.f32.msk $0xffff, v12;
	v12 =	vmul.f32 v61, v61  }
0x30f: {  	[tilespmem:v9+s29+$0x0] =	vst.idx.add.f32.msk $0xffff, v3  }
0x310: {  	[tilespmem:v7+s29+$0x0] =	vst.idx.add.f32.msk $0xffff, v3;
	v6 =	vadd.f32 v6, v12  }
0x311: {  	[tilespmem:v11+s29+$0x0] =	vst.idx.add.f32.msk $0xffff, v3  }
0x312: {  	[tilespmem:v63+s2+$0x0] =	vst.idx.add.f32.msk $0xffff, v6  }
0x313: {  	[tilespmem:v63+s29+$0x0] =	vst.idx.add.f32.msk $0xffff, v3  }
.LBB2_24:
0x314: {  	s7 =	sshra.s32 s11, $0x2  }
0x315: {  	v6 =	vld [tilespmem:s7+$0xF580];
	_ =	sdelay $0x3  }
0x316: {  	v7 =	vld [tilespmem:s7+$0x5180]  }
0x317: {  	v8 =	vld [tilespmem:s7+$0xA380];
	v6 =	vtrunc.f32 v6  }
0x318: {  	v6 =	vcvt.f32.s32 v6;
	_ =	sdelay $0x1  }
0x319: {  	v9 =	vperm.xlane v4, v6;
	v10 =	vperm.xlane v5, v6;
	_ =	sdelay $0x1  }
0x31a: {  	v7 =	vsub.f32 v7, v9;
	v8 =	vsub.f32 v8, v10  }
0x31b: {  	v6 =	vadd.s32 v2, v6  }
0x31c: {  	p1 =	sne.s32 s11, $0x80;
	v7 =	vmul.f32 v7, v7;
	v8 =	vmul.f32 v8, v8  }
.Ltmp13:
0x31d: {  	_ = 	snop;
	(pc) =	sbr.rel @p1 .LBB2_24-.Ltmp13, $3  }
0x31e: {  	v7 =	vadd.f32 v8, v7;
	_ =	sdelay $0x1  }
0x31f: {  	[tilespmem:v6+s2+$0x0] =	vst.idx.add.f32.msk $0xffff, v7  }
0x320: {  	s11 =	sadd.s32 $0x40, s11;
	[tilespmem:v6+s29+$0x0] =	vst.idx.add.f32.msk $0xffff, v3  }
.Ltmp14:
0x321: {  	(pc) =	sbr.rel @p0 .LBB2_27-.Ltmp14, $2  }
0x322: {  	_ =	sdelay $0x2  }
0x323: {  	s8 =	simm.s32 $0xF600  }
0x324: {  	s7 =	rddreg [dreg:$0xb]  }
0x325: {  	[tilespmem:s31], [sflag:$0x3] =	stream.linear.gather [hbm4b:s7+s3], $0x80, $0x38;
	[tilespmem:$0xF980] =	vst v63  }
0x326: {  	_ =	swait.ge [sflag:s30], $0x80  }
0x327: {  	[sflag:s30] =	ssyncset.done $0x0  }
0x328: {  	s10 =	rddreg [dreg:$0xc];
	[sflag:s30] =	ssyncadd.s32 $0xFFFFFF80  }
0x329: {  	[tilespmem:s3], [sflag:$0x3] =	stream.linear.gather [hbm4b:s10+s3], $0x80, $0x38;
	[tilespmem:$0xF980] =	vst v63  }
0x32a: {  	_ =	swait.ge [sflag:s30], $0x80  }
0x32b: {  	[sflag:s30] =	ssyncset.done $0x0  }
0x32c: {  	s11 =	rddreg [dreg:$0xd];
	[sflag:s30] =	ssyncadd.s32 $0xFFFFFF80  }
0x32d: {  	[tilespmem:s1], [sflag:$0x3] =	stream.linear.gather [hbm4b:s11+s3], $0x80, $0x38;
	[tilespmem:$0xF980] =	vst v63  }
0x32e: {  	_ =	swait.ge [sflag:s30], $0x80  }
0x32f: {  	[sflag:s30] =	ssyncset.done $0x0  }
0x330: {  	[sflag:s30] =	ssyncadd.s32 $0xFFFFFF80  }
0x331: {  	v6 =	vld [tilespmem:$0xA400];
	_ =	sdelay $0x3  }
0x332: {  	v7 =	vld [tilespmem:$0x0]  }
0x333: {  	v8 =	vld [tilespmem:$0x5200];
	v6 =	vtrunc.f32 v6  }
0x334: {  	v6 =	vcvt.f32.s32 v6;
	_ =	sdelay $0x1  }
0x335: {  	v9 =	vperm.xlane v4, v6;
	v10 =	vperm.xlane v5, v6;
	_ =	sdelay $0x1  }
0x336: {  	v7 =	vsub.f32 v7, v9;
	v8 =	vsub.f32 v8, v10  }
0x337: {  	v6 =	vadd.s32 v2, v6  }
0x338: {  	v7 =	vmul.f32 v7, v7;
	v8 =	vmul.f32 v8, v8;
	_ =	sdelay $0x1  }
0x339: {  	v7 =	vadd.f32 v8, v7;
	_ =	sdelay $0x1  }
0x33a: {  	[tilespmem:v6+s2+$0x0] =	vst.idx.add.f32.msk $0xffff, v7  }
0x33b: {  	[tilespmem:v6+s29+$0x0] =	vst.idx.add.f32.msk $0xffff, v3  }
0x33c: {  	v6 =	vld [tilespmem:$0xA410];
	_ =	sdelay $0x3  }
0x33d: {  	v7 =	vld [tilespmem:$0x10]  }
0x33e: {  	v45 =	vld [tilespmem:$0x5210];
	v6 =	vtrunc.f32 v6  }
0x33f: {  	v6 =	vcvt.f32.s32 v6;
	_ =	sdelay $0x1  }
0x340: {  	v46 =	vperm.xlane v4, v6;
	v47 =	vperm.xlane v5, v6;
	_ =	sdelay $0x1  }
0x341: {  	v7 =	vsub.f32 v7, v46;
	v8 =	vsub.f32 v45, v47  }
0x342: {  	v6 =	vadd.s32 v2, v6  }
0x343: {  	v7 =	vmul.f32 v7, v7;
	v8 =	vmul.f32 v8, v8;
	_ =	sdelay $0x1  }
0x344: {  	v7 =	vadd.f32 v8, v7;
	_ =	sdelay $0x1  }
0x345: {  	[tilespmem:v6+s2+$0x0] =	vst.idx.add.f32.msk $0xffff, v7  }
0x346: {  	[tilespmem:v6+s29+$0x0] =	vst.idx.add.f32.msk $0xffff, v3  }
0x347: {  	v6 =	vld [tilespmem:$0xA420];
	_ =	sdelay $0x3  }
0x348: {  	v7 =	vld [tilespmem:$0x20]  }
0x349: {  	v48 =	vld [tilespmem:$0x5220];
	v6 =	vtrunc.f32 v6  }
0x34a: {  	v6 =	vcvt.f32.s32 v6;
	_ =	sdelay $0x1  }
0x34b: {  	v49 =	vperm.xlane v4, v6;
	v50 =	vperm.xlane v5, v6;
	_ =	sdelay $0x1  }
0x34c: {  	v7 =	vsub.f32 v7, v49;
	v8 =	vsub.f32 v48, v50  }
0x34d: {  	v6 =	vadd.s32 v2, v6  }
0x34e: {  	v7 =	vmul.f32 v7, v7;
	v8 =	vmul.f32 v8, v8;
	_ =	sdelay $0x1  }
0x34f: {  	v7 =	vadd.f32 v8, v7;
	_ =	sdelay $0x1  }
0x350: {  	[tilespmem:v6+s2+$0x0] =	vst.idx.add.f32.msk $0xffff, v7  }
0x351: {  	[tilespmem:v6+s29+$0x0] =	vst.idx.add.f32.msk $0xffff, v3  }
0x352: {  	v6 =	vld [tilespmem:$0xA430];
	_ =	sdelay $0x3  }
0x353: {  	v7 =	vld [tilespmem:$0x30]  }
0x354: {  	v51 =	vld [tilespmem:$0x5230];
	v6 =	vtrunc.f32 v6  }
0x355: {  	v6 =	vcvt.f32.s32 v6;
	_ =	sdelay $0x1  }
0x356: {  	v52 =	vperm.xlane v4, v6;
	v53 =	vperm.xlane v5, v6;
	_ =	sdelay $0x1  }
0x357: {  	v7 =	vsub.f32 v7, v52;
	v8 =	vsub.f32 v51, v53  }
0x358: {  	v6 =	vadd.s32 v2, v6  }
0x359: {  	v7 =	vmul.f32 v7, v7;
	v8 =	vmul.f32 v8, v8;
	_ =	sdelay $0x1  }
0x35a: {  	v7 =	vadd.f32 v8, v7;
	_ =	sdelay $0x1  }
0x35b: {  	[tilespmem:v6+s2+$0x0] =	vst.idx.add.f32.msk $0xffff, v7  }
0x35c: {  	[tilespmem:v6+s29+$0x0] =	vst.idx.add.f32.msk $0xffff, v3  }
0x35d: {  	v6 =	vld [tilespmem:$0xA440];
	_ =	sdelay $0x3  }
0x35e: {  	v7 =	vld [tilespmem:$0x40]  }
0x35f: {  	v54 =	vld [tilespmem:$0x5240];
	v6 =	vtrunc.f32 v6  }
0x360: {  	v6 =	vcvt.f32.s32 v6;
	_ =	sdelay $0x1  }
0x361: {  	v55 =	vperm.xlane v4, v6;
	v56 =	vperm.xlane v5, v6;
	_ =	sdelay $0x1  }
0x362: {  	v7 =	vsub.f32 v7, v55;
	v8 =	vsub.f32 v54, v56  }
0x363: {  	v6 =	vadd.s32 v2, v6  }
0x364: {  	v7 =	vmul.f32 v7, v7;
	v8 =	vmul.f32 v8, v8;
	_ =	sdelay $0x1  }
0x365: {  	v7 =	vadd.f32 v8, v7;
	_ =	sdelay $0x1  }
0x366: {  	[tilespmem:v6+s2+$0x0] =	vst.idx.add.f32.msk $0xffff, v7  }
0x367: {  	[tilespmem:v6+s29+$0x0] =	vst.idx.add.f32.msk $0xffff, v3  }
0x368: {  	v6 =	vld [tilespmem:$0xA450];
	_ =	sdelay $0x3  }
0x369: {  	v7 =	vld [tilespmem:$0x50]  }
0x36a: {  	v57 =	vld [tilespmem:$0x5250];
	v6 =	vtrunc.f32 v6  }
0x36b: {  	v6 =	vcvt.f32.s32 v6;
	_ =	sdelay $0x1  }
0x36c: {  	v58 =	vperm.xlane v4, v6;
	v59 =	vperm.xlane v5, v6;
	_ =	sdelay $0x1  }
0x36d: {  	v7 =	vsub.f32 v7, v58;
	v8 =	vsub.f32 v57, v59  }
0x36e: {  	v6 =	vadd.s32 v2, v6  }
0x36f: {  	v7 =	vmul.f32 v7, v7;
	v8 =	vmul.f32 v8, v8;
	_ =	sdelay $0x1  }
0x370: {  	v7 =	vadd.f32 v8, v7;
	_ =	sdelay $0x1  }
0x371: {  	[tilespmem:v6+s2+$0x0] =	vst.idx.add.f32.msk $0xffff, v7  }
0x372: {  	[tilespmem:v6+s29+$0x0] =	vst.idx.add.f32.msk $0xffff, v3  }
0x373: {  	v6 =	vld [tilespmem:$0xA460];
	_ =	sdelay $0x3  }
0x374: {  	v7 =	vld [tilespmem:$0x60]  }
0x375: {  	v60 =	vld [tilespmem:$0x5260];
	v6 =	vtrunc.f32 v6  }
0x376: {  	v6 =	vcvt.f32.s32 v6;
	_ =	sdelay $0x1  }
0x377: {  	v61 =	vperm.xlane v4, v6;
	v62 =	vperm.xlane v5, v6;
	_ =	sdelay $0x1  }
0x378: {  	v7 =	vsub.f32 v7, v61;
	v8 =	vsub.f32 v60, v62  }
0x379: {  	v6 =	vadd.s32 v2, v6  }
0x37a: {  	v7 =	vmul.f32 v7, v7;
	v8 =	vmul.f32 v8, v8;
	_ =	sdelay $0x1  }
0x37b: {  	v7 =	vadd.f32 v8, v7;
	_ =	sdelay $0x1  }
0x37c: {  	[tilespmem:v6+s2+$0x0] =	vst.idx.add.f32.msk $0xffff, v7  }
0x37d: {  	[tilespmem:v6+s29+$0x0] =	vst.idx.add.f32.msk $0xffff, v3  }
0x37e: {  	v6 =	vld [tilespmem:$0xA470];
	_ =	sdelay $0x3  }
0x37f: {  	v7 =	vld [tilespmem:$0x70]  }
0x380: {  	v63 =	vld [tilespmem:$0x5270];
	v6 =	vtrunc.f32 v6  }
0x381: {  	v6 =	vcvt.f32.s32 v6;
	_ =	sdelay $0x1  }
0x382: {  	v4 =	vperm.xlane v4, v6;
	v5 =	vperm.xlane v5, v6;
	_ =	sdelay $0x1  }
0x383: {  	v4 =	vsub.f32 v7, v4;
	v5 =	vsub.f32 v63, v5  }
0x384: {  	v6 =	vadd.s32 v2, v6  }
0x385: {  	v4 =	vmul.f32 v4, v4;
	v5 =	vmul.f32 v5, v5  }
.Ltmp15:
0x386: {  	_ = 	snop;
	(pc) =	sbr.rel .LBB2_27-.Ltmp15, $3  }
0x387: {  	v4 =	vadd.f32 v5, v4;
	_ =	sdelay $0x1  }
0x388: {  	[tilespmem:v6+s2+$0x0] =	vst.idx.add.f32.msk $0xffff, v4  }
0x389: {  	[tilespmem:v6+s29+$0x0] =	vst.idx.add.f32.msk $0xffff, v3  }
.LBB2_28:
0x38a: {  	_ =	sfence.sel $0x180000  }
0x38b: {  	[bflag:$0x0] =	sbarrier.arrive $0xFFFF  }
0x38c: {  	_ =	strace $0x90000047  }
0x38d: {  	s0 =	stileid.u32;
	[bflag:$0x2] =	sbarrier.arrive $0xFFFF  }
0x38e: {  	p0 =	sne.s32 s0, $0x0;
	s0 =	rddreg [dreg:$0x3]  }
0x38f: {  	s0 =	sadd.s32 @!p0 $0x100000, s0  }
0x390: {  	[sflag:s0] =	ssyncadd.tile.s32 @!p0 $0x1;
	_ =	shalt  }
.Lfunc_end2:
_tile_overlayer_lowered:
.L_overlay_start_2:
0x391: {  	(tag) =	ssettag $0x2  }
0x392: {  	s0 =	rddreg [dreg:$0x0];
	s2 =	stileid.u32  }
0x393: {  	s1 =	rddreg [dreg:$0x1];
	p0 =	sne.s32 s2, $0x0  }
0x394: {  	s3 =	rddreg [dreg:$0x2];
	[bflag:$0x3] =	sbarrier.arrive $0xFFFF;
	s2 =	simm.s32 @!p0 $0x1C03  }
0x395: {  	[timem:s3], [sflag:s2] =	dma.local @!p0 [hbm:s0], s1  }
0x396: {  	s0 =	simm.s32 @!p0 $0x3  }
0x397: {  	_ =	swait.ge @!p0 [sflag:s0], s1  }
0x398: {  	s1 =	ssub.s32 @!p0 $0x0, s1;
	[sflag:s0] =	ssyncset.done @!p0 $0x0  }
0x399: {  	[sflag:s0] =	ssyncadd.s32 @!p0 s1  }
0x39a: {  	[bflag:$0x3] =	sbarrier.arrive $0xFFFF  }
0x39b: {  	_ =	shalt  }

</sc_bundles>
